<compile_context>
chip_gen: v7x
topology: tpu7x:2x2x1
jax: 0.10.2.dev20260603
libtpu: 0.0.44.dev20260713+nightly
codegen_flags: <defaults>
</compile_context>

<pallas_src>
import functools

import jax
import jax.numpy as jnp
from jax import lax
from jax.experimental import pallas as pl
from jax.experimental.pallas import tpu as pltpu
from jax.experimental.pallas import tpu_sc as plsc

N_NODES = 10000
N_EDGES = 320000
IN_DIM = 128
HIDDEN = 32

NC = 2
NS = 16
NW = NC * NS
CHUNK = 500
EDGE_ROWS = N_EDGES // CHUNK
ROWS_PER_TILE = EDGE_ROWS // NW
N_PAD = 10240
NODE_SLICE = N_PAD // NS
DEG_W = 8

_MESH = plsc.VectorSubcoreMesh(core_axis_name="c", subcore_axis_name="s")



GRP = 2


@functools.partial(
    pl.kernel,
    mesh=_MESH,
    out_type=jax.ShapeDtypeStruct((NC, N_PAD, HIDDEN), jnp.float32),
    scratch_types=[
        pltpu.VMEM((ROWS_PER_TILE, CHUNK), jnp.int32),
        pltpu.VMEM((ROWS_PER_TILE, CHUNK), jnp.int32),
        pltpu.VMEM((2 * GRP, CHUNK, HIDDEN), jnp.float32),
        pltpu.VMEM_SHARED((N_PAD, HIDDEN), jnp.float32),
        pltpu.SemaphoreType.DMA,
        pltpu.SemaphoreType.DMA,
    ],
    compiler_params=pltpu.CompilerParams(use_tc_tiling_on_sc=False),
)
def _sc_aggregate(edges_hbm, hs_hbm, zero_hbm, out_hbm,
                  src_v, dst_v, rows_v, acc, gsem, ssem):
    c = lax.axis_index("c")
    s = lax.axis_index("s")
    w = s * NC + c
    pltpu.async_copy(edges_hbm.at[0, pl.ds(w * ROWS_PER_TILE, ROWS_PER_TILE)],
                     src_v, gsem)
    pltpu.async_copy(edges_hbm.at[1, pl.ds(w * ROWS_PER_TILE, ROWS_PER_TILE)],
                     dst_v, gsem)
    pltpu.async_copy(zero_hbm, acc.at[pl.ds(s * NODE_SLICE, NODE_SLICE)], gsem)
    pltpu.make_async_copy(edges_hbm.at[0, pl.ds(0, ROWS_PER_TILE)], src_v, gsem).wait()
    pltpu.make_async_copy(edges_hbm.at[1, pl.ds(0, ROWS_PER_TILE)], dst_v, gsem).wait()
    pltpu.make_async_copy(zero_hbm, acc.at[pl.ds(0, NODE_SLICE)], gsem).wait()

    def gather(j, b):
        pltpu.async_copy(hs_hbm.at[src_v.at[j]], rows_v.at[b], gsem)

    def gather_wait(b):
        pltpu.make_async_copy(hs_hbm.at[src_v.at[0]], rows_v.at[b], gsem).wait()

    def scatter(j, b):
        pltpu.async_copy(rows_v.at[b], acc.at[dst_v.at[j]], ssem, add=True)

    def scatter_wait(b):
        pltpu.make_async_copy(rows_v.at[b], acc.at[dst_v.at[0]], ssem).wait()

    for b in range(GRP):
        gather(b, b)
    plsc.subcore_barrier()

    def body(g, carry):
        j0 = g * 2 * GRP
        for b in range(GRP):
            gather_wait(b)
        @pl.when(g >= 1)
        def _():
            for b in range(GRP):
                scatter_wait(GRP + b)
        for b in range(GRP):
            gather(j0 + GRP + b, GRP + b)
        for b in range(GRP):
            scatter(j0 + b, b)
        for b in range(GRP):
            gather_wait(GRP + b)
        for b in range(GRP):
            scatter_wait(b)
        @pl.when(g < (ROWS_PER_TILE // (2 * GRP)) - 1)
        def _():
            for b in range(GRP):
                gather(j0 + 2 * GRP + b, b)
        for b in range(GRP):
            scatter(j0 + GRP + b, GRP + b)
        return carry

    lax.fori_loop(0, ROWS_PER_TILE // (2 * GRP), body, 0)
    for b in range(GRP):
        scatter_wait(GRP + b)
    plsc.subcore_barrier()
    pltpu.sync_copy(acc.at[pl.ds(s * NODE_SLICE, NODE_SLICE)],
                    out_hbm.at[c, pl.ds(s * NODE_SLICE, NODE_SLICE)])


@functools.partial(
    pl.kernel,
    mesh=_MESH,
    out_type=jax.ShapeDtypeStruct((NC, N_PAD, DEG_W), jnp.float32),
    scratch_types=[
        pltpu.VMEM((ROWS_PER_TILE, CHUNK), jnp.int32),
        pltpu.VMEM((CHUNK, DEG_W), jnp.float32),
        pltpu.VMEM_SHARED((N_PAD, DEG_W), jnp.float32),
        pltpu.SemaphoreType.DMA,
    ],
    compiler_params=pltpu.CompilerParams(use_tc_tiling_on_sc=False),
)
def _sc_degree(edges_hbm, ones_hbm, zero_hbm, out_hbm, dst_v, ones_v, acc, ssem):
    c = lax.axis_index("c")
    s = lax.axis_index("s")
    w = s * NC + c
    pltpu.async_copy(edges_hbm.at[1, pl.ds(w * ROWS_PER_TILE, ROWS_PER_TILE)],
                     dst_v, ssem)
    pltpu.async_copy(ones_hbm, ones_v, ssem)
    pltpu.async_copy(zero_hbm, acc.at[pl.ds(s * NODE_SLICE, NODE_SLICE)], ssem)
    pltpu.make_async_copy(edges_hbm.at[1, pl.ds(0, ROWS_PER_TILE)], dst_v, ssem).wait()
    pltpu.make_async_copy(ones_hbm, ones_v, ssem).wait()
    pltpu.make_async_copy(zero_hbm, acc.at[pl.ds(0, NODE_SLICE)], ssem).wait()
    plsc.subcore_barrier()

    def body(g, carry):
        @pl.when(g >= 1)
        def _():
            for b in range(4):
                pltpu.make_async_copy(ones_v, acc.at[dst_v.at[0]], ssem).wait()
        for b in range(4):
            pltpu.async_copy(ones_v, acc.at[dst_v.at[g * 4 + b]], ssem, add=True)
        return carry

    lax.fori_loop(0, ROWS_PER_TILE // 4, body, 0)
    for b in range(4):
        pltpu.make_async_copy(ones_v, acc.at[dst_v.at[0]], ssem).wait()
    plsc.subcore_barrier()
    pltpu.sync_copy(acc.at[pl.ds(s * NODE_SLICE, NODE_SLICE)],
                    out_hbm.at[c, pl.ds(s * NODE_SLICE, NODE_SLICE)])



N_ROWS = N_NODES // 4
P_ROWS = N_PAD // 4


def _tc_mm1_body(xp_ref, w1_ref, h_ref):
    h_ref[...] = jnp.dot(xp_ref[...], w1_ref[...],
                         preferred_element_type=jnp.float32)


def _tc_scale_body(h_ref, dege_ref, hs_ref, dinv_ref):
    dinv = lax.rsqrt(dege_ref[0] + dege_ref[1] + 1.0)
    dinv_ref[...] = dinv
    hs_ref[...] = h_ref[...] * dinv[0:N_ROWS]


def _tc_mid_body(agg_ref, hs_ref, dinv_ref, b_ref, w_ref, out_ref):
    dinv = dinv_ref[0:N_ROWS]
    h = (agg_ref[0, 0:N_ROWS] + agg_ref[1, 0:N_ROWS] + hs_ref[...]) * dinv
    h = jnp.maximum(h + b_ref[...], 0.0)
    out_ref[...] = jnp.dot(h, w_ref[...], preferred_element_type=jnp.float32) * dinv


def _tc_head_body(agg_ref, hs_ref, dinv_ref, b_ref, wout_ref, bout_ref, out_ref):
    dinv = dinv_ref[0:N_ROWS]
    h = (agg_ref[0, 0:N_ROWS] + agg_ref[1, 0:N_ROWS] + hs_ref[...]) * dinv
    h = jnp.maximum(h + b_ref[...], 0.0)
    t = jnp.dot(h, wout_ref[...], preferred_element_type=jnp.float32) + bout_ref[0, 0]
    out_ref[...] = jnp.maximum(t, 0.0) + jnp.log1p(jnp.exp(-jnp.abs(t))) + 0.001



def kernel(x, edge_index, W1, b1, W2, b2, Wout, bout):
    edges = edge_index.astype(jnp.int32).reshape(2, EDGE_ROWS, CHUNK)
    zero_h = jnp.zeros((NODE_SLICE, HIDDEN), jnp.float32)
    zero_d = jnp.zeros((NODE_SLICE, DEG_W), jnp.float32)
    ones_d = jnp.ones((CHUNK, DEG_W), jnp.float32)
    eye4 = jnp.eye(4, dtype=jnp.float32)
    w1big = jnp.kron(eye4, W1)
    w2big = jnp.kron(eye4, W2)
    woutbig = jnp.kron(eye4, Wout)
    b1tile = jnp.tile(b1, 4).reshape(1, 128)
    b2tile = jnp.tile(b2, 4).reshape(1, 128)
    xp = x.reshape(N_ROWS, 4 * IN_DIM)

    degp = _sc_degree(edges, ones_d, zero_d)
    dege = jnp.broadcast_to(
        degp[:, :, 0].reshape(NC, P_ROWS, 4, 1), (NC, P_ROWS, 4, HIDDEN)
    ).reshape(NC, P_ROWS, 128)

    h1p = pl.pallas_call(
        _tc_mm1_body,
        out_shape=jax.ShapeDtypeStruct((N_ROWS, 128), jnp.float32),
    )(xp, w1big)
    hs1p, dinvp = pl.pallas_call(
        _tc_scale_body,
        out_shape=(
            jax.ShapeDtypeStruct((N_ROWS, 128), jnp.float32),
            jax.ShapeDtypeStruct((P_ROWS, 128), jnp.float32),
        ),
    )(h1p, dege)

    agg1 = _sc_aggregate(edges, hs1p.reshape(N_NODES, HIDDEN), zero_h)
    hs2p = pl.pallas_call(
        _tc_mid_body,
        out_shape=jax.ShapeDtypeStruct((N_ROWS, 128), jnp.float32),
    )(agg1.reshape(NC, P_ROWS, 128), hs1p, dinvp, b1tile, w2big)

    agg2 = _sc_aggregate(edges, hs2p.reshape(N_NODES, HIDDEN), zero_h)
    outp = pl.pallas_call(
        _tc_head_body,
        out_shape=jax.ShapeDtypeStruct((N_ROWS, 4), jnp.float32),
    )(agg2.reshape(NC, P_ROWS, 128), hs2p, dinvp, b2tile, woutbig,
      bout.reshape(1, 1))

    return outp.reshape(N_NODES)

# --- scband reference (transcript-rebuilt; emitter-appended) ---
"""Pipeline reference for scband-temp-gcn-65781719105682 (READ-ONLY COPY).

The authoritative reference and input builder live on the scoring server;
editing this copy changes nothing except your own understanding.
"""

import jax, jax.numpy as jnp
import numpy as np

N_NODES = 10000
N_EDGES = 320000
IN_DIM = 128
HIDDEN = 32


def setup_inputs(seed: int = 0) -> dict:
    key = jax.random.key(seed)
    ks = jax.random.split(key, 8)
    x = jax.random.normal(ks[0], (N_NODES, IN_DIM), dtype=jnp.float32)
    edge_index = jax.random.randint(ks[1], (2, N_EDGES), 0, N_NODES, dtype=jnp.int64)
    # GCNConv g1: in_dim -> hidden
    W1 = jax.random.normal(ks[2], (IN_DIM, HIDDEN), dtype=jnp.float32) / np.sqrt(IN_DIM)
    b1 = jnp.zeros((HIDDEN,), dtype=jnp.float32)
    # GCNConv g2: hidden -> hidden
    W2 = jax.random.normal(ks[3], (HIDDEN, HIDDEN), dtype=jnp.float32) / np.sqrt(HIDDEN)
    b2 = jnp.zeros((HIDDEN,), dtype=jnp.float32)
    # Linear out: hidden -> 1
    Wout = jax.random.normal(ks[4], (HIDDEN, 1), dtype=jnp.float32) / np.sqrt(HIDDEN)
    bout = jnp.zeros((1,), dtype=jnp.float32)
    return {"x": x, "edge_index": edge_index, "W1": W1, "b1": b1, "W2": W2, "b2": b2, "Wout": Wout, "bout": bout}


def _gcn_conv(x, src, dst, norm, W, b):
    # PyG GCNConv: out = D^{-1/2} (A + I) D^{-1/2} (x W) + b
    n = x.shape[0]
    h = x @ W
    msg = h[src] * norm[:, None]
    out = jnp.zeros((n, h.shape[1]), dtype=h.dtype).at[dst].add(msg)
    return out + b


def _build_norm(edge_index, n):
    # add self loops
    loop = jnp.arange(n, dtype=edge_index.dtype)
    src = jnp.concatenate([edge_index[0], loop])
    dst = jnp.concatenate([edge_index[1], loop])
    deg = jnp.zeros((n,), dtype=jnp.float32).at[dst].add(1.0)
    dinv = jnp.where(deg > 0, 1.0 / jnp.sqrt(deg), 0.0)
    norm = dinv[src] * dinv[dst]
    return src, dst, norm


def reference(x, edge_index, W1, b1, W2, b2, Wout, bout):
    n = x.shape[0]
    src, dst, norm = _build_norm(edge_index, n)
    h = jax.nn.relu(_gcn_conv(x, src, dst, norm, W1, b1))
    h = jax.nn.relu(_gcn_conv(h, src, dst, norm, W2, b2))
    t = (h @ Wout + bout).squeeze(-1)
    return jax.nn.softplus(t) + 0.001

if __name__ == "__main__":
    import jax
    _d = setup_inputs()
    print(jax.jit(kernel)(*tuple(_d.values())))

</pallas_src>

<mosaic_0001>
#map = affine_map<(d0, d1) -> (0, 0, 0)>
#map1 = affine_map<(d0, d1) -> (0, 0)>
module attributes {stable_mosaic.version = 14 : i64} {
  func.func @_sc_aggregate(%arg0: i32, %arg1: i32, %arg2: memref<2x640x500xi32, #tpu.memory_space<hbm>>, %arg3: memref<10000x32xf32, #tpu.memory_space<hbm>>, %arg4: memref<640x32xf32, #tpu.memory_space<hbm>>, %arg5: memref<2x10240x32xf32, #tpu.memory_space<hbm>>, %arg6: memref<20x500xi32, #tpu.memory_space<vmem>>, %arg7: memref<20x500xi32, #tpu.memory_space<vmem>>, %arg8: memref<4x500x32xf32, #tpu.memory_space<vmem>>, %arg9: memref<10240x32xf32, #tpu.memory_space<vmem_shared>>, %arg10: memref<!tpu.dma_semaphore, #tpu.memory_space<semaphore_mem>>, %arg11: memref<!tpu.dma_semaphore, #tpu.memory_space<semaphore_mem>>) attributes {dimension_semantics = [#tpu.dimension_semantics<core_parallel>, #tpu.dimension_semantics<subcore_parallel>], iteration_bounds = array<i64: 2, 16>, scalar_prefetch = 0 : i64, scratch_operands = 6 : i64, tpu.core_type = #tpu.core_type<sc_vector_subcore>, window_params = [{transform_indices = #map}, {transform_indices = #map1}, {transform_indices = #map1}, {transform_indices = #map}]} {
    %mul3A = arith.constant 2 : i32
    %mul3A_0 = arith.muli %arg1, %mul3A : i32
    %add3A = arith.addi %mul3A_0, %arg0 : i32
    %mul3A_1 = arith.constant 20 : i32
    %mul3A_2 = arith.muli %add3A, %mul3A_1 : i32
    %dma_start3A = arith.constant 0 : i32
    %dma_start3A_3 = arith.constant 0 : i32
    %dma_start3A_4 = tpu.memref_slice %arg2[%dma_start3A, %mul3A_2, %dma_start3A_3] : memref<2x640x500xi32, #tpu.memory_space<hbm>> -> memref<1x20x500xi32, #tpu.memory_space<hbm>>
    %dma_start3A_5 = tpu.memref_squeeze %dma_start3A_4 : memref<1x20x500xi32, #tpu.memory_space<hbm>> -> memref<20x500xi32, #tpu.memory_space<hbm>>
    %dma_start3A_6 = arith.constant 0 : i32
    %dma_start3A_7 = tpu.memref_slice %arg2[%dma_start3A, %mul3A_2, %dma_start3A_6] : memref<2x640x500xi32, #tpu.memory_space<hbm>> -> memref<1x20x500xi32, #tpu.memory_space<hbm>>
    %dma_start3A_8 = tpu.memref_squeeze %dma_start3A_7 : memref<1x20x500xi32, #tpu.memory_space<hbm>> -> memref<20x500xi32, #tpu.memory_space<hbm>>
    tpu.enqueue_dma source(%dma_start3A_8 : memref<20x500xi32, #tpu.memory_space<hbm>>) target(%arg6 : memref<20x500xi32, #tpu.memory_space<vmem>>) target_semaphore(%arg10 : memref<!tpu.dma_semaphore, #tpu.memory_space<semaphore_mem>>)
    %mul3A_9 = arith.constant 20 : i32
    %mul3A_10 = arith.muli %add3A, %mul3A_9 : i32
    %dma_start3A_11 = arith.constant 1 : i32
    %dma_start3A_12 = arith.constant 0 : i32
    %dma_start3A_13 = tpu.memref_slice %arg2[%dma_start3A_11, %mul3A_10, %dma_start3A_12] : memref<2x640x500xi32, #tpu.memory_space<hbm>> -> memref<1x20x500xi32, #tpu.memory_space<hbm>>
    %dma_start3A_14 = tpu.memref_squeeze %dma_start3A_13 : memref<1x20x500xi32, #tpu.memory_space<hbm>> -> memref<20x500xi32, #tpu.memory_space<hbm>>
    %dma_start3A_15 = arith.constant 0 : i32
    %dma_start3A_16 = tpu.memref_slice %arg2[%dma_start3A_11, %mul3A_10, %dma_start3A_15] : memref<2x640x500xi32, #tpu.memory_space<hbm>> -> memref<1x20x500xi32, #tpu.memory_space<hbm>>
    %dma_start3A_17 = tpu.memref_squeeze %dma_start3A_16 : memref<1x20x500xi32, #tpu.memory_space<hbm>> -> memref<20x500xi32, #tpu.memory_space<hbm>>
    tpu.enqueue_dma source(%dma_start3A_17 : memref<20x500xi32, #tpu.memory_space<hbm>>) target(%arg7 : memref<20x500xi32, #tpu.memory_space<vmem>>) target_semaphore(%arg10 : memref<!tpu.dma_semaphore, #tpu.memory_space<semaphore_mem>>)
    %mul3A_18 = arith.constant 640 : i32
    %mul3A_19 = arith.muli %arg1, %mul3A_18 : i32
    %dma_start3A_20 = arith.constant 0 : i32
    %dma_start3A_21 = tpu.memref_slice %arg9[%mul3A_19, %dma_start3A_20] : memref<10240x32xf32, #tpu.memory_space<vmem_shared>> -> memref<640x32xf32, #tpu.memory_space<vmem_shared>>
    tpu.enqueue_dma source(%arg4 : memref<640x32xf32, #tpu.memory_space<hbm>>) target(%dma_start3A_21 : memref<640x32xf32, #tpu.memory_space<vmem_shared>>) target_semaphore(%arg10 : memref<!tpu.dma_semaphore, #tpu.memory_space<semaphore_mem>>)
    %dma_wait3A = arith.constant 0 : i32
    %dma_wait3A_22 = arith.constant 0 : i32
    %dma_wait3A_23 = arith.constant 0 : i32
    %dma_wait3A_24 = tpu.memref_slice %arg2[%dma_wait3A, %dma_wait3A_22, %dma_wait3A_23] : memref<2x640x500xi32, #tpu.memory_space<hbm>> -> memref<1x20x500xi32, #tpu.memory_space<hbm>>
    %dma_wait3A_25 = tpu.memref_squeeze %dma_wait3A_24 : memref<1x20x500xi32, #tpu.memory_space<hbm>> -> memref<20x500xi32, #tpu.memory_space<hbm>>
    %dma_wait3A_26 = arith.constant 0 : i32
    %dma_wait3A_27 = arith.constant 0 : i32
    %dma_wait3A_28 = tpu.memref_slice %arg2[%dma_wait3A, %dma_wait3A_26, %dma_wait3A_27] : memref<2x640x500xi32, #tpu.memory_space<hbm>> -> memref<1x20x500xi32, #tpu.memory_space<hbm>>
    %dma_wait3A_29 = tpu.memref_squeeze %dma_wait3A_28 : memref<1x20x500xi32, #tpu.memory_space<hbm>> -> memref<20x500xi32, #tpu.memory_space<hbm>>
    tpu.wait_dma2 semaphore(%arg10 : memref<!tpu.dma_semaphore, #tpu.memory_space<semaphore_mem>>) src(%dma_wait3A_29 : memref<20x500xi32, #tpu.memory_space<hbm>>) dst(%arg6 : memref<20x500xi32, #tpu.memory_space<vmem>>)
    %dma_wait3A_30 = arith.constant 1 : i32
    %dma_wait3A_31 = arith.constant 0 : i32
    %dma_wait3A_32 = arith.constant 0 : i32
    %dma_wait3A_33 = tpu.memref_slice %arg2[%dma_wait3A_30, %dma_wait3A_31, %dma_wait3A_32] : memref<2x640x500xi32, #tpu.memory_space<hbm>> -> memref<1x20x500xi32, #tpu.memory_space<hbm>>
    %dma_wait3A_34 = tpu.memref_squeeze %dma_wait3A_33 : memref<1x20x500xi32, #tpu.memory_space<hbm>> -> memref<20x500xi32, #tpu.memory_space<hbm>>
    %dma_wait3A_35 = arith.constant 0 : i32
    %dma_wait3A_36 = arith.constant 0 : i32
    %dma_wait3A_37 = tpu.memref_slice %arg2[%dma_wait3A_30, %dma_wait3A_35, %dma_wait3A_36] : memref<2x640x500xi32, #tpu.memory_space<hbm>> -> memref<1x20x500xi32, #tpu.memory_space<hbm>>
    %dma_wait3A_38 = tpu.memref_squeeze %dma_wait3A_37 : memref<1x20x500xi32, #tpu.memory_space<hbm>> -> memref<20x500xi32, #tpu.memory_space<hbm>>
    tpu.wait_dma2 semaphore(%arg10 : memref<!tpu.dma_semaphore, #tpu.memory_space<semaphore_mem>>) src(%dma_wait3A_38 : memref<20x500xi32, #tpu.memory_space<hbm>>) dst(%arg7 : memref<20x500xi32, #tpu.memory_space<vmem>>)
    %dma_wait3A_39 = arith.constant 0 : i32
    %dma_wait3A_40 = arith.constant 0 : i32
    %dma_wait3A_41 = tpu.memref_slice %arg9[%dma_wait3A_39, %dma_wait3A_40] : memref<10240x32xf32, #tpu.memory_space<vmem_shared>> -> memref<640x32xf32, #tpu.memory_space<vmem_shared>>
    tpu.wait_dma2 semaphore(%arg10 : memref<!tpu.dma_semaphore, #tpu.memory_space<semaphore_mem>>) src(%arg4 : memref<640x32xf32, #tpu.memory_space<hbm>>) dst(%dma_wait3A_41 : memref<640x32xf32, #tpu.memory_space<vmem_shared>>)
    %dma_start3A_42 = arith.constant 0 : i32
    %dma_start3A_43 = arith.constant 0 : i32
    %dma_start3A_44 = arith.constant 0 : i32
    %dma_start3A_45 = arith.constant 0 : i32
    %dma_start3A_46 = tpu.memref_slice %arg8[%dma_start3A_43, %dma_start3A_44, %dma_start3A_45] : memref<4x500x32xf32, #tpu.memory_space<vmem>> -> memref<1x500x32xf32, #tpu.memory_space<vmem>>
    %dma_start3A_47 = tpu.memref_squeeze %dma_start3A_46 : memref<1x500x32xf32, #tpu.memory_space<vmem>> -> memref<500x32xf32, #tpu.memory_space<vmem>>
    %dma_start3A_48 = arith.constant 0 : i32
    %dma_start3A_49 = tpu.memref_slice %arg6[%dma_start3A_42, %dma_start3A_48] : memref<20x500xi32, #tpu.memory_space<vmem>> -> memref<1x500xi32, #tpu.memory_space<vmem>>
    %dma_start3A_50 = tpu.memref_squeeze %dma_start3A_49 : memref<1x500xi32, #tpu.memory_space<vmem>> -> memref<500xi32, #tpu.memory_space<vmem>>
    %dma_start3A_51 = arith.constant 0 : i32
    %dma_start3A_52 = arith.constant 0 : i32
    %dma_start3A_53 = tpu.memref_slice %arg3[%dma_start3A_51, %dma_start3A_52] : memref<10000x32xf32, #tpu.memory_space<hbm>> -> memref<10000x32xf32, #tpu.memory_space<hbm>>
    tpu.enqueue_indirect_dma source(%dma_start3A_53 : memref<10000x32xf32, #tpu.memory_space<hbm>>) target(%dma_start3A_47 : memref<500x32xf32, #tpu.memory_space<vmem>>) offsets(%dma_start3A_50 : memref<500xi32, #tpu.memory_space<vmem>>) semaphore(%arg10 : memref<!tpu.dma_semaphore, #tpu.memory_space<semaphore_mem>>)
    %dma_start3A_54 = arith.constant 1 : i32
    %dma_start3A_55 = arith.constant 1 : i32
    %dma_start3A_56 = arith.constant 0 : i32
    %dma_start3A_57 = arith.constant 0 : i32
    %dma_start3A_58 = tpu.memref_slice %arg8[%dma_start3A_55, %dma_start3A_56, %dma_start3A_57] : memref<4x500x32xf32, #tpu.memory_space<vmem>> -> memref<1x500x32xf32, #tpu.memory_space<vmem>>
    %dma_start3A_59 = tpu.memref_squeeze %dma_start3A_58 : memref<1x500x32xf32, #tpu.memory_space<vmem>> -> memref<500x32xf32, #tpu.memory_space<vmem>>
    %dma_start3A_60 = arith.constant 0 : i32
    %dma_start3A_61 = tpu.memref_slice %arg6[%dma_start3A_54, %dma_start3A_60] : memref<20x500xi32, #tpu.memory_space<vmem>> -> memref<1x500xi32, #tpu.memory_space<vmem>>
    %dma_start3A_62 = tpu.memref_squeeze %dma_start3A_61 : memref<1x500xi32, #tpu.memory_space<vmem>> -> memref<500xi32, #tpu.memory_space<vmem>>
    %dma_start3A_63 = arith.constant 0 : i32
    %dma_start3A_64 = arith.constant 0 : i32
    %dma_start3A_65 = tpu.memref_slice %arg3[%dma_start3A_63, %dma_start3A_64] : memref<10000x32xf32, #tpu.memory_space<hbm>> -> memref<10000x32xf32, #tpu.memory_space<hbm>>
    tpu.enqueue_indirect_dma source(%dma_start3A_65 : memref<10000x32xf32, #tpu.memory_space<hbm>>) target(%dma_start3A_59 : memref<500x32xf32, #tpu.memory_space<vmem>>) offsets(%dma_start3A_62 : memref<500xi32, #tpu.memory_space<vmem>>) semaphore(%arg10 : memref<!tpu.dma_semaphore, #tpu.memory_space<semaphore_mem>>)
    %barrier3A = arith.constant 0 : index
    tpu.barrier barrier_id(%barrier3A)
    %scan3A = arith.constant 0 : i32
    %scan3A_66 = arith.constant 0 : i32
    %scan3A_67 = arith.constant 5 : i32
    %scan3A_68 = arith.addi %scan3A_66, %scan3A_67 : i32
    %scan3A_69 = arith.constant 1 : i32
    scf.for %scan3A_100 = %scan3A_66 to %scan3A_68 step %scan3A_69  : i32 {
      %mul3A_101 = arith.constant 2 : i32
      %mul3A_102 = arith.muli %scan3A_100, %mul3A_101 : i32
      %mul3A_103 = arith.constant 2 : i32
      %mul3A_104 = arith.muli %mul3A_102, %mul3A_103 : i32
      %dma_wait3A_105 = arith.constant 0 : i32
      %dma_wait3A_106 = arith.constant 0 : i32
      %dma_wait3A_107 = arith.constant 0 : i32
      %dma_wait3A_108 = arith.constant 0 : i32
      %dma_wait3A_109 = tpu.memref_slice %arg8[%dma_wait3A_106, %dma_wait3A_107, %dma_wait3A_108] : memref<4x500x32xf32, #tpu.memory_space<vmem>> -> memref<1x500x32xf32, #tpu.memory_space<vmem>>
      %dma_wait3A_110 = tpu.memref_squeeze %dma_wait3A_109 : memref<1x500x32xf32, #tpu.memory_space<vmem>> -> memref<500x32xf32, #tpu.memory_space<vmem>>
      %dma_wait3A_111 = arith.constant 0 : i32
      %dma_wait3A_112 = tpu.memref_slice %arg6[%dma_wait3A_105, %dma_wait3A_111] : memref<20x500xi32, #tpu.memory_space<vmem>> -> memref<1x500xi32, #tpu.memory_space<vmem>>
      %dma_wait3A_113 = tpu.memref_squeeze %dma_wait3A_112 : memref<1x500xi32, #tpu.memory_space<vmem>> -> memref<500xi32, #tpu.memory_space<vmem>>
      %dma_wait3A_114 = arith.constant 0 : i32
      %dma_wait3A_115 = arith.constant 0 : i32
      %dma_wait3A_116 = tpu.memref_slice %arg3[%dma_wait3A_114, %dma_wait3A_115] : memref<10000x32xf32, #tpu.memory_space<hbm>> -> memref<10000x32xf32, #tpu.memory_space<hbm>>
      tpu.wait_indirect_dma semaphore(%arg10 : memref<!tpu.dma_semaphore, #tpu.memory_space<semaphore_mem>>) src(%dma_wait3A_116 : memref<10000x32xf32, #tpu.memory_space<hbm>>) dst(%dma_wait3A_110 : memref<500x32xf32, #tpu.memory_space<vmem>>)
      %dma_wait3A_117 = arith.constant 0 : i32
      %dma_wait3A_118 = arith.constant 1 : i32
      %dma_wait3A_119 = arith.constant 0 : i32
      %dma_wait3A_120 = arith.constant 0 : i32
      %dma_wait3A_121 = tpu.memref_slice %arg8[%dma_wait3A_118, %dma_wait3A_119, %dma_wait3A_120] : memref<4x500x32xf32, #tpu.memory_space<vmem>> -> memref<1x500x32xf32, #tpu.memory_space<vmem>>
      %dma_wait3A_122 = tpu.memref_squeeze %dma_wait3A_121 : memref<1x500x32xf32, #tpu.memory_space<vmem>> -> memref<500x32xf32, #tpu.memory_space<vmem>>
      %dma_wait3A_123 = arith.constant 0 : i32
      %dma_wait3A_124 = tpu.memref_slice %arg6[%dma_wait3A_117, %dma_wait3A_123] : memref<20x500xi32, #tpu.memory_space<vmem>> -> memref<1x500xi32, #tpu.memory_space<vmem>>
      %dma_wait3A_125 = tpu.memref_squeeze %dma_wait3A_124 : memref<1x500xi32, #tpu.memory_space<vmem>> -> memref<500xi32, #tpu.memory_space<vmem>>
      %dma_wait3A_126 = arith.constant 0 : i32
      %dma_wait3A_127 = arith.constant 0 : i32
      %dma_wait3A_128 = tpu.memref_slice %arg3[%dma_wait3A_126, %dma_wait3A_127] : memref<10000x32xf32, #tpu.memory_space<hbm>> -> memref<10000x32xf32, #tpu.memory_space<hbm>>
      tpu.wait_indirect_dma semaphore(%arg10 : memref<!tpu.dma_semaphore, #tpu.memory_space<semaphore_mem>>) src(%dma_wait3A_128 : memref<10000x32xf32, #tpu.memory_space<hbm>>) dst(%dma_wait3A_122 : memref<500x32xf32, #tpu.memory_space<vmem>>)
      %ge3A = arith.constant 1 : i32
      %ge3A_129 = arith.cmpi sge, %scan3A_100, %ge3A : i32
      %convert_element_type3A = arith.extui %ge3A_129 : i1 to i32
      %cond3A = arith.constant 0 : i32
      %cond3A_130 = arith.cmpi ne, %convert_element_type3A, %cond3A : i32
      scf.if %cond3A_130 {
        %dma_wait3A_269 = arith.constant 2 : i32
        %dma_wait3A_270 = arith.constant 0 : i32
        %dma_wait3A_271 = arith.constant 0 : i32
        %dma_wait3A_272 = arith.constant 0 : i32
        %dma_wait3A_273 = tpu.memref_slice %arg8[%dma_wait3A_269, %dma_wait3A_271, %dma_wait3A_272] : memref<4x500x32xf32, #tpu.memory_space<vmem>> -> memref<1x500x32xf32, #tpu.memory_space<vmem>>
        %dma_wait3A_274 = tpu.memref_squeeze %dma_wait3A_273 : memref<1x500x32xf32, #tpu.memory_space<vmem>> -> memref<500x32xf32, #tpu.memory_space<vmem>>
        %dma_wait3A_275 = arith.constant 0 : i32
        %dma_wait3A_276 = tpu.memref_slice %arg7[%dma_wait3A_270, %dma_wait3A_275] : memref<20x500xi32, #tpu.memory_space<vmem>> -> memref<1x500xi32, #tpu.memory_space<vmem>>
        %dma_wait3A_277 = tpu.memref_squeeze %dma_wait3A_276 : memref<1x500xi32, #tpu.memory_space<vmem>> -> memref<500xi32, #tpu.memory_space<vmem>>
        %dma_wait3A_278 = arith.constant 0 : i32
        %dma_wait3A_279 = arith.constant 0 : i32
        %dma_wait3A_280 = tpu.memref_slice %arg9[%dma_wait3A_278, %dma_wait3A_279] : memref<10240x32xf32, #tpu.memory_space<vmem_shared>> -> memref<10240x32xf32, #tpu.memory_space<vmem_shared>>
        tpu.wait_indirect_dma semaphore(%arg11 : memref<!tpu.dma_semaphore, #tpu.memory_space<semaphore_mem>>) src(%dma_wait3A_274 : memref<500x32xf32, #tpu.memory_space<vmem>>) dst(%dma_wait3A_280 : memref<10240x32xf32, #tpu.memory_space<vmem_shared>>)
        %dma_wait3A_281 = arith.constant 3 : i32
        %dma_wait3A_282 = arith.constant 0 : i32
        %dma_wait3A_283 = arith.constant 0 : i32
        %dma_wait3A_284 = arith.constant 0 : i32
        %dma_wait3A_285 = tpu.memref_slice %arg8[%dma_wait3A_281, %dma_wait3A_283, %dma_wait3A_284] : memref<4x500x32xf32, #tpu.memory_space<vmem>> -> memref<1x500x32xf32, #tpu.memory_space<vmem>>
        %dma_wait3A_286 = tpu.memref_squeeze %dma_wait3A_285 : memref<1x500x32xf32, #tpu.memory_space<vmem>> -> memref<500x32xf32, #tpu.memory_space<vmem>>
        %dma_wait3A_287 = arith.constant 0 : i32
        %dma_wait3A_288 = tpu.memref_slice %arg7[%dma_wait3A_282, %dma_wait3A_287] : memref<20x500xi32, #tpu.memory_space<vmem>> -> memref<1x500xi32, #tpu.memory_space<vmem>>
        %dma_wait3A_289 = tpu.memref_squeeze %dma_wait3A_288 : memref<1x500xi32, #tpu.memory_space<vmem>> -> memref<500xi32, #tpu.memory_space<vmem>>
        %dma_wait3A_290 = arith.constant 0 : i32
        %dma_wait3A_291 = arith.constant 0 : i32
        %dma_wait3A_292 = tpu.memref_slice %arg9[%dma_wait3A_290, %dma_wait3A_291] : memref<10240x32xf32, #tpu.memory_space<vmem_shared>> -> memref<10240x32xf32, #tpu.memory_space<vmem_shared>>
        tpu.wait_indirect_dma semaphore(%arg11 : memref<!tpu.dma_semaphore, #tpu.memory_space<semaphore_mem>>) src(%dma_wait3A_286 : memref<500x32xf32, #tpu.memory_space<vmem>>) dst(%dma_wait3A_292 : memref<10240x32xf32, #tpu.memory_space<vmem_shared>>)
      } else {
      }
      %add3A_131 = arith.constant 2 : i32
      %add3A_132 = arith.addi %mul3A_104, %add3A_131 : i32
      %add3A_133 = arith.constant 0 : i32
      %add3A_134 = arith.addi %add3A_132, %add3A_133 : i32
      %dma_start3A_135 = arith.constant 2 : i32
      %dma_start3A_136 = arith.constant 0 : i32
      %dma_start3A_137 = arith.constant 0 : i32
      %dma_start3A_138 = tpu.memref_slice %arg8[%dma_start3A_135, %dma_start3A_136, %dma_start3A_137] : memref<4x500x32xf32, #tpu.memory_space<vmem>> -> memref<1x500x32xf32, #tpu.memory_space<vmem>>
      %dma_start3A_139 = tpu.memref_squeeze %dma_start3A_138 : memref<1x500x32xf32, #tpu.memory_space<vmem>> -> memref<500x32xf32, #tpu.memory_space<vmem>>
      %dma_start3A_140 = arith.constant 0 : i32
      %dma_start3A_141 = tpu.memref_slice %arg6[%add3A_134, %dma_start3A_140] : memref<20x500xi32, #tpu.memory_space<vmem>> -> memref<1x500xi32, #tpu.memory_space<vmem>>
      %dma_start3A_142 = tpu.memref_squeeze %dma_start3A_141 : memref<1x500xi32, #tpu.memory_space<vmem>> -> memref<500xi32, #tpu.memory_space<vmem>>
      %dma_start3A_143 = arith.constant 0 : i32
      %dma_start3A_144 = arith.constant 0 : i32
      %dma_start3A_145 = tpu.memref_slice %arg3[%dma_start3A_143, %dma_start3A_144] : memref<10000x32xf32, #tpu.memory_space<hbm>> -> memref<10000x32xf32, #tpu.memory_space<hbm>>
      tpu.enqueue_indirect_dma source(%dma_start3A_145 : memref<10000x32xf32, #tpu.memory_space<hbm>>) target(%dma_start3A_139 : memref<500x32xf32, #tpu.memory_space<vmem>>) offsets(%dma_start3A_142 : memref<500xi32, #tpu.memory_space<vmem>>) semaphore(%arg10 : memref<!tpu.dma_semaphore, #tpu.memory_space<semaphore_mem>>)
      %add3A_146 = arith.constant 2 : i32
      %add3A_147 = arith.addi %mul3A_104, %add3A_146 : i32
      %add3A_148 = arith.constant 1 : i32
      %add3A_149 = arith.addi %add3A_147, %add3A_148 : i32
      %dma_start3A_150 = arith.constant 3 : i32
      %dma_start3A_151 = arith.constant 0 : i32
      %dma_start3A_152 = arith.constant 0 : i32
      %dma_start3A_153 = tpu.memref_slice %arg8[%dma_start3A_150, %dma_start3A_151, %dma_start3A_152] : memref<4x500x32xf32, #tpu.memory_space<vmem>> -> memref<1x500x32xf32, #tpu.memory_space<vmem>>
      %dma_start3A_154 = tpu.memref_squeeze %dma_start3A_153 : memref<1x500x32xf32, #tpu.memory_space<vmem>> -> memref<500x32xf32, #tpu.memory_space<vmem>>
      %dma_start3A_155 = arith.constant 0 : i32
      %dma_start3A_156 = tpu.memref_slice %arg6[%add3A_149, %dma_start3A_155] : memref<20x500xi32, #tpu.memory_space<vmem>> -> memref<1x500xi32, #tpu.memory_space<vmem>>
      %dma_start3A_157 = tpu.memref_squeeze %dma_start3A_156 : memref<1x500xi32, #tpu.memory_space<vmem>> -> memref<500xi32, #tpu.memory_space<vmem>>
      %dma_start3A_158 = arith.constant 0 : i32
      %dma_start3A_159 = arith.constant 0 : i32
      %dma_start3A_160 = tpu.memref_slice %arg3[%dma_start3A_158, %dma_start3A_159] : memref<10000x32xf32, #tpu.memory_space<hbm>> -> memref<10000x32xf32, #tpu.memory_space<hbm>>
      tpu.enqueue_indirect_dma source(%dma_start3A_160 : memref<10000x32xf32, #tpu.memory_space<hbm>>) target(%dma_start3A_154 : memref<500x32xf32, #tpu.memory_space<vmem>>) offsets(%dma_start3A_157 : memref<500xi32, #tpu.memory_space<vmem>>) semaphore(%arg10 : memref<!tpu.dma_semaphore, #tpu.memory_space<semaphore_mem>>)
      %add3A_161 = arith.constant 0 : i32
      %add3A_162 = arith.addi %mul3A_104, %add3A_161 : i32
      %dma_start3A_163 = arith.constant 0 : i32
      %dma_start3A_164 = arith.constant 0 : i32
      %dma_start3A_165 = arith.constant 0 : i32
      %dma_start3A_166 = tpu.memref_slice %arg8[%dma_start3A_163, %dma_start3A_164, %dma_start3A_165] : memref<4x500x32xf32, #tpu.memory_space<vmem>> -> memref<1x500x32xf32, #tpu.memory_space<vmem>>
      %dma_start3A_167 = tpu.memref_squeeze %dma_start3A_166 : memref<1x500x32xf32, #tpu.memory_space<vmem>> -> memref<500x32xf32, #tpu.memory_space<vmem>>
      %dma_start3A_168 = arith.constant 0 : i32
      %dma_start3A_169 = tpu.memref_slice %arg7[%add3A_162, %dma_start3A_168] : memref<20x500xi32, #tpu.memory_space<vmem>> -> memref<1x500xi32, #tpu.memory_space<vmem>>
      %dma_start3A_170 = tpu.memref_squeeze %dma_start3A_169 : memref<1x500xi32, #tpu.memory_space<vmem>> -> memref<500xi32, #tpu.memory_space<vmem>>
      %dma_start3A_171 = arith.constant 0 : i32
      %dma_start3A_172 = arith.constant 0 : i32
      %dma_start3A_173 = tpu.memref_slice %arg9[%dma_start3A_171, %dma_start3A_172] : memref<10240x32xf32, #tpu.memory_space<vmem_shared>> -> memref<10240x32xf32, #tpu.memory_space<vmem_shared>>
      tpu.enqueue_indirect_dma source(%dma_start3A_167 : memref<500x32xf32, #tpu.memory_space<vmem>>) target(%dma_start3A_173 : memref<10240x32xf32, #tpu.memory_space<vmem_shared>>) offsets(%dma_start3A_170 : memref<500xi32, #tpu.memory_space<vmem>>) semaphore(%arg11 : memref<!tpu.dma_semaphore, #tpu.memory_space<semaphore_mem>>) {add = true}
      %add3A_174 = arith.constant 1 : i32
      %add3A_175 = arith.addi %mul3A_104, %add3A_174 : i32
      %dma_start3A_176 = arith.constant 1 : i32
      %dma_start3A_177 = arith.constant 0 : i32
      %dma_start3A_178 = arith.constant 0 : i32
      %dma_start3A_179 = tpu.memref_slice %arg8[%dma_start3A_176, %dma_start3A_177, %dma_start3A_178] : memref<4x500x32xf32, #tpu.memory_space<vmem>> -> memref<1x500x32xf32, #tpu.memory_space<vmem>>
      %dma_start3A_180 = tpu.memref_squeeze %dma_start3A_179 : memref<1x500x32xf32, #tpu.memory_space<vmem>> -> memref<500x32xf32, #tpu.memory_space<vmem>>
      %dma_start3A_181 = arith.constant 0 : i32
      %dma_start3A_182 = tpu.memref_slice %arg7[%add3A_175, %dma_start3A_181] : memref<20x500xi32, #tpu.memory_space<vmem>> -> memref<1x500xi32, #tpu.memory_space<vmem>>
      %dma_start3A_183 = tpu.memref_squeeze %dma_start3A_182 : memref<1x500xi32, #tpu.memory_space<vmem>> -> memref<500xi32, #tpu.memory_space<vmem>>
      %dma_start3A_184 = arith.constant 0 : i32
      %dma_start3A_185 = arith.constant 0 : i32
      %dma_start3A_186 = tpu.memref_slice %arg9[%dma_start3A_184, %dma_start3A_185] : memref<10240x32xf32, #tpu.memory_space<vmem_shared>> -> memref<10240x32xf32, #tpu.memory_space<vmem_shared>>
      tpu.enqueue_indirect_dma source(%dma_start3A_180 : memref<500x32xf32, #tpu.memory_space<vmem>>) target(%dma_start3A_186 : memref<10240x32xf32, #tpu.memory_space<vmem_shared>>) offsets(%dma_start3A_183 : memref<500xi32, #tpu.memory_space<vmem>>) semaphore(%arg11 : memref<!tpu.dma_semaphore, #tpu.memory_space<semaphore_mem>>) {add = true}
      %dma_wait3A_187 = arith.constant 0 : i32
      %dma_wait3A_188 = arith.constant 2 : i32
      %dma_wait3A_189 = arith.constant 0 : i32
      %dma_wait3A_190 = arith.constant 0 : i32
      %dma_wait3A_191 = tpu.memref_slice %arg8[%dma_wait3A_188, %dma_wait3A_189, %dma_wait3A_190] : memref<4x500x32xf32, #tpu.memory_space<vmem>> -> memref<1x500x32xf32, #tpu.memory_space<vmem>>
      %dma_wait3A_192 = tpu.memref_squeeze %dma_wait3A_191 : memref<1x500x32xf32, #tpu.memory_space<vmem>> -> memref<500x32xf32, #tpu.memory_space<vmem>>
      %dma_wait3A_193 = arith.constant 0 : i32
      %dma_wait3A_194 = tpu.memref_slice %arg6[%dma_wait3A_187, %dma_wait3A_193] : memref<20x500xi32, #tpu.memory_space<vmem>> -> memref<1x500xi32, #tpu.memory_space<vmem>>
      %dma_wait3A_195 = tpu.memref_squeeze %dma_wait3A_194 : memref<1x500xi32, #tpu.memory_space<vmem>> -> memref<500xi32, #tpu.memory_space<vmem>>
      %dma_wait3A_196 = arith.constant 0 : i32
      %dma_wait3A_197 = arith.constant 0 : i32
      %dma_wait3A_198 = tpu.memref_slice %arg3[%dma_wait3A_196, %dma_wait3A_197] : memref<10000x32xf32, #tpu.memory_space<hbm>> -> memref<10000x32xf32, #tpu.memory_space<hbm>>
      tpu.wait_indirect_dma semaphore(%arg10 : memref<!tpu.dma_semaphore, #tpu.memory_space<semaphore_mem>>) src(%dma_wait3A_198 : memref<10000x32xf32, #tpu.memory_space<hbm>>) dst(%dma_wait3A_192 : memref<500x32xf32, #tpu.memory_space<vmem>>)
      %dma_wait3A_199 = arith.constant 0 : i32
      %dma_wait3A_200 = arith.constant 3 : i32
      %dma_wait3A_201 = arith.constant 0 : i32
      %dma_wait3A_202 = arith.constant 0 : i32
      %dma_wait3A_203 = tpu.memref_slice %arg8[%dma_wait3A_200, %dma_wait3A_201, %dma_wait3A_202] : memref<4x500x32xf32, #tpu.memory_space<vmem>> -> memref<1x500x32xf32, #tpu.memory_space<vmem>>
      %dma_wait3A_204 = tpu.memref_squeeze %dma_wait3A_203 : memref<1x500x32xf32, #tpu.memory_space<vmem>> -> memref<500x32xf32, #tpu.memory_space<vmem>>
      %dma_wait3A_205 = arith.constant 0 : i32
      %dma_wait3A_206 = tpu.memref_slice %arg6[%dma_wait3A_199, %dma_wait3A_205] : memref<20x500xi32, #tpu.memory_space<vmem>> -> memref<1x500xi32, #tpu.memory_space<vmem>>
      %dma_wait3A_207 = tpu.memref_squeeze %dma_wait3A_206 : memref<1x500xi32, #tpu.memory_space<vmem>> -> memref<500xi32, #tpu.memory_space<vmem>>
      %dma_wait3A_208 = arith.constant 0 : i32
      %dma_wait3A_209 = arith.constant 0 : i32
      %dma_wait3A_210 = tpu.memref_slice %arg3[%dma_wait3A_208, %dma_wait3A_209] : memref<10000x32xf32, #tpu.memory_space<hbm>> -> memref<10000x32xf32, #tpu.memory_space<hbm>>
      tpu.wait_indirect_dma semaphore(%arg10 : memref<!tpu.dma_semaphore, #tpu.memory_space<semaphore_mem>>) src(%dma_wait3A_210 : memref<10000x32xf32, #tpu.memory_space<hbm>>) dst(%dma_wait3A_204 : memref<500x32xf32, #tpu.memory_space<vmem>>)
      %dma_wait3A_211 = arith.constant 0 : i32
      %dma_wait3A_212 = arith.constant 0 : i32
      %dma_wait3A_213 = arith.constant 0 : i32
      %dma_wait3A_214 = arith.constant 0 : i32
      %dma_wait3A_215 = tpu.memref_slice %arg8[%dma_wait3A_211, %dma_wait3A_213, %dma_wait3A_214] : memref<4x500x32xf32, #tpu.memory_space<vmem>> -> memref<1x500x32xf32, #tpu.memory_space<vmem>>
      %dma_wait3A_216 = tpu.memref_squeeze %dma_wait3A_215 : memref<1x500x32xf32, #tpu.memory_space<vmem>> -> memref<500x32xf32, #tpu.memory_space<vmem>>
      %dma_wait3A_217 = arith.constant 0 : i32
      %dma_wait3A_218 = tpu.memref_slice %arg7[%dma_wait3A_212, %dma_wait3A_217] : memref<20x500xi32, #tpu.memory_space<vmem>> -> memref<1x500xi32, #tpu.memory_space<vmem>>
      %dma_wait3A_219 = tpu.memref_squeeze %dma_wait3A_218 : memref<1x500xi32, #tpu.memory_space<vmem>> -> memref<500xi32, #tpu.memory_space<vmem>>
      %dma_wait3A_220 = arith.constant 0 : i32
      %dma_wait3A_221 = arith.constant 0 : i32
      %dma_wait3A_222 = tpu.memref_slice %arg9[%dma_wait3A_220, %dma_wait3A_221] : memref<10240x32xf32, #tpu.memory_space<vmem_shared>> -> memref<10240x32xf32, #tpu.memory_space<vmem_shared>>
      tpu.wait_indirect_dma semaphore(%arg11 : memref<!tpu.dma_semaphore, #tpu.memory_space<semaphore_mem>>) src(%dma_wait3A_216 : memref<500x32xf32, #tpu.memory_space<vmem>>) dst(%dma_wait3A_222 : memref<10240x32xf32, #tpu.memory_space<vmem_shared>>)
      %dma_wait3A_223 = arith.constant 1 : i32
      %dma_wait3A_224 = arith.constant 0 : i32
      %dma_wait3A_225 = arith.constant 0 : i32
      %dma_wait3A_226 = arith.constant 0 : i32
      %dma_wait3A_227 = tpu.memref_slice %arg8[%dma_wait3A_223, %dma_wait3A_225, %dma_wait3A_226] : memref<4x500x32xf32, #tpu.memory_space<vmem>> -> memref<1x500x32xf32, #tpu.memory_space<vmem>>
      %dma_wait3A_228 = tpu.memref_squeeze %dma_wait3A_227 : memref<1x500x32xf32, #tpu.memory_space<vmem>> -> memref<500x32xf32, #tpu.memory_space<vmem>>
      %dma_wait3A_229 = arith.constant 0 : i32
      %dma_wait3A_230 = tpu.memref_slice %arg7[%dma_wait3A_224, %dma_wait3A_229] : memref<20x500xi32, #tpu.memory_space<vmem>> -> memref<1x500xi32, #tpu.memory_space<vmem>>
      %dma_wait3A_231 = tpu.memref_squeeze %dma_wait3A_230 : memref<1x500xi32, #tpu.memory_space<vmem>> -> memref<500xi32, #tpu.memory_space<vmem>>
      %dma_wait3A_232 = arith.constant 0 : i32
      %dma_wait3A_233 = arith.constant 0 : i32
      %dma_wait3A_234 = tpu.memref_slice %arg9[%dma_wait3A_232, %dma_wait3A_233] : memref<10240x32xf32, #tpu.memory_space<vmem_shared>> -> memref<10240x32xf32, #tpu.memory_space<vmem_shared>>
      tpu.wait_indirect_dma semaphore(%arg11 : memref<!tpu.dma_semaphore, #tpu.memory_space<semaphore_mem>>) src(%dma_wait3A_228 : memref<500x32xf32, #tpu.memory_space<vmem>>) dst(%dma_wait3A_234 : memref<10240x32xf32, #tpu.memory_space<vmem_shared>>)
      %lt3A = arith.constant 4 : i32
      %lt3A_235 = arith.cmpi slt, %scan3A_100, %lt3A : i32
      %convert_element_type3A_236 = arith.extui %lt3A_235 : i1 to i32
      %cond3A_237 = arith.constant 0 : i32
      %cond3A_238 = arith.cmpi ne, %convert_element_type3A_236, %cond3A_237 : i32
      scf.if %cond3A_238 {
        %add3A_269 = arith.constant 4 : i32
        %add3A_270 = arith.addi %mul3A_104, %add3A_269 : i32
        %add3A_271 = arith.constant 0 : i32
        %add3A_272 = arith.addi %add3A_270, %add3A_271 : i32
        %dma_start3A_273 = arith.constant 0 : i32
        %dma_start3A_274 = arith.constant 0 : i32
        %dma_start3A_275 = arith.constant 0 : i32
        %dma_start3A_276 = tpu.memref_slice %arg8[%dma_start3A_273, %dma_start3A_274, %dma_start3A_275] : memref<4x500x32xf32, #tpu.memory_space<vmem>> -> memref<1x500x32xf32, #tpu.memory_space<vmem>>
        %dma_start3A_277 = tpu.memref_squeeze %dma_start3A_276 : memref<1x500x32xf32, #tpu.memory_space<vmem>> -> memref<500x32xf32, #tpu.memory_space<vmem>>
        %dma_start3A_278 = arith.constant 0 : i32
        %dma_start3A_279 = tpu.memref_slice %arg6[%add3A_272, %dma_start3A_278] : memref<20x500xi32, #tpu.memory_space<vmem>> -> memref<1x500xi32, #tpu.memory_space<vmem>>
        %dma_start3A_280 = tpu.memref_squeeze %dma_start3A_279 : memref<1x500xi32, #tpu.memory_space<vmem>> -> memref<500xi32, #tpu.memory_space<vmem>>
        %dma_start3A_281 = arith.constant 0 : i32
        %dma_start3A_282 = arith.constant 0 : i32
        %dma_start3A_283 = tpu.memref_slice %arg3[%dma_start3A_281, %dma_start3A_282] : memref<10000x32xf32, #tpu.memory_space<hbm>> -> memref<10000x32xf32, #tpu.memory_space<hbm>>
        tpu.enqueue_indirect_dma source(%dma_start3A_283 : memref<10000x32xf32, #tpu.memory_space<hbm>>) target(%dma_start3A_277 : memref<500x32xf32, #tpu.memory_space<vmem>>) offsets(%dma_start3A_280 : memref<500xi32, #tpu.memory_space<vmem>>) semaphore(%arg10 : memref<!tpu.dma_semaphore, #tpu.memory_space<semaphore_mem>>)
        %add3A_284 = arith.constant 4 : i32
        %add3A_285 = arith.addi %mul3A_104, %add3A_284 : i32
        %add3A_286 = arith.constant 1 : i32
        %add3A_287 = arith.addi %add3A_285, %add3A_286 : i32
        %dma_start3A_288 = arith.constant 1 : i32
        %dma_start3A_289 = arith.constant 0 : i32
        %dma_start3A_290 = arith.constant 0 : i32
        %dma_start3A_291 = tpu.memref_slice %arg8[%dma_start3A_288, %dma_start3A_289, %dma_start3A_290] : memref<4x500x32xf32, #tpu.memory_space<vmem>> -> memref<1x500x32xf32, #tpu.memory_space<vmem>>
        %dma_start3A_292 = tpu.memref_squeeze %dma_start3A_291 : memref<1x500x32xf32, #tpu.memory_space<vmem>> -> memref<500x32xf32, #tpu.memory_space<vmem>>
        %dma_start3A_293 = arith.constant 0 : i32
        %dma_start3A_294 = tpu.memref_slice %arg6[%add3A_287, %dma_start3A_293] : memref<20x500xi32, #tpu.memory_space<vmem>> -> memref<1x500xi32, #tpu.memory_space<vmem>>
        %dma_start3A_295 = tpu.memref_squeeze %dma_start3A_294 : memref<1x500xi32, #tpu.memory_space<vmem>> -> memref<500xi32, #tpu.memory_space<vmem>>
        %dma_start3A_296 = arith.constant 0 : i32
        %dma_start3A_297 = arith.constant 0 : i32
        %dma_start3A_298 = tpu.memref_slice %arg3[%dma_start3A_296, %dma_start3A_297] : memref<10000x32xf32, #tpu.memory_space<hbm>> -> memref<10000x32xf32, #tpu.memory_space<hbm>>
        tpu.enqueue_indirect_dma source(%dma_start3A_298 : memref<10000x32xf32, #tpu.memory_space<hbm>>) target(%dma_start3A_292 : memref<500x32xf32, #tpu.memory_space<vmem>>) offsets(%dma_start3A_295 : memref<500xi32, #tpu.memory_space<vmem>>) semaphore(%arg10 : memref<!tpu.dma_semaphore, #tpu.memory_space<semaphore_mem>>)
      } else {
      }
      %add3A_239 = arith.constant 2 : i32
      %add3A_240 = arith.addi %mul3A_104, %add3A_239 : i32
      %add3A_241 = arith.constant 0 : i32
      %add3A_242 = arith.addi %add3A_240, %add3A_241 : i32
      %dma_start3A_243 = arith.constant 2 : i32
      %dma_start3A_244 = arith.constant 0 : i32
      %dma_start3A_245 = arith.constant 0 : i32
      %dma_start3A_246 = tpu.memref_slice %arg8[%dma_start3A_243, %dma_start3A_244, %dma_start3A_245] : memref<4x500x32xf32, #tpu.memory_space<vmem>> -> memref<1x500x32xf32, #tpu.memory_space<vmem>>
      %dma_start3A_247 = tpu.memref_squeeze %dma_start3A_246 : memref<1x500x32xf32, #tpu.memory_space<vmem>> -> memref<500x32xf32, #tpu.memory_space<vmem>>
      %dma_start3A_248 = arith.constant 0 : i32
      %dma_start3A_249 = tpu.memref_slice %arg7[%add3A_242, %dma_start3A_248] : memref<20x500xi32, #tpu.memory_space<vmem>> -> memref<1x500xi32, #tpu.memory_space<vmem>>
      %dma_start3A_250 = tpu.memref_squeeze %dma_start3A_249 : memref<1x500xi32, #tpu.memory_space<vmem>> -> memref<500xi32, #tpu.memory_space<vmem>>
      %dma_start3A_251 = arith.constant 0 : i32
      %dma_start3A_252 = arith.constant 0 : i32
      %dma_start3A_253 = tpu.memref_slice %arg9[%dma_start3A_251, %dma_start3A_252] : memref<10240x32xf32, #tpu.memory_space<vmem_shared>> -> memref<10240x32xf32, #tpu.memory_space<vmem_shared>>
      tpu.enqueue_indirect_dma source(%dma_start3A_247 : memref<500x32xf32, #tpu.memory_space<vmem>>) target(%dma_start3A_253 : memref<10240x32xf32, #tpu.memory_space<vmem_shared>>) offsets(%dma_start3A_250 : memref<500xi32, #tpu.memory_space<vmem>>) semaphore(%arg11 : memref<!tpu.dma_semaphore, #tpu.memory_space<semaphore_mem>>) {add = true}
      %add3A_254 = arith.constant 2 : i32
      %add3A_255 = arith.addi %mul3A_104, %add3A_254 : i32
      %add3A_256 = arith.constant 1 : i32
      %add3A_257 = arith.addi %add3A_255, %add3A_256 : i32
      %dma_start3A_258 = arith.constant 3 : i32
      %dma_start3A_259 = arith.constant 0 : i32
      %dma_start3A_260 = arith.constant 0 : i32
      %dma_start3A_261 = tpu.memref_slice %arg8[%dma_start3A_258, %dma_start3A_259, %dma_start3A_260] : memref<4x500x32xf32, #tpu.memory_space<vmem>> -> memref<1x500x32xf32, #tpu.memory_space<vmem>>
      %dma_start3A_262 = tpu.memref_squeeze %dma_start3A_261 : memref<1x500x32xf32, #tpu.memory_space<vmem>> -> memref<500x32xf32, #tpu.memory_space<vmem>>
      %dma_start3A_263 = arith.constant 0 : i32
      %dma_start3A_264 = tpu.memref_slice %arg7[%add3A_257, %dma_start3A_263] : memref<20x500xi32, #tpu.memory_space<vmem>> -> memref<1x500xi32, #tpu.memory_space<vmem>>
      %dma_start3A_265 = tpu.memref_squeeze %dma_start3A_264 : memref<1x500xi32, #tpu.memory_space<vmem>> -> memref<500xi32, #tpu.memory_space<vmem>>
      %dma_start3A_266 = arith.constant 0 : i32
      %dma_start3A_267 = arith.constant 0 : i32
      %dma_start3A_268 = tpu.memref_slice %arg9[%dma_start3A_266, %dma_start3A_267] : memref<10240x32xf32, #tpu.memory_space<vmem_shared>> -> memref<10240x32xf32, #tpu.memory_space<vmem_shared>>
      tpu.enqueue_indirect_dma source(%dma_start3A_262 : memref<500x32xf32, #tpu.memory_space<vmem>>) target(%dma_start3A_268 : memref<10240x32xf32, #tpu.memory_space<vmem_shared>>) offsets(%dma_start3A_265 : memref<500xi32, #tpu.memory_space<vmem>>) semaphore(%arg11 : memref<!tpu.dma_semaphore, #tpu.memory_space<semaphore_mem>>) {add = true}
    }
    %scan3A_70 = arith.constant 5 : i32
    %dma_wait3A_71 = arith.constant 2 : i32
    %dma_wait3A_72 = arith.constant 0 : i32
    %dma_wait3A_73 = arith.constant 0 : i32
    %dma_wait3A_74 = arith.constant 0 : i32
    %dma_wait3A_75 = tpu.memref_slice %arg8[%dma_wait3A_71, %dma_wait3A_73, %dma_wait3A_74] : memref<4x500x32xf32, #tpu.memory_space<vmem>> -> memref<1x500x32xf32, #tpu.memory_space<vmem>>
    %dma_wait3A_76 = tpu.memref_squeeze %dma_wait3A_75 : memref<1x500x32xf32, #tpu.memory_space<vmem>> -> memref<500x32xf32, #tpu.memory_space<vmem>>
    %dma_wait3A_77 = arith.constant 0 : i32
    %dma_wait3A_78 = tpu.memref_slice %arg7[%dma_wait3A_72, %dma_wait3A_77] : memref<20x500xi32, #tpu.memory_space<vmem>> -> memref<1x500xi32, #tpu.memory_space<vmem>>
    %dma_wait3A_79 = tpu.memref_squeeze %dma_wait3A_78 : memref<1x500xi32, #tpu.memory_space<vmem>> -> memref<500xi32, #tpu.memory_space<vmem>>
    %dma_wait3A_80 = arith.constant 0 : i32
    %dma_wait3A_81 = arith.constant 0 : i32
    %dma_wait3A_82 = tpu.memref_slice %arg9[%dma_wait3A_80, %dma_wait3A_81] : memref<10240x32xf32, #tpu.memory_space<vmem_shared>> -> memref<10240x32xf32, #tpu.memory_space<vmem_shared>>
    tpu.wait_indirect_dma semaphore(%arg11 : memref<!tpu.dma_semaphore, #tpu.memory_space<semaphore_mem>>) src(%dma_wait3A_76 : memref<500x32xf32, #tpu.memory_space<vmem>>) dst(%dma_wait3A_82 : memref<10240x32xf32, #tpu.memory_space<vmem_shared>>)
    %dma_wait3A_83 = arith.constant 3 : i32
    %dma_wait3A_84 = arith.constant 0 : i32
    %dma_wait3A_85 = arith.constant 0 : i32
    %dma_wait3A_86 = arith.constant 0 : i32
    %dma_wait3A_87 = tpu.memref_slice %arg8[%dma_wait3A_83, %dma_wait3A_85, %dma_wait3A_86] : memref<4x500x32xf32, #tpu.memory_space<vmem>> -> memref<1x500x32xf32, #tpu.memory_space<vmem>>
    %dma_wait3A_88 = tpu.memref_squeeze %dma_wait3A_87 : memref<1x500x32xf32, #tpu.memory_space<vmem>> -> memref<500x32xf32, #tpu.memory_space<vmem>>
    %dma_wait3A_89 = arith.constant 0 : i32
    %dma_wait3A_90 = tpu.memref_slice %arg7[%dma_wait3A_84, %dma_wait3A_89] : memref<20x500xi32, #tpu.memory_space<vmem>> -> memref<1x500xi32, #tpu.memory_space<vmem>>
    %dma_wait3A_91 = tpu.memref_squeeze %dma_wait3A_90 : memref<1x500xi32, #tpu.memory_space<vmem>> -> memref<500xi32, #tpu.memory_space<vmem>>
    %dma_wait3A_92 = arith.constant 0 : i32
    %dma_wait3A_93 = arith.constant 0 : i32
    %dma_wait3A_94 = tpu.memref_slice %arg9[%dma_wait3A_92, %dma_wait3A_93] : memref<10240x32xf32, #tpu.memory_space<vmem_shared>> -> memref<10240x32xf32, #tpu.memory_space<vmem_shared>>
    tpu.wait_indirect_dma semaphore(%arg11 : memref<!tpu.dma_semaphore, #tpu.memory_space<semaphore_mem>>) src(%dma_wait3A_88 : memref<500x32xf32, #tpu.memory_space<vmem>>) dst(%dma_wait3A_94 : memref<10240x32xf32, #tpu.memory_space<vmem_shared>>)
    %barrier3A_95 = arith.constant 0 : index
    tpu.barrier barrier_id(%barrier3A_95)
    %mul3A_96 = arith.constant 640 : i32
    %mul3A_97 = arith.muli %arg1, %mul3A_96 : i32
    %mul3A_98 = arith.constant 640 : i32
    %mul3A_99 = arith.muli %arg1, %mul3A_98 : i32
    "tpu.region"() ({
      %run_scoped3A = tpu.sem_alloc : memref<!tpu.dma_semaphore, #tpu.memory_space<semaphore_mem>>
      %dma_start3A_100 = arith.constant 0 : i32
      %dma_start3A_101 = tpu.memref_slice %arg5[%arg0, %mul3A_99, %dma_start3A_100] : memref<2x10240x32xf32, #tpu.memory_space<hbm>> -> memref<1x640x32xf32, #tpu.memory_space<hbm>>
      %dma_start3A_102 = tpu.memref_squeeze %dma_start3A_101 : memref<1x640x32xf32, #tpu.memory_space<hbm>> -> memref<640x32xf32, #tpu.memory_space<hbm>>
      %dma_start3A_103 = arith.constant 0 : i32
      %dma_start3A_104 = tpu.memref_slice %arg9[%mul3A_97, %dma_start3A_103] : memref<10240x32xf32, #tpu.memory_space<vmem_shared>> -> memref<640x32xf32, #tpu.memory_space<vmem_shared>>
      tpu.enqueue_dma source(%dma_start3A_104 : memref<640x32xf32, #tpu.memory_space<vmem_shared>>) target(%dma_start3A_102 : memref<640x32xf32, #tpu.memory_space<hbm>>) target_semaphore(%run_scoped3A : memref<!tpu.dma_semaphore, #tpu.memory_space<semaphore_mem>>)
      %dma_wait3A_105 = arith.constant 0 : i32
      %dma_wait3A_106 = tpu.memref_slice %arg5[%arg0, %mul3A_99, %dma_wait3A_105] : memref<2x10240x32xf32, #tpu.memory_space<hbm>> -> memref<1x640x32xf32, #tpu.memory_space<hbm>>
      %dma_wait3A_107 = tpu.memref_squeeze %dma_wait3A_106 : memref<1x640x32xf32, #tpu.memory_space<hbm>> -> memref<640x32xf32, #tpu.memory_space<hbm>>
      %dma_wait3A_108 = arith.constant 0 : i32
      %dma_wait3A_109 = tpu.memref_slice %arg9[%mul3A_97, %dma_wait3A_108] : memref<10240x32xf32, #tpu.memory_space<vmem_shared>> -> memref<640x32xf32, #tpu.memory_space<vmem_shared>>
      tpu.wait_dma2 semaphore(%run_scoped3A : memref<!tpu.dma_semaphore, #tpu.memory_space<semaphore_mem>>) src(%dma_wait3A_109 : memref<640x32xf32, #tpu.memory_space<vmem_shared>>) dst(%dma_wait3A_107 : memref<640x32xf32, #tpu.memory_space<hbm>>)
      tpu.yield
    }) : () -> ()
    return
  }
}

#map = affine_map<(d0, d1) -> (0, 0, 0)>
#map1 = affine_map<(d0, d1) -> (0, 0)>
module attributes {stable_mosaic.version = 14 : i64} {
  func.func @_sc_degree(%arg0: i32, %arg1: i32, %arg2: memref<2x640x500xi32, #tpu.memory_space<hbm>>, %arg3: memref<500x8xf32, #tpu.memory_space<hbm>>, %arg4: memref<640x8xf32, #tpu.memory_space<hbm>>, %arg5: memref<2x10240x8xf32, #tpu.memory_space<hbm>>, %arg6: memref<20x500xi32, #tpu.memory_space<vmem>>, %arg7: memref<500x8xf32, #tpu.memory_space<vmem>>, %arg8: memref<10240x8xf32, #tpu.memory_space<vmem_shared>>, %arg9: memref<!tpu.dma_semaphore, #tpu.memory_space<semaphore_mem>>) attributes {dimension_semantics = [#tpu.dimension_semantics<core_parallel>, #tpu.dimension_semantics<subcore_parallel>], iteration_bounds = array<i64: 2, 16>, scalar_prefetch = 0 : i64, scratch_operands = 4 : i64, tpu.core_type = #tpu.core_type<sc_vector_subcore>, window_params = [{transform_indices = #map}, {transform_indices = #map1}, {transform_indices = #map1}, {transform_indices = #map}]} {
    %mul3A = arith.constant 2 : i32
    %mul3A_0 = arith.muli %arg1, %mul3A : i32
    %add3A = arith.addi %mul3A_0, %arg0 : i32
    %mul3A_1 = arith.constant 20 : i32
    %mul3A_2 = arith.muli %add3A, %mul3A_1 : i32
    %dma_start3A = arith.constant 1 : i32
    %dma_start3A_3 = arith.constant 0 : i32
    %dma_start3A_4 = tpu.memref_slice %arg2[%dma_start3A, %mul3A_2, %dma_start3A_3] : memref<2x640x500xi32, #tpu.memory_space<hbm>> -> memref<1x20x500xi32, #tpu.memory_space<hbm>>
    %dma_start3A_5 = tpu.memref_squeeze %dma_start3A_4 : memref<1x20x500xi32, #tpu.memory_space<hbm>> -> memref<20x500xi32, #tpu.memory_space<hbm>>
    %dma_start3A_6 = arith.constant 0 : i32
    %dma_start3A_7 = tpu.memref_slice %arg2[%dma_start3A, %mul3A_2, %dma_start3A_6] : memref<2x640x500xi32, #tpu.memory_space<hbm>> -> memref<1x20x500xi32, #tpu.memory_space<hbm>>
    %dma_start3A_8 = tpu.memref_squeeze %dma_start3A_7 : memref<1x20x500xi32, #tpu.memory_space<hbm>> -> memref<20x500xi32, #tpu.memory_space<hbm>>
    tpu.enqueue_dma source(%dma_start3A_8 : memref<20x500xi32, #tpu.memory_space<hbm>>) target(%arg6 : memref<20x500xi32, #tpu.memory_space<vmem>>) target_semaphore(%arg9 : memref<!tpu.dma_semaphore, #tpu.memory_space<semaphore_mem>>)
    tpu.enqueue_dma source(%arg3 : memref<500x8xf32, #tpu.memory_space<hbm>>) target(%arg7 : memref<500x8xf32, #tpu.memory_space<vmem>>) target_semaphore(%arg9 : memref<!tpu.dma_semaphore, #tpu.memory_space<semaphore_mem>>)
    %mul3A_9 = arith.constant 640 : i32
    %mul3A_10 = arith.muli %arg1, %mul3A_9 : i32
    %dma_start3A_11 = arith.constant 0 : i32
    %dma_start3A_12 = tpu.memref_slice %arg8[%mul3A_10, %dma_start3A_11] : memref<10240x8xf32, #tpu.memory_space<vmem_shared>> -> memref<640x8xf32, #tpu.memory_space<vmem_shared>>
    tpu.enqueue_dma source(%arg4 : memref<640x8xf32, #tpu.memory_space<hbm>>) target(%dma_start3A_12 : memref<640x8xf32, #tpu.memory_space<vmem_shared>>) target_semaphore(%arg9 : memref<!tpu.dma_semaphore, #tpu.memory_space<semaphore_mem>>)
    %dma_wait3A = arith.constant 1 : i32
    %dma_wait3A_13 = arith.constant 0 : i32
    %dma_wait3A_14 = arith.constant 0 : i32
    %dma_wait3A_15 = tpu.memref_slice %arg2[%dma_wait3A, %dma_wait3A_13, %dma_wait3A_14] : memref<2x640x500xi32, #tpu.memory_space<hbm>> -> memref<1x20x500xi32, #tpu.memory_space<hbm>>
    %dma_wait3A_16 = tpu.memref_squeeze %dma_wait3A_15 : memref<1x20x500xi32, #tpu.memory_space<hbm>> -> memref<20x500xi32, #tpu.memory_space<hbm>>
    %dma_wait3A_17 = arith.constant 0 : i32
    %dma_wait3A_18 = arith.constant 0 : i32
    %dma_wait3A_19 = tpu.memref_slice %arg2[%dma_wait3A, %dma_wait3A_17, %dma_wait3A_18] : memref<2x640x500xi32, #tpu.memory_space<hbm>> -> memref<1x20x500xi32, #tpu.memory_space<hbm>>
    %dma_wait3A_20 = tpu.memref_squeeze %dma_wait3A_19 : memref<1x20x500xi32, #tpu.memory_space<hbm>> -> memref<20x500xi32, #tpu.memory_space<hbm>>
    tpu.wait_dma2 semaphore(%arg9 : memref<!tpu.dma_semaphore, #tpu.memory_space<semaphore_mem>>) src(%dma_wait3A_20 : memref<20x500xi32, #tpu.memory_space<hbm>>) dst(%arg6 : memref<20x500xi32, #tpu.memory_space<vmem>>)
    tpu.wait_dma2 semaphore(%arg9 : memref<!tpu.dma_semaphore, #tpu.memory_space<semaphore_mem>>) src(%arg3 : memref<500x8xf32, #tpu.memory_space<hbm>>) dst(%arg7 : memref<500x8xf32, #tpu.memory_space<vmem>>)
    %dma_wait3A_21 = arith.constant 0 : i32
    %dma_wait3A_22 = arith.constant 0 : i32
    %dma_wait3A_23 = tpu.memref_slice %arg8[%dma_wait3A_21, %dma_wait3A_22] : memref<10240x8xf32, #tpu.memory_space<vmem_shared>> -> memref<640x8xf32, #tpu.memory_space<vmem_shared>>
    tpu.wait_dma2 semaphore(%arg9 : memref<!tpu.dma_semaphore, #tpu.memory_space<semaphore_mem>>) src(%arg4 : memref<640x8xf32, #tpu.memory_space<hbm>>) dst(%dma_wait3A_23 : memref<640x8xf32, #tpu.memory_space<vmem_shared>>)
    %barrier3A = arith.constant 0 : index
    tpu.barrier barrier_id(%barrier3A)
    %scan3A = arith.constant 0 : i32
    %scan3A_24 = arith.constant 0 : i32
    %scan3A_25 = arith.constant 5 : i32
    %scan3A_26 = arith.addi %scan3A_24, %scan3A_25 : i32
    %scan3A_27 = arith.constant 1 : i32
    scf.for %scan3A_62 = %scan3A_24 to %scan3A_26 step %scan3A_27  : i32 {
      %ge3A = arith.constant 1 : i32
      %ge3A_63 = arith.cmpi sge, %scan3A_62, %ge3A : i32
      %convert_element_type3A = arith.extui %ge3A_63 : i1 to i32
      %cond3A = arith.constant 0 : i32
      %cond3A_64 = arith.cmpi ne, %convert_element_type3A, %cond3A : i32
      scf.if %cond3A_64 {
        %dma_wait3A_105 = arith.constant 0 : i32
        %dma_wait3A_106 = arith.constant 0 : i32
        %dma_wait3A_107 = tpu.memref_slice %arg6[%dma_wait3A_105, %dma_wait3A_106] : memref<20x500xi32, #tpu.memory_space<vmem>> -> memref<1x500xi32, #tpu.memory_space<vmem>>
        %dma_wait3A_108 = tpu.memref_squeeze %dma_wait3A_107 : memref<1x500xi32, #tpu.memory_space<vmem>> -> memref<500xi32, #tpu.memory_space<vmem>>
        %dma_wait3A_109 = arith.constant 0 : i32
        %dma_wait3A_110 = arith.constant 0 : i32
        %dma_wait3A_111 = tpu.memref_slice %arg8[%dma_wait3A_109, %dma_wait3A_110] : memref<10240x8xf32, #tpu.memory_space<vmem_shared>> -> memref<10240x8xf32, #tpu.memory_space<vmem_shared>>
        tpu.wait_indirect_dma semaphore(%arg9 : memref<!tpu.dma_semaphore, #tpu.memory_space<semaphore_mem>>) src(%arg7 : memref<500x8xf32, #tpu.memory_space<vmem>>) dst(%dma_wait3A_111 : memref<10240x8xf32, #tpu.memory_space<vmem_shared>>)
        %dma_wait3A_112 = arith.constant 0 : i32
        %dma_wait3A_113 = arith.constant 0 : i32
        %dma_wait3A_114 = tpu.memref_slice %arg6[%dma_wait3A_112, %dma_wait3A_113] : memref<20x500xi32, #tpu.memory_space<vmem>> -> memref<1x500xi32, #tpu.memory_space<vmem>>
        %dma_wait3A_115 = tpu.memref_squeeze %dma_wait3A_114 : memref<1x500xi32, #tpu.memory_space<vmem>> -> memref<500xi32, #tpu.memory_space<vmem>>
        %dma_wait3A_116 = arith.constant 0 : i32
        %dma_wait3A_117 = arith.constant 0 : i32
        %dma_wait3A_118 = tpu.memref_slice %arg8[%dma_wait3A_116, %dma_wait3A_117] : memref<10240x8xf32, #tpu.memory_space<vmem_shared>> -> memref<10240x8xf32, #tpu.memory_space<vmem_shared>>
        tpu.wait_indirect_dma semaphore(%arg9 : memref<!tpu.dma_semaphore, #tpu.memory_space<semaphore_mem>>) src(%arg7 : memref<500x8xf32, #tpu.memory_space<vmem>>) dst(%dma_wait3A_118 : memref<10240x8xf32, #tpu.memory_space<vmem_shared>>)
        %dma_wait3A_119 = arith.constant 0 : i32
        %dma_wait3A_120 = arith.constant 0 : i32
        %dma_wait3A_121 = tpu.memref_slice %arg6[%dma_wait3A_119, %dma_wait3A_120] : memref<20x500xi32, #tpu.memory_space<vmem>> -> memref<1x500xi32, #tpu.memory_space<vmem>>
        %dma_wait3A_122 = tpu.memref_squeeze %dma_wait3A_121 : memref<1x500xi32, #tpu.memory_space<vmem>> -> memref<500xi32, #tpu.memory_space<vmem>>
        %dma_wait3A_123 = arith.constant 0 : i32
        %dma_wait3A_124 = arith.constant 0 : i32
        %dma_wait3A_125 = tpu.memref_slice %arg8[%dma_wait3A_123, %dma_wait3A_124] : memref<10240x8xf32, #tpu.memory_space<vmem_shared>> -> memref<10240x8xf32, #tpu.memory_space<vmem_shared>>
        tpu.wait_indirect_dma semaphore(%arg9 : memref<!tpu.dma_semaphore, #tpu.memory_space<semaphore_mem>>) src(%arg7 : memref<500x8xf32, #tpu.memory_space<vmem>>) dst(%dma_wait3A_125 : memref<10240x8xf32, #tpu.memory_space<vmem_shared>>)
        %dma_wait3A_126 = arith.constant 0 : i32
        %dma_wait3A_127 = arith.constant 0 : i32
        %dma_wait3A_128 = tpu.memref_slice %arg6[%dma_wait3A_126, %dma_wait3A_127] : memref<20x500xi32, #tpu.memory_space<vmem>> -> memref<1x500xi32, #tpu.memory_space<vmem>>
        %dma_wait3A_129 = tpu.memref_squeeze %dma_wait3A_128 : memref<1x500xi32, #tpu.memory_space<vmem>> -> memref<500xi32, #tpu.memory_space<vmem>>
        %dma_wait3A_130 = arith.constant 0 : i32
        %dma_wait3A_131 = arith.constant 0 : i32
        %dma_wait3A_132 = tpu.memref_slice %arg8[%dma_wait3A_130, %dma_wait3A_131] : memref<10240x8xf32, #tpu.memory_space<vmem_shared>> -> memref<10240x8xf32, #tpu.memory_space<vmem_shared>>
        tpu.wait_indirect_dma semaphore(%arg9 : memref<!tpu.dma_semaphore, #tpu.memory_space<semaphore_mem>>) src(%arg7 : memref<500x8xf32, #tpu.memory_space<vmem>>) dst(%dma_wait3A_132 : memref<10240x8xf32, #tpu.memory_space<vmem_shared>>)
      } else {
      }
      %mul3A_65 = arith.constant 4 : i32
      %mul3A_66 = arith.muli %scan3A_62, %mul3A_65 : i32
      %add3A_67 = arith.constant 0 : i32
      %add3A_68 = arith.addi %mul3A_66, %add3A_67 : i32
      %dma_start3A_69 = arith.constant 0 : i32
      %dma_start3A_70 = tpu.memref_slice %arg6[%add3A_68, %dma_start3A_69] : memref<20x500xi32, #tpu.memory_space<vmem>> -> memref<1x500xi32, #tpu.memory_space<vmem>>
      %dma_start3A_71 = tpu.memref_squeeze %dma_start3A_70 : memref<1x500xi32, #tpu.memory_space<vmem>> -> memref<500xi32, #tpu.memory_space<vmem>>
      %dma_start3A_72 = arith.constant 0 : i32
      %dma_start3A_73 = arith.constant 0 : i32
      %dma_start3A_74 = tpu.memref_slice %arg8[%dma_start3A_72, %dma_start3A_73] : memref<10240x8xf32, #tpu.memory_space<vmem_shared>> -> memref<10240x8xf32, #tpu.memory_space<vmem_shared>>
      tpu.enqueue_indirect_dma source(%arg7 : memref<500x8xf32, #tpu.memory_space<vmem>>) target(%dma_start3A_74 : memref<10240x8xf32, #tpu.memory_space<vmem_shared>>) offsets(%dma_start3A_71 : memref<500xi32, #tpu.memory_space<vmem>>) semaphore(%arg9 : memref<!tpu.dma_semaphore, #tpu.memory_space<semaphore_mem>>) {add = true}
      %mul3A_75 = arith.constant 4 : i32
      %mul3A_76 = arith.muli %scan3A_62, %mul3A_75 : i32
      %add3A_77 = arith.constant 1 : i32
      %add3A_78 = arith.addi %mul3A_76, %add3A_77 : i32
      %dma_start3A_79 = arith.constant 0 : i32
      %dma_start3A_80 = tpu.memref_slice %arg6[%add3A_78, %dma_start3A_79] : memref<20x500xi32, #tpu.memory_space<vmem>> -> memref<1x500xi32, #tpu.memory_space<vmem>>
      %dma_start3A_81 = tpu.memref_squeeze %dma_start3A_80 : memref<1x500xi32, #tpu.memory_space<vmem>> -> memref<500xi32, #tpu.memory_space<vmem>>
      %dma_start3A_82 = arith.constant 0 : i32
      %dma_start3A_83 = arith.constant 0 : i32
      %dma_start3A_84 = tpu.memref_slice %arg8[%dma_start3A_82, %dma_start3A_83] : memref<10240x8xf32, #tpu.memory_space<vmem_shared>> -> memref<10240x8xf32, #tpu.memory_space<vmem_shared>>
      tpu.enqueue_indirect_dma source(%arg7 : memref<500x8xf32, #tpu.memory_space<vmem>>) target(%dma_start3A_84 : memref<10240x8xf32, #tpu.memory_space<vmem_shared>>) offsets(%dma_start3A_81 : memref<500xi32, #tpu.memory_space<vmem>>) semaphore(%arg9 : memref<!tpu.dma_semaphore, #tpu.memory_space<semaphore_mem>>) {add = true}
      %mul3A_85 = arith.constant 4 : i32
      %mul3A_86 = arith.muli %scan3A_62, %mul3A_85 : i32
      %add3A_87 = arith.constant 2 : i32
      %add3A_88 = arith.addi %mul3A_86, %add3A_87 : i32
      %dma_start3A_89 = arith.constant 0 : i32
      %dma_start3A_90 = tpu.memref_slice %arg6[%add3A_88, %dma_start3A_89] : memref<20x500xi32, #tpu.memory_space<vmem>> -> memref<1x500xi32, #tpu.memory_space<vmem>>
      %dma_start3A_91 = tpu.memref_squeeze %dma_start3A_90 : memref<1x500xi32, #tpu.memory_space<vmem>> -> memref<500xi32, #tpu.memory_space<vmem>>
      %dma_start3A_92 = arith.constant 0 : i32
      %dma_start3A_93 = arith.constant 0 : i32
      %dma_start3A_94 = tpu.memref_slice %arg8[%dma_start3A_92, %dma_start3A_93] : memref<10240x8xf32, #tpu.memory_space<vmem_shared>> -> memref<10240x8xf32, #tpu.memory_space<vmem_shared>>
      tpu.enqueue_indirect_dma source(%arg7 : memref<500x8xf32, #tpu.memory_space<vmem>>) target(%dma_start3A_94 : memref<10240x8xf32, #tpu.memory_space<vmem_shared>>) offsets(%dma_start3A_91 : memref<500xi32, #tpu.memory_space<vmem>>) semaphore(%arg9 : memref<!tpu.dma_semaphore, #tpu.memory_space<semaphore_mem>>) {add = true}
      %mul3A_95 = arith.constant 4 : i32
      %mul3A_96 = arith.muli %scan3A_62, %mul3A_95 : i32
      %add3A_97 = arith.constant 3 : i32
      %add3A_98 = arith.addi %mul3A_96, %add3A_97 : i32
      %dma_start3A_99 = arith.constant 0 : i32
      %dma_start3A_100 = tpu.memref_slice %arg6[%add3A_98, %dma_start3A_99] : memref<20x500xi32, #tpu.memory_space<vmem>> -> memref<1x500xi32, #tpu.memory_space<vmem>>
      %dma_start3A_101 = tpu.memref_squeeze %dma_start3A_100 : memref<1x500xi32, #tpu.memory_space<vmem>> -> memref<500xi32, #tpu.memory_space<vmem>>
      %dma_start3A_102 = arith.constant 0 : i32
      %dma_start3A_103 = arith.constant 0 : i32
      %dma_start3A_104 = tpu.memref_slice %arg8[%dma_start3A_102, %dma_start3A_103] : memref<10240x8xf32, #tpu.memory_space<vmem_shared>> -> memref<10240x8xf32, #tpu.memory_space<vmem_shared>>
      tpu.enqueue_indirect_dma source(%arg7 : memref<500x8xf32, #tpu.memory_space<vmem>>) target(%dma_start3A_104 : memref<10240x8xf32, #tpu.memory_space<vmem_shared>>) offsets(%dma_start3A_101 : memref<500xi32, #tpu.memory_space<vmem>>) semaphore(%arg9 : memref<!tpu.dma_semaphore, #tpu.memory_space<semaphore_mem>>) {add = true}
    }
    %scan3A_28 = arith.constant 5 : i32
    %dma_wait3A_29 = arith.constant 0 : i32
    %dma_wait3A_30 = arith.constant 0 : i32
    %dma_wait3A_31 = tpu.memref_slice %arg6[%dma_wait3A_29, %dma_wait3A_30] : memref<20x500xi32, #tpu.memory_space<vmem>> -> memref<1x500xi32, #tpu.memory_space<vmem>>
    %dma_wait3A_32 = tpu.memref_squeeze %dma_wait3A_31 : memref<1x500xi32, #tpu.memory_space<vmem>> -> memref<500xi32, #tpu.memory_space<vmem>>
    %dma_wait3A_33 = arith.constant 0 : i32
    %dma_wait3A_34 = arith.constant 0 : i32
    %dma_wait3A_35 = tpu.memref_slice %arg8[%dma_wait3A_33, %dma_wait3A_34] : memref<10240x8xf32, #tpu.memory_space<vmem_shared>> -> memref<10240x8xf32, #tpu.memory_space<vmem_shared>>
    tpu.wait_indirect_dma semaphore(%arg9 : memref<!tpu.dma_semaphore, #tpu.memory_space<semaphore_mem>>) src(%arg7 : memref<500x8xf32, #tpu.memory_space<vmem>>) dst(%dma_wait3A_35 : memref<10240x8xf32, #tpu.memory_space<vmem_shared>>)
    %dma_wait3A_36 = arith.constant 0 : i32
    %dma_wait3A_37 = arith.constant 0 : i32
    %dma_wait3A_38 = tpu.memref_slice %arg6[%dma_wait3A_36, %dma_wait3A_37] : memref<20x500xi32, #tpu.memory_space<vmem>> -> memref<1x500xi32, #tpu.memory_space<vmem>>
    %dma_wait3A_39 = tpu.memref_squeeze %dma_wait3A_38 : memref<1x500xi32, #tpu.memory_space<vmem>> -> memref<500xi32, #tpu.memory_space<vmem>>
    %dma_wait3A_40 = arith.constant 0 : i32
    %dma_wait3A_41 = arith.constant 0 : i32
    %dma_wait3A_42 = tpu.memref_slice %arg8[%dma_wait3A_40, %dma_wait3A_41] : memref<10240x8xf32, #tpu.memory_space<vmem_shared>> -> memref<10240x8xf32, #tpu.memory_space<vmem_shared>>
    tpu.wait_indirect_dma semaphore(%arg9 : memref<!tpu.dma_semaphore, #tpu.memory_space<semaphore_mem>>) src(%arg7 : memref<500x8xf32, #tpu.memory_space<vmem>>) dst(%dma_wait3A_42 : memref<10240x8xf32, #tpu.memory_space<vmem_shared>>)
    %dma_wait3A_43 = arith.constant 0 : i32
    %dma_wait3A_44 = arith.constant 0 : i32
    %dma_wait3A_45 = tpu.memref_slice %arg6[%dma_wait3A_43, %dma_wait3A_44] : memref<20x500xi32, #tpu.memory_space<vmem>> -> memref<1x500xi32, #tpu.memory_space<vmem>>
    %dma_wait3A_46 = tpu.memref_squeeze %dma_wait3A_45 : memref<1x500xi32, #tpu.memory_space<vmem>> -> memref<500xi32, #tpu.memory_space<vmem>>
    %dma_wait3A_47 = arith.constant 0 : i32
    %dma_wait3A_48 = arith.constant 0 : i32
    %dma_wait3A_49 = tpu.memref_slice %arg8[%dma_wait3A_47, %dma_wait3A_48] : memref<10240x8xf32, #tpu.memory_space<vmem_shared>> -> memref<10240x8xf32, #tpu.memory_space<vmem_shared>>
    tpu.wait_indirect_dma semaphore(%arg9 : memref<!tpu.dma_semaphore, #tpu.memory_space<semaphore_mem>>) src(%arg7 : memref<500x8xf32, #tpu.memory_space<vmem>>) dst(%dma_wait3A_49 : memref<10240x8xf32, #tpu.memory_space<vmem_shared>>)
    %dma_wait3A_50 = arith.constant 0 : i32
    %dma_wait3A_51 = arith.constant 0 : i32
    %dma_wait3A_52 = tpu.memref_slice %arg6[%dma_wait3A_50, %dma_wait3A_51] : memref<20x500xi32, #tpu.memory_space<vmem>> -> memref<1x500xi32, #tpu.memory_space<vmem>>
    %dma_wait3A_53 = tpu.memref_squeeze %dma_wait3A_52 : memref<1x500xi32, #tpu.memory_space<vmem>> -> memref<500xi32, #tpu.memory_space<vmem>>
    %dma_wait3A_54 = arith.constant 0 : i32
    %dma_wait3A_55 = arith.constant 0 : i32
    %dma_wait3A_56 = tpu.memref_slice %arg8[%dma_wait3A_54, %dma_wait3A_55] : memref<10240x8xf32, #tpu.memory_space<vmem_shared>> -> memref<10240x8xf32, #tpu.memory_space<vmem_shared>>
    tpu.wait_indirect_dma semaphore(%arg9 : memref<!tpu.dma_semaphore, #tpu.memory_space<semaphore_mem>>) src(%arg7 : memref<500x8xf32, #tpu.memory_space<vmem>>) dst(%dma_wait3A_56 : memref<10240x8xf32, #tpu.memory_space<vmem_shared>>)
    %barrier3A_57 = arith.constant 0 : index
    tpu.barrier barrier_id(%barrier3A_57)
    %mul3A_58 = arith.constant 640 : i32
    %mul3A_59 = arith.muli %arg1, %mul3A_58 : i32
    %mul3A_60 = arith.constant 640 : i32
    %mul3A_61 = arith.muli %arg1, %mul3A_60 : i32
    "tpu.region"() ({
      %run_scoped3A = tpu.sem_alloc : memref<!tpu.dma_semaphore, #tpu.memory_space<semaphore_mem>>
      %dma_start3A_62 = arith.constant 0 : i32
      %dma_start3A_63 = tpu.memref_slice %arg5[%arg0, %mul3A_61, %dma_start3A_62] : memref<2x10240x8xf32, #tpu.memory_space<hbm>> -> memref<1x640x8xf32, #tpu.memory_space<hbm>>
      %dma_start3A_64 = tpu.memref_squeeze %dma_start3A_63 : memref<1x640x8xf32, #tpu.memory_space<hbm>> -> memref<640x8xf32, #tpu.memory_space<hbm>>
      %dma_start3A_65 = arith.constant 0 : i32
      %dma_start3A_66 = tpu.memref_slice %arg8[%mul3A_59, %dma_start3A_65] : memref<10240x8xf32, #tpu.memory_space<vmem_shared>> -> memref<640x8xf32, #tpu.memory_space<vmem_shared>>
      tpu.enqueue_dma source(%dma_start3A_66 : memref<640x8xf32, #tpu.memory_space<vmem_shared>>) target(%dma_start3A_64 : memref<640x8xf32, #tpu.memory_space<hbm>>) target_semaphore(%run_scoped3A : memref<!tpu.dma_semaphore, #tpu.memory_space<semaphore_mem>>)
      %dma_wait3A_67 = arith.constant 0 : i32
      %dma_wait3A_68 = tpu.memref_slice %arg5[%arg0, %mul3A_61, %dma_wait3A_67] : memref<2x10240x8xf32, #tpu.memory_space<hbm>> -> memref<1x640x8xf32, #tpu.memory_space<hbm>>
      %dma_wait3A_69 = tpu.memref_squeeze %dma_wait3A_68 : memref<1x640x8xf32, #tpu.memory_space<hbm>> -> memref<640x8xf32, #tpu.memory_space<hbm>>
      %dma_wait3A_70 = arith.constant 0 : i32
      %dma_wait3A_71 = tpu.memref_slice %arg8[%mul3A_59, %dma_wait3A_70] : memref<10240x8xf32, #tpu.memory_space<vmem_shared>> -> memref<640x8xf32, #tpu.memory_space<vmem_shared>>
      tpu.wait_dma2 semaphore(%run_scoped3A : memref<!tpu.dma_semaphore, #tpu.memory_space<semaphore_mem>>) src(%dma_wait3A_71 : memref<640x8xf32, #tpu.memory_space<vmem_shared>>) dst(%dma_wait3A_69 : memref<640x8xf32, #tpu.memory_space<hbm>>)
      tpu.yield
    }) : () -> ()
    return
  }
}

#map = affine_map<(d0, d1) -> (0, 0, 0)>
#map1 = affine_map<(d0, d1) -> (0, 0)>
module attributes {stable_mosaic.version = 14 : i64} {
  func.func @_sc_aggregate(%arg0: i32, %arg1: i32, %arg2: memref<2x640x500xi32, #tpu.memory_space<hbm>>, %arg3: memref<10000x32xf32, #tpu.memory_space<hbm>>, %arg4: memref<640x32xf32, #tpu.memory_space<hbm>>, %arg5: memref<2x10240x32xf32, #tpu.memory_space<hbm>>, %arg6: memref<20x500xi32, #tpu.memory_space<vmem>>, %arg7: memref<20x500xi32, #tpu.memory_space<vmem>>, %arg8: memref<4x500x32xf32, #tpu.memory_space<vmem>>, %arg9: memref<10240x32xf32, #tpu.memory_space<vmem_shared>>, %arg10: memref<!tpu.dma_semaphore, #tpu.memory_space<semaphore_mem>>, %arg11: memref<!tpu.dma_semaphore, #tpu.memory_space<semaphore_mem>>) attributes {dimension_semantics = [#tpu.dimension_semantics<core_parallel>, #tpu.dimension_semantics<subcore_parallel>], iteration_bounds = array<i64: 2, 16>, scalar_prefetch = 0 : i64, scratch_operands = 6 : i64, tpu.core_type = #tpu.core_type<sc_vector_subcore>, window_params = [{transform_indices = #map}, {transform_indices = #map1}, {transform_indices = #map1}, {transform_indices = #map}]} {
    %mul3A = arith.constant 2 : i32
    %mul3A_0 = arith.muli %arg1, %mul3A : i32
    %add3A = arith.addi %mul3A_0, %arg0 : i32
    %mul3A_1 = arith.constant 20 : i32
    %mul3A_2 = arith.muli %add3A, %mul3A_1 : i32
    %dma_start3A = arith.constant 0 : i32
    %dma_start3A_3 = arith.constant 0 : i32
    %dma_start3A_4 = tpu.memref_slice %arg2[%dma_start3A, %mul3A_2, %dma_start3A_3] : memref<2x640x500xi32, #tpu.memory_space<hbm>> -> memref<1x20x500xi32, #tpu.memory_space<hbm>>
    %dma_start3A_5 = tpu.memref_squeeze %dma_start3A_4 : memref<1x20x500xi32, #tpu.memory_space<hbm>> -> memref<20x500xi32, #tpu.memory_space<hbm>>
    %dma_start3A_6 = arith.constant 0 : i32
    %dma_start3A_7 = tpu.memref_slice %arg2[%dma_start3A, %mul3A_2, %dma_start3A_6] : memref<2x640x500xi32, #tpu.memory_space<hbm>> -> memref<1x20x500xi32, #tpu.memory_space<hbm>>
    %dma_start3A_8 = tpu.memref_squeeze %dma_start3A_7 : memref<1x20x500xi32, #tpu.memory_space<hbm>> -> memref<20x500xi32, #tpu.memory_space<hbm>>
    tpu.enqueue_dma source(%dma_start3A_8 : memref<20x500xi32, #tpu.memory_space<hbm>>) target(%arg6 : memref<20x500xi32, #tpu.memory_space<vmem>>) target_semaphore(%arg10 : memref<!tpu.dma_semaphore, #tpu.memory_space<semaphore_mem>>)
    %mul3A_9 = arith.constant 20 : i32
    %mul3A_10 = arith.muli %add3A, %mul3A_9 : i32
    %dma_start3A_11 = arith.constant 1 : i32
    %dma_start3A_12 = arith.constant 0 : i32
    %dma_start3A_13 = tpu.memref_slice %arg2[%dma_start3A_11, %mul3A_10, %dma_start3A_12] : memref<2x640x500xi32, #tpu.memory_space<hbm>> -> memref<1x20x500xi32, #tpu.memory_space<hbm>>
    %dma_start3A_14 = tpu.memref_squeeze %dma_start3A_13 : memref<1x20x500xi32, #tpu.memory_space<hbm>> -> memref<20x500xi32, #tpu.memory_space<hbm>>
    %dma_start3A_15 = arith.constant 0 : i32
    %dma_start3A_16 = tpu.memref_slice %arg2[%dma_start3A_11, %mul3A_10, %dma_start3A_15] : memref<2x640x500xi32, #tpu.memory_space<hbm>> -> memref<1x20x500xi32, #tpu.memory_space<hbm>>
    %dma_start3A_17 = tpu.memref_squeeze %dma_start3A_16 : memref<1x20x500xi32, #tpu.memory_space<hbm>> -> memref<20x500xi32, #tpu.memory_space<hbm>>
    tpu.enqueue_dma source(%dma_start3A_17 : memref<20x500xi32, #tpu.memory_space<hbm>>) target(%arg7 : memref<20x500xi32, #tpu.memory_space<vmem>>) target_semaphore(%arg10 : memref<!tpu.dma_semaphore, #tpu.memory_space<semaphore_mem>>)
    %mul3A_18 = arith.constant 640 : i32
    %mul3A_19 = arith.muli %arg1, %mul3A_18 : i32
    %dma_start3A_20 = arith.constant 0 : i32
    %dma_start3A_21 = tpu.memref_slice %arg9[%mul3A_19, %dma_start3A_20] : memref<10240x32xf32, #tpu.memory_space<vmem_shared>> -> memref<640x32xf32, #tpu.memory_space<vmem_shared>>
    tpu.enqueue_dma source(%arg4 : memref<640x32xf32, #tpu.memory_space<hbm>>) target(%dma_start3A_21 : memref<640x32xf32, #tpu.memory_space<vmem_shared>>) target_semaphore(%arg10 : memref<!tpu.dma_semaphore, #tpu.memory_space<semaphore_mem>>)
    %dma_wait3A = arith.constant 0 : i32
    %dma_wait3A_22 = arith.constant 0 : i32
    %dma_wait3A_23 = arith.constant 0 : i32
    %dma_wait3A_24 = tpu.memref_slice %arg2[%dma_wait3A, %dma_wait3A_22, %dma_wait3A_23] : memref<2x640x500xi32, #tpu.memory_space<hbm>> -> memref<1x20x500xi32, #tpu.memory_space<hbm>>
    %dma_wait3A_25 = tpu.memref_squeeze %dma_wait3A_24 : memref<1x20x500xi32, #tpu.memory_space<hbm>> -> memref<20x500xi32, #tpu.memory_space<hbm>>
    %dma_wait3A_26 = arith.constant 0 : i32
    %dma_wait3A_27 = arith.constant 0 : i32
    %dma_wait3A_28 = tpu.memref_slice %arg2[%dma_wait3A, %dma_wait3A_26, %dma_wait3A_27] : memref<2x640x500xi32, #tpu.memory_space<hbm>> -> memref<1x20x500xi32, #tpu.memory_space<hbm>>
    %dma_wait3A_29 = tpu.memref_squeeze %dma_wait3A_28 : memref<1x20x500xi32, #tpu.memory_space<hbm>> -> memref<20x500xi32, #tpu.memory_space<hbm>>
    tpu.wait_dma2 semaphore(%arg10 : memref<!tpu.dma_semaphore, #tpu.memory_space<semaphore_mem>>) src(%dma_wait3A_29 : memref<20x500xi32, #tpu.memory_space<hbm>>) dst(%arg6 : memref<20x500xi32, #tpu.memory_space<vmem>>)
    %dma_wait3A_30 = arith.constant 1 : i32
    %dma_wait3A_31 = arith.constant 0 : i32
    %dma_wait3A_32 = arith.constant 0 : i32
    %dma_wait3A_33 = tpu.memref_slice %arg2[%dma_wait3A_30, %dma_wait3A_31, %dma_wait3A_32] : memref<2x640x500xi32, #tpu.memory_space<hbm>> -> memref<1x20x500xi32, #tpu.memory_space<hbm>>
    %dma_wait3A_34 = tpu.memref_squeeze %dma_wait3A_33 : memref<1x20x500xi32, #tpu.memory_space<hbm>> -> memref<20x500xi32, #tpu.memory_space<hbm>>
    %dma_wait3A_35 = arith.constant 0 : i32
    %dma_wait3A_36 = arith.constant 0 : i32
    %dma_wait3A_37 = tpu.memref_slice %arg2[%dma_wait3A_30, %dma_wait3A_35, %dma_wait3A_36] : memref<2x640x500xi32, #tpu.memory_space<hbm>> -> memref<1x20x500xi32, #tpu.memory_space<hbm>>
    %dma_wait3A_38 = tpu.memref_squeeze %dma_wait3A_37 : memref<1x20x500xi32, #tpu.memory_space<hbm>> -> memref<20x500xi32, #tpu.memory_space<hbm>>
    tpu.wait_dma2 semaphore(%arg10 : memref<!tpu.dma_semaphore, #tpu.memory_space<semaphore_mem>>) src(%dma_wait3A_38 : memref<20x500xi32, #tpu.memory_space<hbm>>) dst(%arg7 : memref<20x500xi32, #tpu.memory_space<vmem>>)
    %dma_wait3A_39 = arith.constant 0 : i32
    %dma_wait3A_40 = arith.constant 0 : i32
    %dma_wait3A_41 = tpu.memref_slice %arg9[%dma_wait3A_39, %dma_wait3A_40] : memref<10240x32xf32, #tpu.memory_space<vmem_shared>> -> memref<640x32xf32, #tpu.memory_space<vmem_shared>>
    tpu.wait_dma2 semaphore(%arg10 : memref<!tpu.dma_semaphore, #tpu.memory_space<semaphore_mem>>) src(%arg4 : memref<640x32xf32, #tpu.memory_space<hbm>>) dst(%dma_wait3A_41 : memref<640x32xf32, #tpu.memory_space<vmem_shared>>)
    %dma_start3A_42 = arith.constant 0 : i32
    %dma_start3A_43 = arith.constant 0 : i32
    %dma_start3A_44 = arith.constant 0 : i32
    %dma_start3A_45 = arith.constant 0 : i32
    %dma_start3A_46 = tpu.memref_slice %arg8[%dma_start3A_43, %dma_start3A_44, %dma_start3A_45] : memref<4x500x32xf32, #tpu.memory_space<vmem>> -> memref<1x500x32xf32, #tpu.memory_space<vmem>>
    %dma_start3A_47 = tpu.memref_squeeze %dma_start3A_46 : memref<1x500x32xf32, #tpu.memory_space<vmem>> -> memref<500x32xf32, #tpu.memory_space<vmem>>
    %dma_start3A_48 = arith.constant 0 : i32
    %dma_start3A_49 = tpu.memref_slice %arg6[%dma_start3A_42, %dma_start3A_48] : memref<20x500xi32, #tpu.memory_space<vmem>> -> memref<1x500xi32, #tpu.memory_space<vmem>>
    %dma_start3A_50 = tpu.memref_squeeze %dma_start3A_49 : memref<1x500xi32, #tpu.memory_space<vmem>> -> memref<500xi32, #tpu.memory_space<vmem>>
    %dma_start3A_51 = arith.constant 0 : i32
    %dma_start3A_52 = arith.constant 0 : i32
    %dma_start3A_53 = tpu.memref_slice %arg3[%dma_start3A_51, %dma_start3A_52] : memref<10000x32xf32, #tpu.memory_space<hbm>> -> memref<10000x32xf32, #tpu.memory_space<hbm>>
    tpu.enqueue_indirect_dma source(%dma_start3A_53 : memref<10000x32xf32, #tpu.memory_space<hbm>>) target(%dma_start3A_47 : memref<500x32xf32, #tpu.memory_space<vmem>>) offsets(%dma_start3A_50 : memref<500xi32, #tpu.memory_space<vmem>>) semaphore(%arg10 : memref<!tpu.dma_semaphore, #tpu.memory_space<semaphore_mem>>)
    %dma_start3A_54 = arith.constant 1 : i32
    %dma_start3A_55 = arith.constant 1 : i32
    %dma_start3A_56 = arith.constant 0 : i32
    %dma_start3A_57 = arith.constant 0 : i32
    %dma_start3A_58 = tpu.memref_slice %arg8[%dma_start3A_55, %dma_start3A_56, %dma_start3A_57] : memref<4x500x32xf32, #tpu.memory_space<vmem>> -> memref<1x500x32xf32, #tpu.memory_space<vmem>>
    %dma_start3A_59 = tpu.memref_squeeze %dma_start3A_58 : memref<1x500x32xf32, #tpu.memory_space<vmem>> -> memref<500x32xf32, #tpu.memory_space<vmem>>
    %dma_start3A_60 = arith.constant 0 : i32
    %dma_start3A_61 = tpu.memref_slice %arg6[%dma_start3A_54, %dma_start3A_60] : memref<20x500xi32, #tpu.memory_space<vmem>> -> memref<1x500xi32, #tpu.memory_space<vmem>>
    %dma_start3A_62 = tpu.memref_squeeze %dma_start3A_61 : memref<1x500xi32, #tpu.memory_space<vmem>> -> memref<500xi32, #tpu.memory_space<vmem>>
    %dma_start3A_63 = arith.constant 0 : i32
    %dma_start3A_64 = arith.constant 0 : i32
    %dma_start3A_65 = tpu.memref_slice %arg3[%dma_start3A_63, %dma_start3A_64] : memref<10000x32xf32, #tpu.memory_space<hbm>> -> memref<10000x32xf32, #tpu.memory_space<hbm>>
    tpu.enqueue_indirect_dma source(%dma_start3A_65 : memref<10000x32xf32, #tpu.memory_space<hbm>>) target(%dma_start3A_59 : memref<500x32xf32, #tpu.memory_space<vmem>>) offsets(%dma_start3A_62 : memref<500xi32, #tpu.memory_space<vmem>>) semaphore(%arg10 : memref<!tpu.dma_semaphore, #tpu.memory_space<semaphore_mem>>)
    %barrier3A = arith.constant 0 : index
    tpu.barrier barrier_id(%barrier3A)
    %scan3A = arith.constant 0 : i32
    %scan3A_66 = arith.constant 0 : i32
    %scan3A_67 = arith.constant 5 : i32
    %scan3A_68 = arith.addi %scan3A_66, %scan3A_67 : i32
    %scan3A_69 = arith.constant 1 : i32
    scf.for %scan3A_100 = %scan3A_66 to %scan3A_68 step %scan3A_69  : i32 {
      %mul3A_101 = arith.constant 2 : i32
      %mul3A_102 = arith.muli %scan3A_100, %mul3A_101 : i32
      %mul3A_103 = arith.constant 2 : i32
      %mul3A_104 = arith.muli %mul3A_102, %mul3A_103 : i32
      %dma_wait3A_105 = arith.constant 0 : i32
      %dma_wait3A_106 = arith.constant 0 : i32
      %dma_wait3A_107 = arith.constant 0 : i32
      %dma_wait3A_108 = arith.constant 0 : i32
      %dma_wait3A_109 = tpu.memref_slice %arg8[%dma_wait3A_106, %dma_wait3A_107, %dma_wait3A_108] : memref<4x500x32xf32, #tpu.memory_space<vmem>> -> memref<1x500x32xf32, #tpu.memory_space<vmem>>
      %dma_wait3A_110 = tpu.memref_squeeze %dma_wait3A_109 : memref<1x500x32xf32, #tpu.memory_space<vmem>> -> memref<500x32xf32, #tpu.memory_space<vmem>>
      %dma_wait3A_111 = arith.constant 0 : i32
      %dma_wait3A_112 = tpu.memref_slice %arg6[%dma_wait3A_105, %dma_wait3A_111] : memref<20x500xi32, #tpu.memory_space<vmem>> -> memref<1x500xi32, #tpu.memory_space<vmem>>
      %dma_wait3A_113 = tpu.memref_squeeze %dma_wait3A_112 : memref<1x500xi32, #tpu.memory_space<vmem>> -> memref<500xi32, #tpu.memory_space<vmem>>
      %dma_wait3A_114 = arith.constant 0 : i32
      %dma_wait3A_115 = arith.constant 0 : i32
      %dma_wait3A_116 = tpu.memref_slice %arg3[%dma_wait3A_114, %dma_wait3A_115] : memref<10000x32xf32, #tpu.memory_space<hbm>> -> memref<10000x32xf32, #tpu.memory_space<hbm>>
      tpu.wait_indirect_dma semaphore(%arg10 : memref<!tpu.dma_semaphore, #tpu.memory_space<semaphore_mem>>) src(%dma_wait3A_116 : memref<10000x32xf32, #tpu.memory_space<hbm>>) dst(%dma_wait3A_110 : memref<500x32xf32, #tpu.memory_space<vmem>>)
      %dma_wait3A_117 = arith.constant 0 : i32
      %dma_wait3A_118 = arith.constant 1 : i32
      %dma_wait3A_119 = arith.constant 0 : i32
      %dma_wait3A_120 = arith.constant 0 : i32
      %dma_wait3A_121 = tpu.memref_slice %arg8[%dma_wait3A_118, %dma_wait3A_119, %dma_wait3A_120] : memref<4x500x32xf32, #tpu.memory_space<vmem>> -> memref<1x500x32xf32, #tpu.memory_space<vmem>>
      %dma_wait3A_122 = tpu.memref_squeeze %dma_wait3A_121 : memref<1x500x32xf32, #tpu.memory_space<vmem>> -> memref<500x32xf32, #tpu.memory_space<vmem>>
      %dma_wait3A_123 = arith.constant 0 : i32
      %dma_wait3A_124 = tpu.memref_slice %arg6[%dma_wait3A_117, %dma_wait3A_123] : memref<20x500xi32, #tpu.memory_space<vmem>> -> memref<1x500xi32, #tpu.memory_space<vmem>>
      %dma_wait3A_125 = tpu.memref_squeeze %dma_wait3A_124 : memref<1x500xi32, #tpu.memory_space<vmem>> -> memref<500xi32, #tpu.memory_space<vmem>>
      %dma_wait3A_126 = arith.constant 0 : i32
      %dma_wait3A_127 = arith.constant 0 : i32
      %dma_wait3A_128 = tpu.memref_slice %arg3[%dma_wait3A_126, %dma_wait3A_127] : memref<10000x32xf32, #tpu.memory_space<hbm>> -> memref<10000x32xf32, #tpu.memory_space<hbm>>
      tpu.wait_indirect_dma semaphore(%arg10 : memref<!tpu.dma_semaphore, #tpu.memory_space<semaphore_mem>>) src(%dma_wait3A_128 : memref<10000x32xf32, #tpu.memory_space<hbm>>) dst(%dma_wait3A_122 : memref<500x32xf32, #tpu.memory_space<vmem>>)
      %ge3A = arith.constant 1 : i32
      %ge3A_129 = arith.cmpi sge, %scan3A_100, %ge3A : i32
      %convert_element_type3A = arith.extui %ge3A_129 : i1 to i32
      %cond3A = arith.constant 0 : i32
      %cond3A_130 = arith.cmpi ne, %convert_element_type3A, %cond3A : i32
      scf.if %cond3A_130 {
        %dma_wait3A_269 = arith.constant 2 : i32
        %dma_wait3A_270 = arith.constant 0 : i32
        %dma_wait3A_271 = arith.constant 0 : i32
        %dma_wait3A_272 = arith.constant 0 : i32
        %dma_wait3A_273 = tpu.memref_slice %arg8[%dma_wait3A_269, %dma_wait3A_271, %dma_wait3A_272] : memref<4x500x32xf32, #tpu.memory_space<vmem>> -> memref<1x500x32xf32, #tpu.memory_space<vmem>>
        %dma_wait3A_274 = tpu.memref_squeeze %dma_wait3A_273 : memref<1x500x32xf32, #tpu.memory_space<vmem>> -> memref<500x32xf32, #tpu.memory_space<vmem>>
        %dma_wait3A_275 = arith.constant 0 : i32
        %dma_wait3A_276 = tpu.memref_slice %arg7[%dma_wait3A_270, %dma_wait3A_275] : memref<20x500xi32, #tpu.memory_space<vmem>> -> memref<1x500xi32, #tpu.memory_space<vmem>>
        %dma_wait3A_277 = tpu.memref_squeeze %dma_wait3A_276 : memref<1x500xi32, #tpu.memory_space<vmem>> -> memref<500xi32, #tpu.memory_space<vmem>>
        %dma_wait3A_278 = arith.constant 0 : i32
        %dma_wait3A_279 = arith.constant 0 : i32
        %dma_wait3A_280 = tpu.memref_slice %arg9[%dma_wait3A_278, %dma_wait3A_279] : memref<10240x32xf32, #tpu.memory_space<vmem_shared>> -> memref<10240x32xf32, #tpu.memory_space<vmem_shared>>
        tpu.wait_indirect_dma semaphore(%arg11 : memref<!tpu.dma_semaphore, #tpu.memory_space<semaphore_mem>>) src(%dma_wait3A_274 : memref<500x32xf32, #tpu.memory_space<vmem>>) dst(%dma_wait3A_280 : memref<10240x32xf32, #tpu.memory_space<vmem_shared>>)
        %dma_wait3A_281 = arith.constant 3 : i32
        %dma_wait3A_282 = arith.constant 0 : i32
        %dma_wait3A_283 = arith.constant 0 : i32
        %dma_wait3A_284 = arith.constant 0 : i32
        %dma_wait3A_285 = tpu.memref_slice %arg8[%dma_wait3A_281, %dma_wait3A_283, %dma_wait3A_284] : memref<4x500x32xf32, #tpu.memory_space<vmem>> -> memref<1x500x32xf32, #tpu.memory_space<vmem>>
        %dma_wait3A_286 = tpu.memref_squeeze %dma_wait3A_285 : memref<1x500x32xf32, #tpu.memory_space<vmem>> -> memref<500x32xf32, #tpu.memory_space<vmem>>
        %dma_wait3A_287 = arith.constant 0 : i32
        %dma_wait3A_288 = tpu.memref_slice %arg7[%dma_wait3A_282, %dma_wait3A_287] : memref<20x500xi32, #tpu.memory_space<vmem>> -> memref<1x500xi32, #tpu.memory_space<vmem>>
        %dma_wait3A_289 = tpu.memref_squeeze %dma_wait3A_288 : memref<1x500xi32, #tpu.memory_space<vmem>> -> memref<500xi32, #tpu.memory_space<vmem>>
        %dma_wait3A_290 = arith.constant 0 : i32
        %dma_wait3A_291 = arith.constant 0 : i32
        %dma_wait3A_292 = tpu.memref_slice %arg9[%dma_wait3A_290, %dma_wait3A_291] : memref<10240x32xf32, #tpu.memory_space<vmem_shared>> -> memref<10240x32xf32, #tpu.memory_space<vmem_shared>>
        tpu.wait_indirect_dma semaphore(%arg11 : memref<!tpu.dma_semaphore, #tpu.memory_space<semaphore_mem>>) src(%dma_wait3A_286 : memref<500x32xf32, #tpu.memory_space<vmem>>) dst(%dma_wait3A_292 : memref<10240x32xf32, #tpu.memory_space<vmem_shared>>)
      } else {
      }
      %add3A_131 = arith.constant 2 : i32
      %add3A_132 = arith.addi %mul3A_104, %add3A_131 : i32
      %add3A_133 = arith.constant 0 : i32
      %add3A_134 = arith.addi %add3A_132, %add3A_133 : i32
      %dma_start3A_135 = arith.constant 2 : i32
      %dma_start3A_136 = arith.constant 0 : i32
      %dma_start3A_137 = arith.constant 0 : i32
      %dma_start3A_138 = tpu.memref_slice %arg8[%dma_start3A_135, %dma_start3A_136, %dma_start3A_137] : memref<4x500x32xf32, #tpu.memory_space<vmem>> -> memref<1x500x32xf32, #tpu.memory_space<vmem>>
      %dma_start3A_139 = tpu.memref_squeeze %dma_start3A_138 : memref<1x500x32xf32, #tpu.memory_space<vmem>> -> memref<500x32xf32, #tpu.memory_space<vmem>>
      %dma_start3A_140 = arith.constant 0 : i32
      %dma_start3A_141 = tpu.memref_slice %arg6[%add3A_134, %dma_start3A_140] : memref<20x500xi32, #tpu.memory_space<vmem>> -> memref<1x500xi32, #tpu.memory_space<vmem>>
      %dma_start3A_142 = tpu.memref_squeeze %dma_start3A_141 : memref<1x500xi32, #tpu.memory_space<vmem>> -> memref<500xi32, #tpu.memory_space<vmem>>
      %dma_start3A_143 = arith.constant 0 : i32
      %dma_start3A_144 = arith.constant 0 : i32
      %dma_start3A_145 = tpu.memref_slice %arg3[%dma_start3A_143, %dma_start3A_144] : memref<10000x32xf32, #tpu.memory_space<hbm>> -> memref<10000x32xf32, #tpu.memory_space<hbm>>
      tpu.enqueue_indirect_dma source(%dma_start3A_145 : memref<10000x32xf32, #tpu.memory_space<hbm>>) target(%dma_start3A_139 : memref<500x32xf32, #tpu.memory_space<vmem>>) offsets(%dma_start3A_142 : memref<500xi32, #tpu.memory_space<vmem>>) semaphore(%arg10 : memref<!tpu.dma_semaphore, #tpu.memory_space<semaphore_mem>>)
      %add3A_146 = arith.constant 2 : i32
      %add3A_147 = arith.addi %mul3A_104, %add3A_146 : i32
      %add3A_148 = arith.constant 1 : i32
      %add3A_149 = arith.addi %add3A_147, %add3A_148 : i32
      %dma_start3A_150 = arith.constant 3 : i32
      %dma_start3A_151 = arith.constant 0 : i32
      %dma_start3A_152 = arith.constant 0 : i32
      %dma_start3A_153 = tpu.memref_slice %arg8[%dma_start3A_150, %dma_start3A_151, %dma_start3A_152] : memref<4x500x32xf32, #tpu.memory_space<vmem>> -> memref<1x500x32xf32, #tpu.memory_space<vmem>>
      %dma_start3A_154 = tpu.memref_squeeze %dma_start3A_153 : memref<1x500x32xf32, #tpu.memory_space<vmem>> -> memref<500x32xf32, #tpu.memory_space<vmem>>
      %dma_start3A_155 = arith.constant 0 : i32
      %dma_start3A_156 = tpu.memref_slice %arg6[%add3A_149, %dma_start3A_155] : memref<20x500xi32, #tpu.memory_space<vmem>> -> memref<1x500xi32, #tpu.memory_space<vmem>>
      %dma_start3A_157 = tpu.memref_squeeze %dma_start3A_156 : memref<1x500xi32, #tpu.memory_space<vmem>> -> memref<500xi32, #tpu.memory_space<vmem>>
      %dma_start3A_158 = arith.constant 0 : i32
      %dma_start3A_159 = arith.constant 0 : i32
      %dma_start3A_160 = tpu.memref_slice %arg3[%dma_start3A_158, %dma_start3A_159] : memref<10000x32xf32, #tpu.memory_space<hbm>> -> memref<10000x32xf32, #tpu.memory_space<hbm>>
      tpu.enqueue_indirect_dma source(%dma_start3A_160 : memref<10000x32xf32, #tpu.memory_space<hbm>>) target(%dma_start3A_154 : memref<500x32xf32, #tpu.memory_space<vmem>>) offsets(%dma_start3A_157 : memref<500xi32, #tpu.memory_space<vmem>>) semaphore(%arg10 : memref<!tpu.dma_semaphore, #tpu.memory_space<semaphore_mem>>)
      %add3A_161 = arith.constant 0 : i32
      %add3A_162 = arith.addi %mul3A_104, %add3A_161 : i32
      %dma_start3A_163 = arith.constant 0 : i32
      %dma_start3A_164 = arith.constant 0 : i32
      %dma_start3A_165 = arith.constant 0 : i32
      %dma_start3A_166 = tpu.memref_slice %arg8[%dma_start3A_163, %dma_start3A_164, %dma_start3A_165] : memref<4x500x32xf32, #tpu.memory_space<vmem>> -> memref<1x500x32xf32, #tpu.memory_space<vmem>>
      %dma_start3A_167 = tpu.memref_squeeze %dma_start3A_166 : memref<1x500x32xf32, #tpu.memory_space<vmem>> -> memref<500x32xf32, #tpu.memory_space<vmem>>
      %dma_start3A_168 = arith.constant 0 : i32
      %dma_start3A_169 = tpu.memref_slice %arg7[%add3A_162, %dma_start3A_168] : memref<20x500xi32, #tpu.memory_space<vmem>> -> memref<1x500xi32, #tpu.memory_space<vmem>>
      %dma_start3A_170 = tpu.memref_squeeze %dma_start3A_169 : memref<1x500xi32, #tpu.memory_space<vmem>> -> memref<500xi32, #tpu.memory_space<vmem>>
      %dma_start3A_171 = arith.constant 0 : i32
      %dma_start3A_172 = arith.constant 0 : i32
      %dma_start3A_173 = tpu.memref_slice %arg9[%dma_start3A_171, %dma_start3A_172] : memref<10240x32xf32, #tpu.memory_space<vmem_shared>> -> memref<10240x32xf32, #tpu.memory_space<vmem_shared>>
      tpu.enqueue_indirect_dma source(%dma_start3A_167 : memref<500x32xf32, #tpu.memory_space<vmem>>) target(%dma_start3A_173 : memref<10240x32xf32, #tpu.memory_space<vmem_shared>>) offsets(%dma_start3A_170 : memref<500xi32, #tpu.memory_space<vmem>>) semaphore(%arg11 : memref<!tpu.dma_semaphore, #tpu.memory_space<semaphore_mem>>) {add = true}
      %add3A_174 = arith.constant 1 : i32
      %add3A_175 = arith.addi %mul3A_104, %add3A_174 : i32
      %dma_start3A_176 = arith.constant 1 : i32
      %dma_start3A_177 = arith.constant 0 : i32
      %dma_start3A_178 = arith.constant 0 : i32
      %dma_start3A_179 = tpu.memref_slice %arg8[%dma_start3A_176, %dma_start3A_177, %dma_start3A_178] : memref<4x500x32xf32, #tpu.memory_space<vmem>> -> memref<1x500x32xf32, #tpu.memory_space<vmem>>
      %dma_start3A_180 = tpu.memref_squeeze %dma_start3A_179 : memref<1x500x32xf32, #tpu.memory_space<vmem>> -> memref<500x32xf32, #tpu.memory_space<vmem>>
      %dma_start3A_181 = arith.constant 0 : i32
      %dma_start3A_182 = tpu.memref_slice %arg7[%add3A_175, %dma_start3A_181] : memref<20x500xi32, #tpu.memory_space<vmem>> -> memref<1x500xi32, #tpu.memory_space<vmem>>
      %dma_start3A_183 = tpu.memref_squeeze %dma_start3A_182 : memref<1x500xi32, #tpu.memory_space<vmem>> -> memref<500xi32, #tpu.memory_space<vmem>>
      %dma_start3A_184 = arith.constant 0 : i32
      %dma_start3A_185 = arith.constant 0 : i32
      %dma_start3A_186 = tpu.memref_slice %arg9[%dma_start3A_184, %dma_start3A_185] : memref<10240x32xf32, #tpu.memory_space<vmem_shared>> -> memref<10240x32xf32, #tpu.memory_space<vmem_shared>>
      tpu.enqueue_indirect_dma source(%dma_start3A_180 : memref<500x32xf32, #tpu.memory_space<vmem>>) target(%dma_start3A_186 : memref<10240x32xf32, #tpu.memory_space<vmem_shared>>) offsets(%dma_start3A_183 : memref<500xi32, #tpu.memory_space<vmem>>) semaphore(%arg11 : memref<!tpu.dma_semaphore, #tpu.memory_space<semaphore_mem>>) {add = true}
      %dma_wait3A_187 = arith.constant 0 : i32
      %dma_wait3A_188 = arith.constant 2 : i32
      %dma_wait3A_189 = arith.constant 0 : i32
      %dma_wait3A_190 = arith.constant 0 : i32
      %dma_wait3A_191 = tpu.memref_slice %arg8[%dma_wait3A_188, %dma_wait3A_189, %dma_wait3A_190] : memref<4x500x32xf32, #tpu.memory_space<vmem>> -> memref<1x500x32xf32, #tpu.memory_space<vmem>>
      %dma_wait3A_192 = tpu.memref_squeeze %dma_wait3A_191 : memref<1x500x32xf32, #tpu.memory_space<vmem>> -> memref<500x32xf32, #tpu.memory_space<vmem>>
      %dma_wait3A_193 = arith.constant 0 : i32
      %dma_wait3A_194 = tpu.memref_slice %arg6[%dma_wait3A_187, %dma_wait3A_193] : memref<20x500xi32, #tpu.memory_space<vmem>> -> memref<1x500xi32, #tpu.memory_space<vmem>>
      %dma_wait3A_195 = tpu.memref_squeeze %dma_wait3A_194 : memref<1x500xi32, #tpu.memory_space<vmem>> -> memref<500xi32, #tpu.memory_space<vmem>>
      %dma_wait3A_196 = arith.constant 0 : i32
      %dma_wait3A_197 = arith.constant 0 : i32
      %dma_wait3A_198 = tpu.memref_slice %arg3[%dma_wait3A_196, %dma_wait3A_197] : memref<10000x32xf32, #tpu.memory_space<hbm>> -> memref<10000x32xf32, #tpu.memory_space<hbm>>
      tpu.wait_indirect_dma semaphore(%arg10 : memref<!tpu.dma_semaphore, #tpu.memory_space<semaphore_mem>>) src(%dma_wait3A_198 : memref<10000x32xf32, #tpu.memory_space<hbm>>) dst(%dma_wait3A_192 : memref<500x32xf32, #tpu.memory_space<vmem>>)
      %dma_wait3A_199 = arith.constant 0 : i32
      %dma_wait3A_200 = arith.constant 3 : i32
      %dma_wait3A_201 = arith.constant 0 : i32
      %dma_wait3A_202 = arith.constant 0 : i32
      %dma_wait3A_203 = tpu.memref_slice %arg8[%dma_wait3A_200, %dma_wait3A_201, %dma_wait3A_202] : memref<4x500x32xf32, #tpu.memory_space<vmem>> -> memref<1x500x32xf32, #tpu.memory_space<vmem>>
      %dma_wait3A_204 = tpu.memref_squeeze %dma_wait3A_203 : memref<1x500x32xf32, #tpu.memory_space<vmem>> -> memref<500x32xf32, #tpu.memory_space<vmem>>
      %dma_wait3A_205 = arith.constant 0 : i32
      %dma_wait3A_206 = tpu.memref_slice %arg6[%dma_wait3A_199, %dma_wait3A_205] : memref<20x500xi32, #tpu.memory_space<vmem>> -> memref<1x500xi32, #tpu.memory_space<vmem>>
      %dma_wait3A_207 = tpu.memref_squeeze %dma_wait3A_206 : memref<1x500xi32, #tpu.memory_space<vmem>> -> memref<500xi32, #tpu.memory_space<vmem>>
      %dma_wait3A_208 = arith.constant 0 : i32
      %dma_wait3A_209 = arith.constant 0 : i32
      %dma_wait3A_210 = tpu.memref_slice %arg3[%dma_wait3A_208, %dma_wait3A_209] : memref<10000x32xf32, #tpu.memory_space<hbm>> -> memref<10000x32xf32, #tpu.memory_space<hbm>>
      tpu.wait_indirect_dma semaphore(%arg10 : memref<!tpu.dma_semaphore, #tpu.memory_space<semaphore_mem>>) src(%dma_wait3A_210 : memref<10000x32xf32, #tpu.memory_space<hbm>>) dst(%dma_wait3A_204 : memref<500x32xf32, #tpu.memory_space<vmem>>)
      %dma_wait3A_211 = arith.constant 0 : i32
      %dma_wait3A_212 = arith.constant 0 : i32
      %dma_wait3A_213 = arith.constant 0 : i32
      %dma_wait3A_214 = arith.constant 0 : i32
      %dma_wait3A_215 = tpu.memref_slice %arg8[%dma_wait3A_211, %dma_wait3A_213, %dma_wait3A_214] : memref<4x500x32xf32, #tpu.memory_space<vmem>> -> memref<1x500x32xf32, #tpu.memory_space<vmem>>
      %dma_wait3A_216 = tpu.memref_squeeze %dma_wait3A_215 : memref<1x500x32xf32, #tpu.memory_space<vmem>> -> memref<500x32xf32, #tpu.memory_space<vmem>>
      %dma_wait3A_217 = arith.constant 0 : i32
      %dma_wait3A_218 = tpu.memref_slice %arg7[%dma_wait3A_212, %dma_wait3A_217] : memref<20x500xi32, #tpu.memory_space<vmem>> -> memref<1x500xi32, #tpu.memory_space<vmem>>
      %dma_wait3A_219 = tpu.memref_squeeze %dma_wait3A_218 : memref<1x500xi32, #tpu.memory_space<vmem>> -> memref<500xi32, #tpu.memory_space<vmem>>
      %dma_wait3A_220 = arith.constant 0 : i32
      %dma_wait3A_221 = arith.constant 0 : i32
      %dma_wait3A_222 = tpu.memref_slice %arg9[%dma_wait3A_220, %dma_wait3A_221] : memref<10240x32xf32, #tpu.memory_space<vmem_shared>> -> memref<10240x32xf32, #tpu.memory_space<vmem_shared>>
      tpu.wait_indirect_dma semaphore(%arg11 : memref<!tpu.dma_semaphore, #tpu.memory_space<semaphore_mem>>) src(%dma_wait3A_216 : memref<500x32xf32, #tpu.memory_space<vmem>>) dst(%dma_wait3A_222 : memref<10240x32xf32, #tpu.memory_space<vmem_shared>>)
      %dma_wait3A_223 = arith.constant 1 : i32
      %dma_wait3A_224 = arith.constant 0 : i32
      %dma_wait3A_225 = arith.constant 0 : i32
      %dma_wait3A_226 = arith.constant 0 : i32
      %dma_wait3A_227 = tpu.memref_slice %arg8[%dma_wait3A_223, %dma_wait3A_225, %dma_wait3A_226] : memref<4x500x32xf32, #tpu.memory_space<vmem>> -> memref<1x500x32xf32, #tpu.memory_space<vmem>>
      %dma_wait3A_228 = tpu.memref_squeeze %dma_wait3A_227 : memref<1x500x32xf32, #tpu.memory_space<vmem>> -> memref<500x32xf32, #tpu.memory_space<vmem>>
      %dma_wait3A_229 = arith.constant 0 : i32
      %dma_wait3A_230 = tpu.memref_slice %arg7[%dma_wait3A_224, %dma_wait3A_229] : memref<20x500xi32, #tpu.memory_space<vmem>> -> memref<1x500xi32, #tpu.memory_space<vmem>>
      %dma_wait3A_231 = tpu.memref_squeeze %dma_wait3A_230 : memref<1x500xi32, #tpu.memory_space<vmem>> -> memref<500xi32, #tpu.memory_space<vmem>>
      %dma_wait3A_232 = arith.constant 0 : i32
      %dma_wait3A_233 = arith.constant 0 : i32
      %dma_wait3A_234 = tpu.memref_slice %arg9[%dma_wait3A_232, %dma_wait3A_233] : memref<10240x32xf32, #tpu.memory_space<vmem_shared>> -> memref<10240x32xf32, #tpu.memory_space<vmem_shared>>
      tpu.wait_indirect_dma semaphore(%arg11 : memref<!tpu.dma_semaphore, #tpu.memory_space<semaphore_mem>>) src(%dma_wait3A_228 : memref<500x32xf32, #tpu.memory_space<vmem>>) dst(%dma_wait3A_234 : memref<10240x32xf32, #tpu.memory_space<vmem_shared>>)
      %lt3A = arith.constant 4 : i32
      %lt3A_235 = arith.cmpi slt, %scan3A_100, %lt3A : i32
      %convert_element_type3A_236 = arith.extui %lt3A_235 : i1 to i32
      %cond3A_237 = arith.constant 0 : i32
      %cond3A_238 = arith.cmpi ne, %convert_element_type3A_236, %cond3A_237 : i32
      scf.if %cond3A_238 {
        %add3A_269 = arith.constant 4 : i32
        %add3A_270 = arith.addi %mul3A_104, %add3A_269 : i32
        %add3A_271 = arith.constant 0 : i32
        %add3A_272 = arith.addi %add3A_270, %add3A_271 : i32
        %dma_start3A_273 = arith.constant 0 : i32
        %dma_start3A_274 = arith.constant 0 : i32
        %dma_start3A_275 = arith.constant 0 : i32
        %dma_start3A_276 = tpu.memref_slice %arg8[%dma_start3A_273, %dma_start3A_274, %dma_start3A_275] : memref<4x500x32xf32, #tpu.memory_space<vmem>> -> memref<1x500x32xf32, #tpu.memory_space<vmem>>
        %dma_start3A_277 = tpu.memref_squeeze %dma_start3A_276 : memref<1x500x32xf32, #tpu.memory_space<vmem>> -> memref<500x32xf32, #tpu.memory_space<vmem>>
        %dma_start3A_278 = arith.constant 0 : i32
        %dma_start3A_279 = tpu.memref_slice %arg6[%add3A_272, %dma_start3A_278] : memref<20x500xi32, #tpu.memory_space<vmem>> -> memref<1x500xi32, #tpu.memory_space<vmem>>
        %dma_start3A_280 = tpu.memref_squeeze %dma_start3A_279 : memref<1x500xi32, #tpu.memory_space<vmem>> -> memref<500xi32, #tpu.memory_space<vmem>>
        %dma_start3A_281 = arith.constant 0 : i32
        %dma_start3A_282 = arith.constant 0 : i32
        %dma_start3A_283 = tpu.memref_slice %arg3[%dma_start3A_281, %dma_start3A_282] : memref<10000x32xf32, #tpu.memory_space<hbm>> -> memref<10000x32xf32, #tpu.memory_space<hbm>>
        tpu.enqueue_indirect_dma source(%dma_start3A_283 : memref<10000x32xf32, #tpu.memory_space<hbm>>) target(%dma_start3A_277 : memref<500x32xf32, #tpu.memory_space<vmem>>) offsets(%dma_start3A_280 : memref<500xi32, #tpu.memory_space<vmem>>) semaphore(%arg10 : memref<!tpu.dma_semaphore, #tpu.memory_space<semaphore_mem>>)
        %add3A_284 = arith.constant 4 : i32
        %add3A_285 = arith.addi %mul3A_104, %add3A_284 : i32
        %add3A_286 = arith.constant 1 : i32
        %add3A_287 = arith.addi %add3A_285, %add3A_286 : i32
        %dma_start3A_288 = arith.constant 1 : i32
        %dma_start3A_289 = arith.constant 0 : i32
        %dma_start3A_290 = arith.constant 0 : i32
        %dma_start3A_291 = tpu.memref_slice %arg8[%dma_start3A_288, %dma_start3A_289, %dma_start3A_290] : memref<4x500x32xf32, #tpu.memory_space<vmem>> -> memref<1x500x32xf32, #tpu.memory_space<vmem>>
        %dma_start3A_292 = tpu.memref_squeeze %dma_start3A_291 : memref<1x500x32xf32, #tpu.memory_space<vmem>> -> memref<500x32xf32, #tpu.memory_space<vmem>>
        %dma_start3A_293 = arith.constant 0 : i32
        %dma_start3A_294 = tpu.memref_slice %arg6[%add3A_287, %dma_start3A_293] : memref<20x500xi32, #tpu.memory_space<vmem>> -> memref<1x500xi32, #tpu.memory_space<vmem>>
        %dma_start3A_295 = tpu.memref_squeeze %dma_start3A_294 : memref<1x500xi32, #tpu.memory_space<vmem>> -> memref<500xi32, #tpu.memory_space<vmem>>
        %dma_start3A_296 = arith.constant 0 : i32
        %dma_start3A_297 = arith.constant 0 : i32
        %dma_start3A_298 = tpu.memref_slice %arg3[%dma_start3A_296, %dma_start3A_297] : memref<10000x32xf32, #tpu.memory_space<hbm>> -> memref<10000x32xf32, #tpu.memory_space<hbm>>
        tpu.enqueue_indirect_dma source(%dma_start3A_298 : memref<10000x32xf32, #tpu.memory_space<hbm>>) target(%dma_start3A_292 : memref<500x32xf32, #tpu.memory_space<vmem>>) offsets(%dma_start3A_295 : memref<500xi32, #tpu.memory_space<vmem>>) semaphore(%arg10 : memref<!tpu.dma_semaphore, #tpu.memory_space<semaphore_mem>>)
      } else {
      }
      %add3A_239 = arith.constant 2 : i32
      %add3A_240 = arith.addi %mul3A_104, %add3A_239 : i32
      %add3A_241 = arith.constant 0 : i32
      %add3A_242 = arith.addi %add3A_240, %add3A_241 : i32
      %dma_start3A_243 = arith.constant 2 : i32
      %dma_start3A_244 = arith.constant 0 : i32
      %dma_start3A_245 = arith.constant 0 : i32
      %dma_start3A_246 = tpu.memref_slice %arg8[%dma_start3A_243, %dma_start3A_244, %dma_start3A_245] : memref<4x500x32xf32, #tpu.memory_space<vmem>> -> memref<1x500x32xf32, #tpu.memory_space<vmem>>
      %dma_start3A_247 = tpu.memref_squeeze %dma_start3A_246 : memref<1x500x32xf32, #tpu.memory_space<vmem>> -> memref<500x32xf32, #tpu.memory_space<vmem>>
      %dma_start3A_248 = arith.constant 0 : i32
      %dma_start3A_249 = tpu.memref_slice %arg7[%add3A_242, %dma_start3A_248] : memref<20x500xi32, #tpu.memory_space<vmem>> -> memref<1x500xi32, #tpu.memory_space<vmem>>
      %dma_start3A_250 = tpu.memref_squeeze %dma_start3A_249 : memref<1x500xi32, #tpu.memory_space<vmem>> -> memref<500xi32, #tpu.memory_space<vmem>>
      %dma_start3A_251 = arith.constant 0 : i32
      %dma_start3A_252 = arith.constant 0 : i32
      %dma_start3A_253 = tpu.memref_slice %arg9[%dma_start3A_251, %dma_start3A_252] : memref<10240x32xf32, #tpu.memory_space<vmem_shared>> -> memref<10240x32xf32, #tpu.memory_space<vmem_shared>>
      tpu.enqueue_indirect_dma source(%dma_start3A_247 : memref<500x32xf32, #tpu.memory_space<vmem>>) target(%dma_start3A_253 : memref<10240x32xf32, #tpu.memory_space<vmem_shared>>) offsets(%dma_start3A_250 : memref<500xi32, #tpu.memory_space<vmem>>) semaphore(%arg11 : memref<!tpu.dma_semaphore, #tpu.memory_space<semaphore_mem>>) {add = true}
      %add3A_254 = arith.constant 2 : i32
      %add3A_255 = arith.addi %mul3A_104, %add3A_254 : i32
      %add3A_256 = arith.constant 1 : i32
      %add3A_257 = arith.addi %add3A_255, %add3A_256 : i32
      %dma_start3A_258 = arith.constant 3 : i32
      %dma_start3A_259 = arith.constant 0 : i32
      %dma_start3A_260 = arith.constant 0 : i32
      %dma_start3A_261 = tpu.memref_slice %arg8[%dma_start3A_258, %dma_start3A_259, %dma_start3A_260] : memref<4x500x32xf32, #tpu.memory_space<vmem>> -> memref<1x500x32xf32, #tpu.memory_space<vmem>>
      %dma_start3A_262 = tpu.memref_squeeze %dma_start3A_261 : memref<1x500x32xf32, #tpu.memory_space<vmem>> -> memref<500x32xf32, #tpu.memory_space<vmem>>
      %dma_start3A_263 = arith.constant 0 : i32
      %dma_start3A_264 = tpu.memref_slice %arg7[%add3A_257, %dma_start3A_263] : memref<20x500xi32, #tpu.memory_space<vmem>> -> memref<1x500xi32, #tpu.memory_space<vmem>>
      %dma_start3A_265 = tpu.memref_squeeze %dma_start3A_264 : memref<1x500xi32, #tpu.memory_space<vmem>> -> memref<500xi32, #tpu.memory_space<vmem>>
      %dma_start3A_266 = arith.constant 0 : i32
      %dma_start3A_267 = arith.constant 0 : i32
      %dma_start3A_268 = tpu.memref_slice %arg9[%dma_start3A_266, %dma_start3A_267] : memref<10240x32xf32, #tpu.memory_space<vmem_shared>> -> memref<10240x32xf32, #tpu.memory_space<vmem_shared>>
      tpu.enqueue_indirect_dma source(%dma_start3A_262 : memref<500x32xf32, #tpu.memory_space<vmem>>) target(%dma_start3A_268 : memref<10240x32xf32, #tpu.memory_space<vmem_shared>>) offsets(%dma_start3A_265 : memref<500xi32, #tpu.memory_space<vmem>>) semaphore(%arg11 : memref<!tpu.dma_semaphore, #tpu.memory_space<semaphore_mem>>) {add = true}
    }
    %scan3A_70 = arith.constant 5 : i32
    %dma_wait3A_71 = arith.constant 2 : i32
    %dma_wait3A_72 = arith.constant 0 : i32
    %dma_wait3A_73 = arith.constant 0 : i32
    %dma_wait3A_74 = arith.constant 0 : i32
    %dma_wait3A_75 = tpu.memref_slice %arg8[%dma_wait3A_71, %dma_wait3A_73, %dma_wait3A_74] : memref<4x500x32xf32, #tpu.memory_space<vmem>> -> memref<1x500x32xf32, #tpu.memory_space<vmem>>
    %dma_wait3A_76 = tpu.memref_squeeze %dma_wait3A_75 : memref<1x500x32xf32, #tpu.memory_space<vmem>> -> memref<500x32xf32, #tpu.memory_space<vmem>>
    %dma_wait3A_77 = arith.constant 0 : i32
    %dma_wait3A_78 = tpu.memref_slice %arg7[%dma_wait3A_72, %dma_wait3A_77] : memref<20x500xi32, #tpu.memory_space<vmem>> -> memref<1x500xi32, #tpu.memory_space<vmem>>
    %dma_wait3A_79 = tpu.memref_squeeze %dma_wait3A_78 : memref<1x500xi32, #tpu.memory_space<vmem>> -> memref<500xi32, #tpu.memory_space<vmem>>
    %dma_wait3A_80 = arith.constant 0 : i32
    %dma_wait3A_81 = arith.constant 0 : i32
    %dma_wait3A_82 = tpu.memref_slice %arg9[%dma_wait3A_80, %dma_wait3A_81] : memref<10240x32xf32, #tpu.memory_space<vmem_shared>> -> memref<10240x32xf32, #tpu.memory_space<vmem_shared>>
    tpu.wait_indirect_dma semaphore(%arg11 : memref<!tpu.dma_semaphore, #tpu.memory_space<semaphore_mem>>) src(%dma_wait3A_76 : memref<500x32xf32, #tpu.memory_space<vmem>>) dst(%dma_wait3A_82 : memref<10240x32xf32, #tpu.memory_space<vmem_shared>>)
    %dma_wait3A_83 = arith.constant 3 : i32
    %dma_wait3A_84 = arith.constant 0 : i32
    %dma_wait3A_85 = arith.constant 0 : i32
    %dma_wait3A_86 = arith.constant 0 : i32
    %dma_wait3A_87 = tpu.memref_slice %arg8[%dma_wait3A_83, %dma_wait3A_85, %dma_wait3A_86] : memref<4x500x32xf32, #tpu.memory_space<vmem>> -> memref<1x500x32xf32, #tpu.memory_space<vmem>>
    %dma_wait3A_88 = tpu.memref_squeeze %dma_wait3A_87 : memref<1x500x32xf32, #tpu.memory_space<vmem>> -> memref<500x32xf32, #tpu.memory_space<vmem>>
    %dma_wait3A_89 = arith.constant 0 : i32
    %dma_wait3A_90 = tpu.memref_slice %arg7[%dma_wait3A_84, %dma_wait3A_89] : memref<20x500xi32, #tpu.memory_space<vmem>> -> memref<1x500xi32, #tpu.memory_space<vmem>>
    %dma_wait3A_91 = tpu.memref_squeeze %dma_wait3A_90 : memref<1x500xi32, #tpu.memory_space<vmem>> -> memref<500xi32, #tpu.memory_space<vmem>>
    %dma_wait3A_92 = arith.constant 0 : i32
    %dma_wait3A_93 = arith.constant 0 : i32
    %dma_wait3A_94 = tpu.memref_slice %arg9[%dma_wait3A_92, %dma_wait3A_93] : memref<10240x32xf32, #tpu.memory_space<vmem_shared>> -> memref<10240x32xf32, #tpu.memory_space<vmem_shared>>
    tpu.wait_indirect_dma semaphore(%arg11 : memref<!tpu.dma_semaphore, #tpu.memory_space<semaphore_mem>>) src(%dma_wait3A_88 : memref<500x32xf32, #tpu.memory_space<vmem>>) dst(%dma_wait3A_94 : memref<10240x32xf32, #tpu.memory_space<vmem_shared>>)
    %barrier3A_95 = arith.constant 0 : index
    tpu.barrier barrier_id(%barrier3A_95)
    %mul3A_96 = arith.constant 640 : i32
    %mul3A_97 = arith.muli %arg1, %mul3A_96 : i32
    %mul3A_98 = arith.constant 640 : i32
    %mul3A_99 = arith.muli %arg1, %mul3A_98 : i32
    "tpu.region"() ({
      %run_scoped3A = tpu.sem_alloc : memref<!tpu.dma_semaphore, #tpu.memory_space<semaphore_mem>>
      %dma_start3A_100 = arith.constant 0 : i32
      %dma_start3A_101 = tpu.memref_slice %arg5[%arg0, %mul3A_99, %dma_start3A_100] : memref<2x10240x32xf32, #tpu.memory_space<hbm>> -> memref<1x640x32xf32, #tpu.memory_space<hbm>>
      %dma_start3A_102 = tpu.memref_squeeze %dma_start3A_101 : memref<1x640x32xf32, #tpu.memory_space<hbm>> -> memref<640x32xf32, #tpu.memory_space<hbm>>
      %dma_start3A_103 = arith.constant 0 : i32
      %dma_start3A_104 = tpu.memref_slice %arg9[%mul3A_97, %dma_start3A_103] : memref<10240x32xf32, #tpu.memory_space<vmem_shared>> -> memref<640x32xf32, #tpu.memory_space<vmem_shared>>
      tpu.enqueue_dma source(%dma_start3A_104 : memref<640x32xf32, #tpu.memory_space<vmem_shared>>) target(%dma_start3A_102 : memref<640x32xf32, #tpu.memory_space<hbm>>) target_semaphore(%run_scoped3A : memref<!tpu.dma_semaphore, #tpu.memory_space<semaphore_mem>>)
      %dma_wait3A_105 = arith.constant 0 : i32
      %dma_wait3A_106 = tpu.memref_slice %arg5[%arg0, %mul3A_99, %dma_wait3A_105] : memref<2x10240x32xf32, #tpu.memory_space<hbm>> -> memref<1x640x32xf32, #tpu.memory_space<hbm>>
      %dma_wait3A_107 = tpu.memref_squeeze %dma_wait3A_106 : memref<1x640x32xf32, #tpu.memory_space<hbm>> -> memref<640x32xf32, #tpu.memory_space<hbm>>
      %dma_wait3A_108 = arith.constant 0 : i32
      %dma_wait3A_109 = tpu.memref_slice %arg9[%mul3A_97, %dma_wait3A_108] : memref<10240x32xf32, #tpu.memory_space<vmem_shared>> -> memref<640x32xf32, #tpu.memory_space<vmem_shared>>
      tpu.wait_dma2 semaphore(%run_scoped3A : memref<!tpu.dma_semaphore, #tpu.memory_space<semaphore_mem>>) src(%dma_wait3A_109 : memref<640x32xf32, #tpu.memory_space<vmem_shared>>) dst(%dma_wait3A_107 : memref<640x32xf32, #tpu.memory_space<hbm>>)
      tpu.yield
    }) : () -> ()
    return
  }
}

module attributes {stable_mosaic.version = 14 : i64} {
  func.func @_tc_mm1_body(%arg0: memref<2500x512xf32, #tpu.memory_space<vmem>>, %arg1: memref<512x128xf32, #tpu.memory_space<vmem>>, %arg2: memref<2500x128xf32, #tpu.memory_space<vmem>>) attributes {dimension_semantics = [], scalar_prefetch = 0 : i64, scratch_operands = 0 : i64, tpu.core_type = #tpu.core_type<tc>} {
    %get3A = arith.constant 0 : index
    %get3A_0 = arith.constant 0 : index
    %get3A_1 = vector.load %arg0[%get3A, %get3A_0] : memref<2500x512xf32, #tpu.memory_space<vmem>>, vector<2500x512xf32>
    %get3A_2 = arith.constant 0 : index
    %get3A_3 = arith.constant 0 : index
    %get3A_4 = vector.load %arg1[%get3A_2, %get3A_3] : memref<512x128xf32, #tpu.memory_space<vmem>>, vector<512x128xf32>
    %dot_general3A = arith.constant dense<0.000000e+00> : vector<2500x128xf32>
    %dot_general3A_5 = tpu.matmul %get3A_1, %get3A_4, %dot_general3A {dimension_numbers = #tpu.dot_dimension_numbers<[1], [0], [0], [1], [0, 0, 1, 1], [], []>, transpose_lhs_hint = false} : vector<2500x512xf32>, vector<512x128xf32>, vector<2500x128xf32> -> vector<2500x128xf32>
    %swap3A = arith.constant 0 : index
    %swap3A_6 = arith.constant 0 : index
    %swap3A_7 = vector.load %arg2[%swap3A, %swap3A_6] : memref<2500x128xf32, #tpu.memory_space<vmem>>, vector<2500x128xf32>
    tpu.vector_store %arg2[%swap3A, %swap3A_6], %dot_general3A_5 {strides = array<i32>} : memref<2500x128xf32, #tpu.memory_space<vmem>>, vector<2500x128xf32>,
    return
  }
}

module attributes {stable_mosaic.version = 14 : i64} {
  func.func @_tc_scale_body(%arg0: memref<2500x128xf32, #tpu.memory_space<vmem>>, %arg1: memref<2x2560x128xf32, #tpu.memory_space<vmem>>, %arg2: memref<2500x128xf32, #tpu.memory_space<vmem>>, %arg3: memref<2560x128xf32, #tpu.memory_space<vmem>>) attributes {dimension_semantics = [], scalar_prefetch = 0 : i64, scratch_operands = 0 : i64, tpu.core_type = #tpu.core_type<tc>} {
    %get3A = arith.constant 0 : index
    %get3A_0 = arith.constant 0 : index
    %get3A_1 = arith.constant 0 : index
    %get3A_2 = vector.load %arg1[%get3A, %get3A_0, %get3A_1] : memref<2x2560x128xf32, #tpu.memory_space<vmem>>, vector<1x2560x128xf32>
    %get3A_3 = vector.shape_cast %get3A_2 : vector<1x2560x128xf32> to vector<2560x128xf32>
    %get3A_4 = arith.constant 1 : index
    %get3A_5 = arith.constant 0 : index
    %get3A_6 = arith.constant 0 : index
    %get3A_7 = vector.load %arg1[%get3A_4, %get3A_5, %get3A_6] : memref<2x2560x128xf32, #tpu.memory_space<vmem>>, vector<1x2560x128xf32>
    %get3A_8 = vector.shape_cast %get3A_7 : vector<1x2560x128xf32> to vector<2560x128xf32>
    %add3A = arith.addf %get3A_3, %get3A_8 : vector<2560x128xf32>
    %add3A_9 = arith.constant 1.000000e+00 : f32
    %add3A_10 = vector.broadcast %add3A_9 : f32 to vector<2560x128xf32>
    %add3A_11 = arith.addf %add3A, %add3A_10 : vector<2560x128xf32>
    %rsqrt3A = math.rsqrt %add3A_11 : vector<2560x128xf32>
    %swap3A = arith.constant 0 : index
    %swap3A_12 = arith.constant 0 : index
    %swap3A_13 = vector.load %arg3[%swap3A, %swap3A_12] : memref<2560x128xf32, #tpu.memory_space<vmem>>, vector<2560x128xf32>
    tpu.vector_store %arg3[%swap3A, %swap3A_12], %rsqrt3A {strides = array<i32>} : memref<2560x128xf32, #tpu.memory_space<vmem>>, vector<2560x128xf32>,
    %get3A_14 = arith.constant 0 : index
    %get3A_15 = arith.constant 0 : index
    %get3A_16 = vector.load %arg0[%get3A_14, %get3A_15] : memref<2500x128xf32, #tpu.memory_space<vmem>>, vector<2500x128xf32>
    %slice3A = vector.extract_strided_slice %rsqrt3A {offsets = [0, 0], sizes = [2500, 128], strides = [1, 1]} : vector<2560x128xf32> to vector<2500x128xf32>
    %mul3A = arith.mulf %get3A_16, %slice3A : vector<2500x128xf32>
    %swap3A_17 = arith.constant 0 : index
    %swap3A_18 = arith.constant 0 : index
    %swap3A_19 = vector.load %arg2[%swap3A_17, %swap3A_18] : memref<2500x128xf32, #tpu.memory_space<vmem>>, vector<2500x128xf32>
    tpu.vector_store %arg2[%swap3A_17, %swap3A_18], %mul3A {strides = array<i32>} : memref<2500x128xf32, #tpu.memory_space<vmem>>, vector<2500x128xf32>,
    return
  }
}

module attributes {stable_mosaic.version = 14 : i64} {
  func.func @_tc_mid_body(%arg0: memref<2x2560x128xf32, #tpu.memory_space<vmem>>, %arg1: memref<2500x128xf32, #tpu.memory_space<vmem>>, %arg2: memref<2560x128xf32, #tpu.memory_space<vmem>>, %arg3: memref<1x128xf32, #tpu.memory_space<vmem>>, %arg4: memref<128x128xf32, #tpu.memory_space<vmem>>, %arg5: memref<2500x128xf32, #tpu.memory_space<vmem>>) attributes {dimension_semantics = [], scalar_prefetch = 0 : i64, scratch_operands = 0 : i64, tpu.core_type = #tpu.core_type<tc>} {
    %get3A = arith.constant 0 : index
    %get3A_0 = arith.constant 0 : index
    %get3A_1 = vector.load %arg2[%get3A, %get3A_0] : memref<2560x128xf32, #tpu.memory_space<vmem>>, vector<2500x128xf32>
    %get3A_2 = arith.constant 0 : index
    %get3A_3 = arith.constant 0 : index
    %get3A_4 = arith.constant 0 : index
    %get3A_5 = vector.load %arg0[%get3A_2, %get3A_3, %get3A_4] : memref<2x2560x128xf32, #tpu.memory_space<vmem>>, vector<1x2500x128xf32>
    %get3A_6 = vector.shape_cast %get3A_5 : vector<1x2500x128xf32> to vector<2500x128xf32>
    %get3A_7 = arith.constant 1 : index
    %get3A_8 = arith.constant 0 : index
    %get3A_9 = arith.constant 0 : index
    %get3A_10 = vector.load %arg0[%get3A_7, %get3A_8, %get3A_9] : memref<2x2560x128xf32, #tpu.memory_space<vmem>>, vector<1x2500x128xf32>
    %get3A_11 = vector.shape_cast %get3A_10 : vector<1x2500x128xf32> to vector<2500x128xf32>
    %add3A = arith.addf %get3A_6, %get3A_11 : vector<2500x128xf32>
    %get3A_12 = arith.constant 0 : index
    %get3A_13 = arith.constant 0 : index
    %get3A_14 = vector.load %arg1[%get3A_12, %get3A_13] : memref<2500x128xf32, #tpu.memory_space<vmem>>, vector<2500x128xf32>
    %add3A_15 = arith.addf %add3A, %get3A_14 : vector<2500x128xf32>
    %mul3A = arith.mulf %add3A_15, %get3A_1 : vector<2500x128xf32>
    %get3A_16 = arith.constant 0 : index
    %get3A_17 = arith.constant 0 : index
    %get3A_18 = vector.load %arg3[%get3A_16, %get3A_17] : memref<1x128xf32, #tpu.memory_space<vmem>>, vector<1x128xf32>
    %add3A_19 = vector.broadcast %get3A_18 : vector<1x128xf32> to vector<2500x128xf32>
    %add3A_20 = arith.addf %mul3A, %add3A_19 : vector<2500x128xf32>
    %max3A = arith.constant 0.000000e+00 : f32
    %max3A_21 = vector.broadcast %max3A : f32 to vector<2500x128xf32>
    %max3A_22 = arith.maximumf %add3A_20, %max3A_21 : vector<2500x128xf32>
    %get3A_23 = arith.constant 0 : index
    %get3A_24 = arith.constant 0 : index
    %get3A_25 = vector.load %arg4[%get3A_23, %get3A_24] : memref<128x128xf32, #tpu.memory_space<vmem>>, vector<128x128xf32>
    %dot_general3A = arith.constant dense<0.000000e+00> : vector<2500x128xf32>
    %dot_general3A_26 = tpu.matmul %max3A_22, %get3A_25, %dot_general3A {dimension_numbers = #tpu.dot_dimension_numbers<[1], [0], [0], [1], [0, 0, 1, 1], [], []>, transpose_lhs_hint = false} : vector<2500x128xf32>, vector<128x128xf32>, vector<2500x128xf32> -> vector<2500x128xf32>
    %mul3A_27 = arith.mulf %dot_general3A_26, %get3A_1 : vector<2500x128xf32>
    %swap3A = arith.constant 0 : index
    %swap3A_28 = arith.constant 0 : index
    %swap3A_29 = vector.load %arg5[%swap3A, %swap3A_28] : memref<2500x128xf32, #tpu.memory_space<vmem>>, vector<2500x128xf32>
    tpu.vector_store %arg5[%swap3A, %swap3A_28], %mul3A_27 {strides = array<i32>} : memref<2500x128xf32, #tpu.memory_space<vmem>>, vector<2500x128xf32>,
    return
  }
}

module attributes {stable_mosaic.version = 14 : i64} {
  func.func @_tc_head_body(%arg0: memref<2x2560x128xf32, #tpu.memory_space<vmem>>, %arg1: memref<2500x128xf32, #tpu.memory_space<vmem>>, %arg2: memref<2560x128xf32, #tpu.memory_space<vmem>>, %arg3: memref<1x128xf32, #tpu.memory_space<vmem>>, %arg4: memref<128x4xf32, #tpu.memory_space<vmem>>, %arg5: memref<1x1xf32, #tpu.memory_space<vmem>>, %arg6: memref<2500x4xf32, #tpu.memory_space<vmem>>) attributes {dimension_semantics = [], scalar_prefetch = 0 : i64, scratch_operands = 0 : i64, tpu.core_type = #tpu.core_type<tc>} {
    %get3A = arith.constant 0 : index
    %get3A_0 = arith.constant 0 : index
    %get3A_1 = vector.load %arg2[%get3A, %get3A_0] : memref<2560x128xf32, #tpu.memory_space<vmem>>, vector<2500x128xf32>
    %get3A_2 = arith.constant 0 : index
    %get3A_3 = arith.constant 0 : index
    %get3A_4 = arith.constant 0 : index
    %get3A_5 = vector.load %arg0[%get3A_2, %get3A_3, %get3A_4] : memref<2x2560x128xf32, #tpu.memory_space<vmem>>, vector<1x2500x128xf32>
    %get3A_6 = vector.shape_cast %get3A_5 : vector<1x2500x128xf32> to vector<2500x128xf32>
    %get3A_7 = arith.constant 1 : index
    %get3A_8 = arith.constant 0 : index
    %get3A_9 = arith.constant 0 : index
    %get3A_10 = vector.load %arg0[%get3A_7, %get3A_8, %get3A_9] : memref<2x2560x128xf32, #tpu.memory_space<vmem>>, vector<1x2500x128xf32>
    %get3A_11 = vector.shape_cast %get3A_10 : vector<1x2500x128xf32> to vector<2500x128xf32>
    %add3A = arith.addf %get3A_6, %get3A_11 : vector<2500x128xf32>
    %get3A_12 = arith.constant 0 : index
    %get3A_13 = arith.constant 0 : index
    %get3A_14 = vector.load %arg1[%get3A_12, %get3A_13] : memref<2500x128xf32, #tpu.memory_space<vmem>>, vector<2500x128xf32>
    %add3A_15 = arith.addf %add3A, %get3A_14 : vector<2500x128xf32>
    %mul3A = arith.mulf %add3A_15, %get3A_1 : vector<2500x128xf32>
    %get3A_16 = arith.constant 0 : index
    %get3A_17 = arith.constant 0 : index
    %get3A_18 = vector.load %arg3[%get3A_16, %get3A_17] : memref<1x128xf32, #tpu.memory_space<vmem>>, vector<1x128xf32>
    %add3A_19 = vector.broadcast %get3A_18 : vector<1x128xf32> to vector<2500x128xf32>
    %add3A_20 = arith.addf %mul3A, %add3A_19 : vector<2500x128xf32>
    %max3A = arith.constant 0.000000e+00 : f32
    %max3A_21 = vector.broadcast %max3A : f32 to vector<2500x128xf32>
    %max3A_22 = arith.maximumf %add3A_20, %max3A_21 : vector<2500x128xf32>
    %get3A_23 = arith.constant 0 : index
    %get3A_24 = arith.constant 0 : index
    %get3A_25 = vector.load %arg4[%get3A_23, %get3A_24] : memref<128x4xf32, #tpu.memory_space<vmem>>, vector<128x4xf32>
    %dot_general3A = arith.constant dense<0.000000e+00> : vector<2500x4xf32>
    %dot_general3A_26 = tpu.matmul %max3A_22, %get3A_25, %dot_general3A {dimension_numbers = #tpu.dot_dimension_numbers<[1], [0], [0], [1], [0, 0, 1, 1], [], []>, transpose_lhs_hint = false} : vector<2500x128xf32>, vector<128x4xf32>, vector<2500x4xf32> -> vector<2500x4xf32>
    %get3A_27 = arith.constant 0 : index
    %get3A_28 = arith.constant 0 : index
    %get3A_29 = vector.load %arg5[%get3A_27, %get3A_28] : memref<1x1xf32, #tpu.memory_space<vmem>>, vector<1x1xf32>
    %get3A_30 = vector.extract %get3A_29[0, 0] : f32 from vector<1x1xf32>
    %add3A_31 = vector.broadcast %get3A_30 : f32 to vector<2500x4xf32>
    %add3A_32 = arith.addf %dot_general3A_26, %add3A_31 : vector<2500x4xf32>
    %max3A_33 = arith.constant 0.000000e+00 : f32
    %max3A_34 = vector.broadcast %max3A_33 : f32 to vector<2500x4xf32>
    %max3A_35 = arith.maximumf %add3A_32, %max3A_34 : vector<2500x4xf32>
    %abs3A = math.absf %add3A_32 : vector<2500x4xf32>
    %neg3A = arith.constant 0.000000e+00 : f32
    %neg3A_36 = vector.broadcast %neg3A : f32 to vector<2500x4xf32>
    %neg3A_37 = arith.subf %neg3A_36, %abs3A : vector<2500x4xf32>
    %exp3A = math.exp %neg3A_37 : vector<2500x4xf32>
    %log1p3A = math.log1p %exp3A : vector<2500x4xf32>
    %add3A_38 = arith.addf %max3A_35, %log1p3A : vector<2500x4xf32>
    %add3A_39 = arith.constant 1.000000e-03 : f32
    %add3A_40 = vector.broadcast %add3A_39 : f32 to vector<2500x4xf32>
    %add3A_41 = arith.addf %add3A_38, %add3A_40 : vector<2500x4xf32>
    %swap3A = arith.constant 0 : index
    %swap3A_42 = arith.constant 0 : index
    %swap3A_43 = vector.load %arg6[%swap3A, %swap3A_42] : memref<2500x4xf32, #tpu.memory_space<vmem>>, vector<2500x4xf32>
    tpu.vector_store %arg6[%swap3A, %swap3A_42], %add3A_41 {strides = array<i32>} : memref<2500x4xf32, #tpu.memory_space<vmem>>, vector<2500x4xf32>,
    return
  }
}

</mosaic_0001>

<sc_bundles>
// kernel: kernel.12.cloned.1.call-start
scs
__scs_entry_jumppad:
0x0: {  	(pc) =	sbr.rel $0x88, $3  }
0x1: {  	(tag) =	ssettag $0x0;
	lr =	simm.s32 $0x1  }
0x2: {  	[smem:$0x3F99] =	sst lr;
	_ =	strace $0xD0000000  }
0x3: {  	_ = 	snop  }
0x4: {  	_ = 	snop  }
0x5: {  	_ = 	snop  }
0x6: {  	_ = 	snop  }
0x7: {  	_ = 	snop  }
__scs_overlays_trampoline_lowered:
0x8: {  	[smem:$0x3FA8] =	sst s0  }
0x9: {  	[smem:$0x3FA9] =	sst s1  }
0xa: {  	[smem:$0x3FAA] =	sst s2  }
0xb: {  	[smem:$0x3FAB] =	sst s3  }
0xc: {  	[smem:$0x3FAC] =	sst s4  }
0xd: {  	[smem:$0x3FAD] =	sst s5  }
0xe: {  	[smem:$0x3FAE] =	sst s6  }
0xf: {  	[smem:$0x3FAF] =	sst s7  }
0x10: {  	[smem:$0x3FB0] =	sst s8  }
0x11: {  	[smem:$0x3FB1] =	sst s9;
	s0 =	simm.s32 @!p0 $0x0  }
0x12: {  	s1 =	sld [smem:$0x3F97];
	s0 =	simm.s32 @p0 $0x1  }
0x13: {  	[smem:$0x3FB2] =	sst s0;
	s0 =	simm.s32 @!p1 $0x0  }
0x14: {  	s2 =	sld [smem:$0x3F96];
	s0 =	simm.s32 @p1 $0x1  }
0x15: {  	[smem:$0x3FB3] =	sst s0;
	s0 =	simm.s32 @!p2 $0x0  }
0x16: {  	s3 =	sld [smem:$0x3FDB];
	s0 =	simm.s32 @p2 $0x1  }
0x17: {  	s4 =	simm.s32 $0x1BF5;
	[smem:$0x3FB5] =	sst s0  }
0x18: {  	s0 =	sld [smem:$0x3F98];
	_ =	swait.ge [sflag:s4], $0x0  }
0x19: {  	s7 =	sld [smem:$0x3F99]  }
0x1a: {  	s8 =	sadd.s32 $0xFFFFE003, lr  }
0x1b: {  	s9 =	sadd.s32 $0xFFFFFEF7, lr;
	s5 =	simm.s32 $0xFFFFFFFF;
	p2 =	slt.u32 s8, $0xFFFFF086  }
0x1c: {  	p1 =	slt.u32 s9, $0xF7A;
	s5 =	simm.s32 @!p2 $0x0  }
0x1d: {  	s5 =	simm.s32 @p1 $0x1;
	p0 =	seq.s32 s7, s2  }
0x1e: {  	s7 =	smul.u32 @!p0 $0xF7A, s2;
	p2 =	seq.s32 @!p0 s5, $0x0  }
0x1f: {  	s9 =	smul.u32 $0xF7A, s1;
	s8 =	simm.s32 @!p0 $0x1BF5;
	p2 =	por !p2, p0  }
0x20: {  	[sflag:s8] =	ssyncset.s32 @!p0 $0xFFFFF086;
	s6 =	sadd.s32 @!p0 s3, s7;
	s7 =	simm.s32 @!p0 $0x108  }
0x21: {  	s3 =	sadd.s32 s3, s9;
	s6 =	sadd.s32 @!p0 $0x88, s6;
	s7 =	simm.s32 @p2 $0x1082  }
0x22: {  	[simem:s7], [sflag:s8] =	dma.local @!p0 [hbm:s6], $0xF7A  }
0x23: {  	s9 =	sor.u32 $0xD0000000, s2;
	s6 =	simm.s32 $0x108;
	_ =	swait.ge @!p0 [sflag:s8], $0x0  }
0x24: {  	s3 =	sadd.s32 $0x88, s3;
	s6 =	simm.s32 @!p1 $0x1082;
	[sflag:s4] =	ssyncset.s32 $0xFFFFF086  }
0x25: {  	[simem:s6], [sflag:s4] =	dma.local [hbm:s3], $0xF7A  }
0x26: {  	[smem:$0x3F99] =	sst s1;
	(tag) =	ssettag s2;
	_ =	strace s9  }
0x27: {  	s1 =	sld [smem:$0x3FA9]  }
0x28: {  	s2 =	sld [smem:$0x3FAA]  }
0x29: {  	s4 =	sld [smem:$0x3FAC]  }
0x2a: {  	p0 =	seq.s32 s5, $0x0;
	s5 =	sld [smem:$0x3FAD]  }
0x2b: {  	s6 =	sld [smem:$0x3FAE]  }
0x2c: {  	s7 =	sld [smem:$0x3FAF]  }
0x2d: {  	s3 =	simm.s32 $0x108;
	s8 =	sld [smem:$0x3FB0]  }
0x2e: {  	s3 =	simm.s32 @!p0 $0x1082;
	s9 =	sld [smem:$0x3FB1]  }
0x2f: {  	lr =	sadd.s32 s0, s3;
	s0 =	sld [smem:$0x3FA8]  }
0x30: {  	s3 =	sld [smem:$0x3FAB]  }
0x31: {  	[smem:$0x3FB4] =	sst s10  }
0x32: {  	s10 =	sld [smem:$0x3FB2];
	_ =	sdelay $0x3  }
0x33: {  	p0 =	seq.s32 s10, $0x1;
	s10 =	sld [smem:$0x3FB4];
	_ =	sdelay $0x3  }
0x34: {  	[smem:$0x3FB4] =	sst s10  }
0x35: {  	s10 =	sld [smem:$0x3FB3];
	_ =	sdelay $0x3  }
0x36: {  	p1 =	seq.s32 s10, $0x1;
	s10 =	sld [smem:$0x3FB4];
	_ =	sdelay $0x3  }
0x37: {  	[smem:$0x3FB4] =	sst s10  }
0x38: {  	s10 =	sld [smem:$0x3FB5]  }
0x39: {  	_ = 	snop;
	(pc) =	sbr.ind lr, $3  }
0x3a: {  	_ = 	snop  }
0x3b: {  	_ = 	snop  }
0x3c: {  	p2 =	seq.s32 s10, $0x1;
	s10 =	sld [smem:$0x3FB4]  }
0x3d: {  	_ =	shalt  }
0x3e: {  	_ =	shalt  }
0x3f: {  	_ =	shalt  }
0x40: {  	_ =	shalt  }
0x41: {  	_ =	shalt  }
0x42: {  	_ =	shalt  }
0x43: {  	_ =	shalt  }
0x44: {  	_ =	shalt  }
0x45: {  	_ =	shalt  }
0x46: {  	_ =	shalt  }
0x47: {  	_ =	shalt  }
0x48: {  	_ =	shalt  }
0x49: {  	_ =	shalt  }
0x4a: {  	_ =	shalt  }
0x4b: {  	_ =	shalt  }
0x4c: {  	_ =	shalt  }
0x4d: {  	_ =	shalt  }
0x4e: {  	_ =	shalt  }
0x4f: {  	_ =	shalt  }
0x50: {  	_ =	shalt  }
0x51: {  	_ =	shalt  }
0x52: {  	_ =	shalt  }
0x53: {  	_ =	shalt  }
0x54: {  	_ =	shalt  }
0x55: {  	_ =	shalt  }
0x56: {  	_ =	shalt  }
0x57: {  	_ =	shalt  }
0x58: {  	_ =	shalt  }
0x59: {  	_ =	shalt  }
0x5a: {  	_ =	shalt  }
0x5b: {  	_ =	shalt  }
0x5c: {  	_ =	shalt  }
0x5d: {  	_ =	shalt  }
0x5e: {  	_ =	shalt  }
0x5f: {  	_ =	shalt  }
0x60: {  	_ =	shalt  }
0x61: {  	_ =	shalt  }
0x62: {  	_ =	shalt  }
0x63: {  	_ =	shalt  }
0x64: {  	_ =	shalt  }
0x65: {  	_ =	shalt  }
0x66: {  	_ =	shalt  }
0x67: {  	_ =	shalt  }
0x68: {  	_ =	shalt  }
0x69: {  	_ =	shalt  }
0x6a: {  	_ =	shalt  }
0x6b: {  	_ =	shalt  }
0x6c: {  	_ =	shalt  }
0x6d: {  	_ =	shalt  }
0x6e: {  	_ =	shalt  }
0x6f: {  	_ =	shalt  }
0x70: {  	_ =	shalt  }
0x71: {  	_ =	shalt  }
0x72: {  	_ =	shalt  }
0x73: {  	_ =	shalt  }
0x74: {  	_ =	shalt  }
0x75: {  	_ =	shalt  }
0x76: {  	_ =	shalt  }
0x77: {  	_ =	shalt  }
0x78: {  	_ =	shalt  }
0x79: {  	_ =	shalt  }
0x7a: {  	_ =	shalt  }
0x7b: {  	_ =	shalt  }
0x7c: {  	_ =	shalt  }
0x7d: {  	_ =	shalt  }
0x7e: {  	_ =	shalt  }
0x7f: {  	_ =	shalt  }
0x80: {  	_ =	shalt  }
0x81: {  	_ =	shalt  }
0x82: {  	_ =	shalt  }
0x83: {  	_ =	shalt  }
0x84: {  	_ =	shalt  }
0x85: {  	_ =	shalt  }
0x86: {  	_ =	shalt  }
0x87: {  	_ =	shalt  }
.Lfunc_end0:
.L_simem_size_0:
called_computation.1_lowered:
.L_overlay_start_0:
0x88: {  	s2 =	sld [smem:$0x3FD9]  }
0x89: {  	s3 =	sld [smem:$0x3FFE];
	_ =	sdelay $0x1  }
0x8a: {  	s1 =	srdreg.scid  }
0x8b: {  	s0 =	sand.u32 $0x1, s1  }
0x8c: {  	s16 =	sshll.u32 s0, $0xA;
	s2 =	sadd.s32 s3, s2  }
0x8d: {  	s2 =	sadd.s32 s2, s16  }
0x8e: {  	[smem:$0x3FC0] =	sst s2  }
0x8f: {  	_ = 	snop  }
0x90: {  	(tm) =	ssettm $0x1  }
0x91: {  	s17 =	sld [smem:$0x3FFB];
	_ =	sdelay $0x3  }
0x92: {  	_ =	strace s17  }
0x93: {  	s2 =	sld [smem:$0x3FFC];
	_ =	sdelay $0x3  }
0x94: {  	_ =	strace s2  }
0x95: {  	s2 =	sld [smem:$0x3FFD];
	_ =	sdelay $0x3  }
0x96: {  	_ =	strace s2  }
0x97: {  	_ =	strace $0x8FFFFFFF  }
0x98: {  	s18 =	sld [smem:$0x3FDB];
	_ =	sdelay $0x1  }
0x99: {  	s19 =	simm.s32 $_scs_section_size  }
0x9a: {  	s4 =	simm.s32 $_size__tile_overlayer_lowered;
	s5 =	simm.s32 $_tile_overlayer_lowered  }
0x9b: {  	s22 =	simm.s32 $0x1BFF;
	s21 =	sshll.u32 s5, $0x1;
	s2 =	sadd.s32 s19, s18  }
0x9c: {  	s6 =	simm.s32 $0x0;
	s20 =	sshll.u32 s4, $0x1;
	s4 =	sadd.s32 s21, s2  }
0x9d: {  	[timem:s6], [sflag:s22] =	dma.local [hbm:s4], s20  }
0x9e: {  	_ =	swait.ge [sflag:s22], s20  }
0x9f: {  	s3 =	ssub.s32 $0x0, s20;
	[sflag:s22] =	ssyncset.done $0x0  }
0xa0: {  	[sflag:s22] =	ssyncadd.s32 s3;
	_ =	sdelay $0x1  }
0xa1: {  	s23 =	simm.s32 $0x1B8B  }
0xa2: {  	_ =	swait.ge [sflag:s23], $0x1  }
0xa3: {  	[sflag:s23] =	ssyncset.done $0x0  }
0xa4: {  	s25 =	simm.s32 $0x1B8E;
	s24 =	sld [smem:$0x3FFE];
	[sflag:s23] =	ssyncadd.s32 $0xFFFFFFFF  }
0xa5: {  	s26 =	simm.s32 $execute0_lowered;
	[smem:$0x3FD2] =	sst s25  }
0xa6: {  	s4 =	sshll.u32 s26, $0x1;
	_ =	strace $0x80000049;
	[dreg:$0x1] =	wrdreg $0xFFFFFFFF  }
0xa7: {  	s28 =	simm.s32 $_size_execute0_lowered;
	s2 =	sadd.s32 s2, s4;
	[dreg:$0x0] =	wrdreg $0x0  }
0xa8: {  	s4 =	sshll.u32 s28, $0x1;
	[dreg:$0x2] =	wrdreg s2  }
0xa9: {  	[dreg:$0x3] =	wrdreg s4  }
0xaa: {  	[dreg:$0x4] =	wrdreg $0xC0  }
0xab: {  	_ =	task [dreg:s6], $0x5FFFF  }
0xac: {  	[dreg:$0x1] =	wrdreg $0xFFFFFFFF  }
0xad: {  	[dreg:$0x0] =	wrdreg $0x60  }
0xae: {  	[dreg:$0x2] =	wrdreg s24  }
0xaf: {  	[dreg:$0x3] =	wrdreg $0x148C00  }
0xb0: {  	[dreg:$0x4] =	wrdreg $0x9  }
0xb1: {  	_ =	task.clear_ibuf [dreg:s6], $0x5FFFF;
	_ =	strace $0x90000049  }
0xb2: {  	s29 =	simm.s32 $0x9;
	_ =	strace $0x8000004B  }
0xb3: {  	_ =	swait.ge [sflag:s29], $0x1  }
0xb4: {  	[sflag:s29] =	ssyncadd.s32 $0xFFFFFFFF  }
0xb5: {  	_ =	strace $0x9000004B  }
0xb6: {  	_ =	sfence  }
0xb7: {  	s30 =	sld [smem:$0x0];
	_ =	sdelay $0x2  }
0xb8: {  	s31 =	sshll.u32 s1, $0xD;
	s1 =	sshrl.u32 s1, $0x2  }
0xb9: {  	s3 =	sand.u32 $0x4000, s31;
	s1 =	sadd.s32 s1, s30  }
0xba: {  	s0 =	sor.u32 s3, s0;
	s1 =	sshll.u32 s1, $0x11  }
0xbb: {  	s0 =	sor.u32 s1, s0  }
0xbc: {  	s0 =	sadd.s32 $0x8F2B, s0  }
0xbd: {  	[sflag:s0] =	ssyncadd.remote.s32 $0x1  }
0xbe: {  	_ =	sfence.sel $0xFFFF  }
0xbf: {  	[dreg:$0x0] =	wrdreg $0xFFFFFFFF;
	(pc) =	sbr.abs _section_cstart, $3  }
0xc0: {  	[dreg:$0x1] =	wrdreg $0xFFFFFFFF  }
0xc1: {  	_ =	task.clear_ibuf [dreg:s6], $0x2FFFF;
	_ =	strace $0x9FFFFFFF  }
0xc2: {  	(tm) =	ssettm $0x7FFFFFFF  }
0xc3: {  	_ =	shalt  }
tec
execute0_lowered:
.L_overlay_start_1:
0x0: {  	(tag) =	ssettag $0x1  }
0x1: {  	s4 =	rddreg [dreg:$0x0]  }
0x2: {  	s2 =	rddreg [dreg:$0x1]  }
0x3: {  	s15 =	rddreg [dreg:$0x2];
	s29 =	simm.s32 $0x0  }
0x4: {  	[smem:$0x7FF] =	sst s29;
	s5 =	sadd.s32 $0x20200, s4  }
0x5: {  	s21 =	simm.s32 $0x1F8;
	_ =	strace $0x8000004A;
	[dreg:$0x3] =	wrdreg s5  }
0x6: {  	s0 =	srdreg.scid;
	s22 =	simm.s32 $0x3F0;
	[dreg:$0x8] =	wrdreg s21  }
0x7: {  	s14 =	stileid.u32;
	s23 =	simm.s32 $0x5E8;
	[dreg:$0x9] =	wrdreg s22  }
0x8: {  	s24 =	simm.s32 $0x2958;
	s25 =	simm.s32 $0x7E0;
	[dreg:$0xa] =	wrdreg s23  }
0x9: {  	s26 =	simm.s32 $0x9D8;
	s7 =	simm.s32 $0xBD0;
	[dreg:$0xb] =	wrdreg s24  }
0xa: {  	s8 =	simm.s32 $0xDC8;
	s9 =	simm.s32 $0x2F40;
	[dreg:$0xc] =	wrdreg s25  }
0xb: {  	s10 =	simm.s32 $0x3138;
	s12 =	simm.s32 $0xFC0;
	[dreg:$0xd] =	wrdreg s26  }
0xc: {  	s13 =	simm.s32 $0x11B8;
	s30 =	simm.s32 $0x2760;
	[dreg:$0x10] =	wrdreg s7  }
0xd: {  	s28 =	simm.s32 $0x40F8;
	p0 =	por $0x0, $0x0;
	[dreg:$0x11] =	wrdreg s8  }
0xe: {  	s0 =	sand.u32 $0x1, s0;
	s1 =	sshll.u32 s14, $0x1;
	[dreg:$0x12] =	wrdreg s9  }
0xf: {  	s6 =	smul.u32 $0x5000, s14;
	s31 =	sshll.u32 s14, $0x6;
	[dreg:$0x13] =	wrdreg s10  }
0x10: {  	s1 =	sor.u32 s0, s1;
	s3 =	smul.u32 $0x50000, s0;
	[dreg:$0x14] =	wrdreg s12  }
0x11: {  	s19 =	sor.u32 $0x1C01, s31;
	s0 =	ssub.s32 $0x2, s0;
	[dreg:$0x15] =	wrdreg s13  }
0x12: {  	s7 =	simm.s32 $0x1;
	s21 =	simm.s32 $0x3720;
	s22 =	simm.s32 $0x3918  }
0x13: {  	s23 =	simm.s32 $0x17A0;
	s12 =	simm.s32 $0x8D40;
	[dreg:$0x6] =	wrdreg s19  }
0x14: {  	s24 =	simm.s32 $0x1998;
	s9 =	simm.s32 $0xCBC0;
	[dreg:$0x1a] =	wrdreg s21  }
0x15: {  	s25 =	simm.s32 $0x3B10;
	s10 =	simm.s32 $0x10A40;
	[dreg:$0x1b] =	wrdreg s22  }
0x16: {  	s26 =	simm.s32 $0x3D08;
	s8 =	simm.s32 $0x2;
	[dreg:$0x1c] =	wrdreg s23  }
0x17: {  	s13 =	simm.s32 $0x3;
	s1 =	smul.u32 $0x2760, s1;
	[dreg:$0x1d] =	wrdreg s24  }
0x18: {  	s11 =	sshrl.u32 s0, $0x1;
	s16 =	sadd.s32 s6, s2;
	[dreg:$0x1e] =	wrdreg s25  }
0x19: {  	s19 =	simm.s32 $0x13B0;
	[dreg:$0x1f] =	wrdreg s26;
	s24 =	simm.s32 $0x1B90  }
0x1a: {  	s25 =	simm.s32 $0x1D88;
	s26 =	simm.s32 $0x3F00;
	s21 =	simm.s32 $0x2178  }
0x1b: {  	s22 =	simm.s32 $0x42F0;
	s23 =	simm.s32 $0x44E8;
	s3 =	sadd.s32 s6, s3  }
0x1c: {  	s0 =	ssub.s32 s0, s11;
	[dreg:$0x18] =	wrdreg s19;
	s6 =	simm.s32 $0x1F4  }
0x1d: {  	s11 =	simm.s32 $0x4EC0;
	s19 =	simm.s32 $0x48D8;
	s1 =	sshrl.u32 s1, $0x3  }
0x1e: {  	s17 =	sshrl.u32 s3, $0x3;
	s3 =	simm.s32 $0x2B50;
	s1 =	sadd.s32 s1, s4  }
0x1f: {  	s5 =	sadd.s32 s17, s4;
	[dreg:$0xe] =	wrdreg s3;
	s17 =	simm.s32 $0x3330  }
0x20: {  	s0 =	smax.u32 s0, $0x1;
	s18 =	sadd.s32 $0x2800, s1;
	[dreg:$0x16] =	wrdreg s17  }
0x21: {  	p1 =	sne.s32 s0, $0x1;
	s1 =	sadd.s32 $0xC580, s1;
	[dreg:$0x4] =	wrdreg s18  }
0x22: {  	s20 =	sadd.s32 $0x20C00, s5;
	s5 =	simm.s32 $0x2D48;
	[dreg:$0x5] =	wrdreg s1  }
.Ltmp0:
0x23: {  	s17 =	simm.s32 $0x2568;
	[dreg:$0x7] =	wrdreg s20;
	(pc) =	sbr.rel @!p1 .LBB2_5-.Ltmp0, $4  }
0x24: {  	[dreg:$0xf] =	wrdreg s5;
	s5 =	sadd.s32 $0x16400, s4;
	s18 =	simm.s32 $0x3528  }
0x25: {  	s4 =	sshrl.u32 s16, $0x3;
	s1 =	sadd.s32 $0xFFFFFFFF, s0;
	s0 =	rddreg [dreg:$0x6]  }
0x26: {  	s20 =	simm.s32 $0x15A8;
	s16 =	simm.s32 $0x2370;
	[dreg:$0x17] =	wrdreg s18  }
0x27: {  	[dreg:$0x19] =	wrdreg s20;
	s20 =	simm.s32 $0x1F80;
	s18 =	simm.s32 $0x46E0  }
0x28: {  	s14 =	smov.u32 s31;
	s31 =	rddreg [dreg:$0x4]  }
0x29: {  	s3 =	rddreg [dreg:$0x5]  }
0x2a: {  	[tilespmem:s29], [sflag:$0x1] =	stream.linear.gather [hbm4b:s31+s29], $0x2760, $0x38;
	[tilespmem:$0x198C0] =	vst v63  }
0x2b: {  	s31 =	rddreg [dreg:$0x3]  }
0x2c: {  	[tilespmem:s30], [sflag:$0x1] =	stream.linear.gather [hbm4b:s3+s29], $0x2760, $0x38;
	[tilespmem:$0x198C0] =	vst v63  }
0x2d: {  	[spmem:s4], [sflag:s0] =	dma.local [hbm:s31], $0xA00  }
0x2e: {  	_ =	swait.ge [sflag:s7], $0x2760  }
0x2f: {  	[sflag:s7] =	ssyncset.done $0x0  }
0x30: {  	[sflag:s7] =	ssyncadd.s32 $0xFFFFD8A0  }
0x31: {  	_ =	swait.ge [sflag:s7], $0x2760  }
0x32: {  	[sflag:s7] =	ssyncset.done $0x0  }
0x33: {  	[sflag:s7] =	ssyncadd.s32 $0xFFFFD8A0  }
0x34: {  	_ =	swait.ge [sflag:s7], $0xA00  }
0x35: {  	[sflag:s7] =	ssyncset.done $0x0  }
0x36: {  	[sflag:s7] =	ssyncadd.s32 $0xFFFFF600  }
0x37: {  	[tilespmem:s11], [sflag:$0x1] =	stream.indirect.gather [hbm4b:s5+s6], $0x20, s29, s6, $0xb8;
	[tilespmem:$0x198C0] =	vst v63  }
0x38: {  	s15 =	rddreg [dreg:$0x8]  }
0x39: {  	[tilespmem:s12], [sflag:$0x1] =	stream.indirect.gather [hbm4b:s5+s6], $0x20, s15, s6, $0xb8;
	[tilespmem:$0x198C0] =	vst v63  }
0x3a: {  	[bflag:$0x0] =	sbarrier.arrive $0xFFFF  }
0x3b: {  	_ =	swait.ge [sflag:s7], $0x3E80  }
0x3c: {  	[sflag:s7] =	ssyncset.done $0x0  }
0x3d: {  	[sflag:s7] =	ssyncadd.s32 $0xFFFFC180  }
0x3e: {  	_ =	swait.ge [sflag:s7], $0x3E80  }
0x3f: {  	[sflag:s7] =	ssyncset.done $0x0  }
0x40: {  	s3 =	rddreg [dreg:$0x9];
	[sflag:s7] =	ssyncadd.s32 $0xFFFFC180  }
0x41: {  	[tilespmem:s9], [sflag:$0x1] =	stream.indirect.gather [hbm4b:s5+s6], $0x20, s3, s6, $0xb8;
	[tilespmem:$0x198C0] =	vst v63  }
0x42: {  	s15 =	rddreg [dreg:$0xa]  }
0x43: {  	[tilespmem:s10], [sflag:$0x1] =	stream.indirect.gather [hbm4b:s5+s6], $0x20, s15, s6, $0xb8;
	[tilespmem:$0x198C0] =	vst v63  }
0x44: {  	_ = 	snop  }
0x45: {  	[spmem:s2] =	stream.indirect.scatter.add.f32 [tilespmem:s11], [sflag:$0x2], $0x20, s30, s6, $0xb8;
	[tilespmem:$0x198C0] =	vst v63  }
0x46: {  	s15 =	rddreg [dreg:$0xb]  }
0x47: {  	[spmem:s2] =	stream.indirect.scatter.add.f32 [tilespmem:s12], [sflag:$0x2], $0x20, s15, s6, $0xb8;
	[tilespmem:$0x198C0] =	vst v63  }
0x48: {  	_ =	swait.ge [sflag:s7], $0x3E80  }
0x49: {  	[sflag:s7] =	ssyncset.done $0x0  }
0x4a: {  	[sflag:s7] =	ssyncadd.s32 $0xFFFFC180  }
0x4b: {  	_ =	swait.ge [sflag:s7], $0x3E80  }
0x4c: {  	[sflag:s7] =	ssyncset.done $0x0  }
0x4d: {  	[sflag:s7] =	ssyncadd.s32 $0xFFFFC180  }
0x4e: {  	_ =	swait.ge [sflag:s8], $0x3E80  }
0x4f: {  	[sflag:s8] =	ssyncset.done $0x0  }
0x50: {  	[sflag:s8] =	ssyncadd.s32 $0xFFFFC180  }
0x51: {  	_ =	swait.ge [sflag:s8], $0x3E80  }
0x52: {  	[sflag:s8] =	ssyncset.done $0x0  }
0x53: {  	s3 =	rddreg [dreg:$0xc];
	[sflag:s8] =	ssyncadd.s32 $0xFFFFC180  }
0x54: {  	[tilespmem:s11], [sflag:$0x1] =	stream.indirect.gather [hbm4b:s5+s6], $0x20, s3, s6, $0xb8;
	[tilespmem:$0x198C0] =	vst v63  }
0x55: {  	s15 =	rddreg [dreg:$0xd]  }
0x56: {  	[tilespmem:s12], [sflag:$0x1] =	stream.indirect.gather [hbm4b:s5+s6], $0x20, s15, s6, $0xb8;
	[tilespmem:$0x198C0] =	vst v63  }
0x57: {  	s0 =	rddreg [dreg:$0xe]  }
0x58: {  	[spmem:s2] =	stream.indirect.scatter.add.f32 [tilespmem:s9], [sflag:$0x2], $0x20, s0, s6, $0xb8;
	[tilespmem:$0x198C0] =	vst v63  }
0x59: {  	s15 =	rddreg [dreg:$0xf]  }
0x5a: {  	[spmem:s2] =	stream.indirect.scatter.add.f32 [tilespmem:s10], [sflag:$0x2], $0x20, s15, s6, $0xb8;
	[tilespmem:$0x198C0] =	vst v63  }
0x5b: {  	_ =	swait.ge [sflag:s7], $0x3E80  }
0x5c: {  	[sflag:s7] =	ssyncset.done $0x0  }
0x5d: {  	[sflag:s7] =	ssyncadd.s32 $0xFFFFC180  }
0x5e: {  	_ =	swait.ge [sflag:s7], $0x3E80  }
0x5f: {  	[sflag:s7] =	ssyncset.done $0x0  }
0x60: {  	[sflag:s7] =	ssyncadd.s32 $0xFFFFC180  }
0x61: {  	_ =	swait.ge [sflag:s8], $0x3E80  }
0x62: {  	[sflag:s8] =	ssyncset.done $0x0  }
0x63: {  	[sflag:s8] =	ssyncadd.s32 $0xFFFFC180  }
0x64: {  	_ =	swait.ge [sflag:s8], $0x3E80  }
0x65: {  	[sflag:s8] =	ssyncset.done $0x0  }
0x66: {  	s3 =	rddreg [dreg:$0x10];
	[sflag:s8] =	ssyncadd.s32 $0xFFFFC180  }
0x67: {  	[tilespmem:s9], [sflag:$0x1] =	stream.indirect.gather [hbm4b:s5+s6], $0x20, s3, s6, $0xb8;
	[tilespmem:$0x198C0] =	vst v63  }
0x68: {  	s15 =	rddreg [dreg:$0x11]  }
0x69: {  	[tilespmem:s10], [sflag:$0x1] =	stream.indirect.gather [hbm4b:s5+s6], $0x20, s15, s6, $0xb8;
	[tilespmem:$0x198C0] =	vst v63  }
0x6a: {  	s0 =	rddreg [dreg:$0x12]  }
0x6b: {  	[spmem:s2] =	stream.indirect.scatter.add.f32 [tilespmem:s11], [sflag:$0x2], $0x20, s0, s6, $0xb8;
	[tilespmem:$0x198C0] =	vst v63  }
0x6c: {  	s15 =	rddreg [dreg:$0x13]  }
0x6d: {  	[spmem:s2] =	stream.indirect.scatter.add.f32 [tilespmem:s12], [sflag:$0x2], $0x20, s15, s6, $0xb8;
	[tilespmem:$0x198C0] =	vst v63  }
0x6e: {  	_ =	swait.ge [sflag:s7], $0x3E80  }
0x6f: {  	[sflag:s7] =	ssyncset.done $0x0  }
0x70: {  	[sflag:s7] =	ssyncadd.s32 $0xFFFFC180  }
0x71: {  	_ =	swait.ge [sflag:s7], $0x3E80  }
0x72: {  	[sflag:s7] =	ssyncset.done $0x0  }
0x73: {  	[sflag:s7] =	ssyncadd.s32 $0xFFFFC180  }
0x74: {  	_ =	swait.ge [sflag:s8], $0x3E80  }
0x75: {  	[sflag:s8] =	ssyncset.done $0x0  }
0x76: {  	[sflag:s8] =	ssyncadd.s32 $0xFFFFC180  }
0x77: {  	_ =	swait.ge [sflag:s8], $0x3E80  }
0x78: {  	[sflag:s8] =	ssyncset.done $0x0  }
0x79: {  	s3 =	rddreg [dreg:$0x14];
	[sflag:s8] =	ssyncadd.s32 $0xFFFFC180  }
0x7a: {  	[tilespmem:s11], [sflag:$0x1] =	stream.indirect.gather [hbm4b:s5+s6], $0x20, s3, s6, $0xb8;
	[tilespmem:$0x198C0] =	vst v63  }
0x7b: {  	s15 =	rddreg [dreg:$0x15]  }
0x7c: {  	[tilespmem:s12], [sflag:$0x1] =	stream.indirect.gather [hbm4b:s5+s6], $0x20, s15, s6, $0xb8;
	[tilespmem:$0x198C0] =	vst v63  }
0x7d: {  	s0 =	rddreg [dreg:$0x16]  }
0x7e: {  	[spmem:s2] =	stream.indirect.scatter.add.f32 [tilespmem:s9], [sflag:$0x2], $0x20, s0, s6, $0xb8;
	[tilespmem:$0x198C0] =	vst v63  }
0x7f: {  	s15 =	rddreg [dreg:$0x17]  }
0x80: {  	[spmem:s2] =	stream.indirect.scatter.add.f32 [tilespmem:s10], [sflag:$0x2], $0x20, s15, s6, $0xb8;
	[tilespmem:$0x198C0] =	vst v63  }
0x81: {  	_ =	swait.ge [sflag:s7], $0x3E80  }
0x82: {  	[sflag:s7] =	ssyncset.done $0x0  }
0x83: {  	[sflag:s7] =	ssyncadd.s32 $0xFFFFC180  }
0x84: {  	_ =	swait.ge [sflag:s7], $0x3E80  }
0x85: {  	[sflag:s7] =	ssyncset.done $0x0  }
0x86: {  	[sflag:s7] =	ssyncadd.s32 $0xFFFFC180  }
0x87: {  	_ =	swait.ge [sflag:s8], $0x3E80  }
0x88: {  	[sflag:s8] =	ssyncset.done $0x0  }
0x89: {  	[sflag:s8] =	ssyncadd.s32 $0xFFFFC180  }
0x8a: {  	_ =	swait.ge [sflag:s8], $0x3E80  }
0x8b: {  	[sflag:s8] =	ssyncset.done $0x0  }
0x8c: {  	s3 =	rddreg [dreg:$0x18];
	[sflag:s8] =	ssyncadd.s32 $0xFFFFC180  }
0x8d: {  	[tilespmem:s9], [sflag:$0x1] =	stream.indirect.gather [hbm4b:s5+s6], $0x20, s3, s6, $0xb8;
	[tilespmem:$0x198C0] =	vst v63  }
0x8e: {  	s15 =	rddreg [dreg:$0x19]  }
0x8f: {  	[tilespmem:s10], [sflag:$0x1] =	stream.indirect.gather [hbm4b:s5+s6], $0x20, s15, s6, $0xb8;
	[tilespmem:$0x198C0] =	vst v63  }
0x90: {  	s0 =	rddreg [dreg:$0x1a]  }
0x91: {  	[spmem:s2] =	stream.indirect.scatter.add.f32 [tilespmem:s11], [sflag:$0x2], $0x20, s0, s6, $0xb8;
	[tilespmem:$0x198C0] =	vst v63  }
0x92: {  	s15 =	rddreg [dreg:$0x1b]  }
0x93: {  	[spmem:s2] =	stream.indirect.scatter.add.f32 [tilespmem:s12], [sflag:$0x2], $0x20, s15, s6, $0xb8;
	[tilespmem:$0x198C0] =	vst v63  }
0x94: {  	_ =	swait.ge [sflag:s7], $0x3E80  }
0x95: {  	[sflag:s7] =	ssyncset.done $0x0  }
0x96: {  	[sflag:s7] =	ssyncadd.s32 $0xFFFFC180  }
0x97: {  	_ =	swait.ge [sflag:s7], $0x3E80  }
0x98: {  	[sflag:s7] =	ssyncset.done $0x0  }
0x99: {  	[sflag:s7] =	ssyncadd.s32 $0xFFFFC180  }
0x9a: {  	_ =	swait.ge [sflag:s8], $0x3E80  }
0x9b: {  	[sflag:s8] =	ssyncset.done $0x0  }
0x9c: {  	[sflag:s8] =	ssyncadd.s32 $0xFFFFC180  }
0x9d: {  	_ =	swait.ge [sflag:s8], $0x3E80  }
0x9e: {  	[sflag:s8] =	ssyncset.done $0x0  }
0x9f: {  	s3 =	rddreg [dreg:$0x1c];
	[sflag:s8] =	ssyncadd.s32 $0xFFFFC180  }
0xa0: {  	[tilespmem:s11], [sflag:$0x1] =	stream.indirect.gather [hbm4b:s5+s6], $0x20, s3, s6, $0xb8;
	[tilespmem:$0x198C0] =	vst v63  }
0xa1: {  	s15 =	rddreg [dreg:$0x1d]  }
0xa2: {  	[tilespmem:s12], [sflag:$0x1] =	stream.indirect.gather [hbm4b:s5+s6], $0x20, s15, s6, $0xb8;
	[tilespmem:$0x198C0] =	vst v63  }
0xa3: {  	s0 =	rddreg [dreg:$0x1e]  }
0xa4: {  	[spmem:s2] =	stream.indirect.scatter.add.f32 [tilespmem:s9], [sflag:$0x2], $0x20, s0, s6, $0xb8;
	[tilespmem:$0x198C0] =	vst v63  }
0xa5: {  	s15 =	rddreg [dreg:$0x1f]  }
0xa6: {  	[spmem:s2] =	stream.indirect.scatter.add.f32 [tilespmem:s10], [sflag:$0x2], $0x20, s15, s6, $0xb8;
	[tilespmem:$0x198C0] =	vst v63  }
0xa7: {  	_ =	swait.ge [sflag:s7], $0x3E80  }
0xa8: {  	[sflag:s7] =	ssyncset.done $0x0  }
0xa9: {  	[sflag:s7] =	ssyncadd.s32 $0xFFFFC180  }
0xaa: {  	_ =	swait.ge [sflag:s7], $0x3E80  }
0xab: {  	[sflag:s7] =	ssyncset.done $0x0  }
0xac: {  	[sflag:s7] =	ssyncadd.s32 $0xFFFFC180  }
0xad: {  	_ =	swait.ge [sflag:s8], $0x3E80  }
0xae: {  	[sflag:s8] =	ssyncset.done $0x0  }
0xaf: {  	[sflag:s8] =	ssyncadd.s32 $0xFFFFC180  }
0xb0: {  	_ =	swait.ge [sflag:s8], $0x3E80  }
0xb1: {  	[sflag:s8] =	ssyncset.done $0x0  }
0xb2: {  	[sflag:s8] =	ssyncadd.s32 $0xFFFFC180  }
0xb3: {  	[tilespmem:s9], [sflag:$0x1] =	stream.indirect.gather [hbm4b:s5+s6], $0x20, s24, s6, $0xb8;
	[tilespmem:$0x198C0] =	vst v63  }
0xb4: {  	_ = 	snop  }
0xb5: {  	[tilespmem:s10], [sflag:$0x1] =	stream.indirect.gather [hbm4b:s5+s6], $0x20, s25, s6, $0xb8;
	[tilespmem:$0x198C0] =	vst v63  }
0xb6: {  	_ = 	snop  }
0xb7: {  	[spmem:s2] =	stream.indirect.scatter.add.f32 [tilespmem:s11], [sflag:$0x2], $0x20, s26, s6, $0xb8;
	[tilespmem:$0x198C0] =	vst v63  }
0xb8: {  	_ = 	snop  }
0xb9: {  	[spmem:s2] =	stream.indirect.scatter.add.f32 [tilespmem:s12], [sflag:$0x2], $0x20, s28, s6, $0xb8;
	[tilespmem:$0x198C0] =	vst v63  }
0xba: {  	_ =	swait.ge [sflag:s7], $0x3E80  }
0xbb: {  	[sflag:s7] =	ssyncset.done $0x0  }
0xbc: {  	[sflag:s7] =	ssyncadd.s32 $0xFFFFC180  }
0xbd: {  	_ =	swait.ge [sflag:s7], $0x3E80  }
0xbe: {  	[sflag:s7] =	ssyncset.done $0x0  }
0xbf: {  	[sflag:s7] =	ssyncadd.s32 $0xFFFFC180  }
0xc0: {  	_ =	swait.ge [sflag:s8], $0x3E80  }
0xc1: {  	[sflag:s8] =	ssyncset.done $0x0  }
0xc2: {  	[sflag:s8] =	ssyncadd.s32 $0xFFFFC180  }
0xc3: {  	_ =	swait.ge [sflag:s8], $0x3E80  }
0xc4: {  	[sflag:s8] =	ssyncset.done $0x0  }
0xc5: {  	[sflag:s8] =	ssyncadd.s32 $0xFFFFC180  }
0xc6: {  	[tilespmem:s11], [sflag:$0x1] =	stream.indirect.gather [hbm4b:s5+s6], $0x20, s20, s6, $0xb8;
	[tilespmem:$0x198C0] =	vst v63  }
0xc7: {  	_ = 	snop  }
0xc8: {  	[tilespmem:s12], [sflag:$0x1] =	stream.indirect.gather [hbm4b:s5+s6], $0x20, s21, s6, $0xb8;
	[tilespmem:$0x198C0] =	vst v63  }
0xc9: {  	_ = 	snop  }
0xca: {  	[spmem:s2] =	stream.indirect.scatter.add.f32 [tilespmem:s9], [sflag:$0x2], $0x20, s22, s6, $0xb8;
	[tilespmem:$0x198C0] =	vst v63  }
0xcb: {  	_ = 	snop  }
0xcc: {  	[spmem:s2] =	stream.indirect.scatter.add.f32 [tilespmem:s10], [sflag:$0x2], $0x20, s23, s6, $0xb8;
	[tilespmem:$0x198C0] =	vst v63  }
0xcd: {  	_ =	swait.ge [sflag:s7], $0x3E80  }
0xce: {  	[sflag:s7] =	ssyncset.done $0x0  }
0xcf: {  	[sflag:s7] =	ssyncadd.s32 $0xFFFFC180  }
0xd0: {  	_ =	swait.ge [sflag:s7], $0x3E80  }
0xd1: {  	[sflag:s7] =	ssyncset.done $0x0  }
0xd2: {  	[sflag:s7] =	ssyncadd.s32 $0xFFFFC180  }
0xd3: {  	_ =	swait.ge [sflag:s8], $0x3E80  }
0xd4: {  	[sflag:s8] =	ssyncset.done $0x0  }
0xd5: {  	[sflag:s8] =	ssyncadd.s32 $0xFFFFC180  }
0xd6: {  	_ =	swait.ge [sflag:s8], $0x3E80  }
0xd7: {  	[sflag:s8] =	ssyncset.done $0x0  }
0xd8: {  	[sflag:s8] =	ssyncadd.s32 $0xFFFFC180  }
0xd9: {  	[tilespmem:s9], [sflag:$0x1] =	stream.indirect.gather [hbm4b:s5+s6], $0x20, s16, s6, $0xb8;
	[tilespmem:$0x198C0] =	vst v63  }
0xda: {  	_ = 	snop  }
0xdb: {  	[tilespmem:s10], [sflag:$0x1] =	stream.indirect.gather [hbm4b:s5+s6], $0x20, s17, s6, $0xb8;
	[tilespmem:$0x198C0] =	vst v63  }
0xdc: {  	_ = 	snop  }
0xdd: {  	[spmem:s2] =	stream.indirect.scatter.add.f32 [tilespmem:s11], [sflag:$0x2], $0x20, s18, s6, $0xb8;
	[tilespmem:$0x198C0] =	vst v63  }
0xde: {  	_ = 	snop  }
0xdf: {  	[spmem:s2] =	stream.indirect.scatter.add.f32 [tilespmem:s12], [sflag:$0x2], $0x20, s19, s6, $0xb8;
	[tilespmem:$0x198C0] =	vst v63  }
0xe0: {  	_ =	swait.ge [sflag:s7], $0x3E80  }
0xe1: {  	[sflag:s7] =	ssyncset.done $0x0  }
0xe2: {  	[sflag:s7] =	ssyncadd.s32 $0xFFFFC180  }
0xe3: {  	_ =	swait.ge [sflag:s7], $0x3E80  }
0xe4: {  	[sflag:s7] =	ssyncset.done $0x0  }
0xe5: {  	[sflag:s7] =	ssyncadd.s32 $0xFFFFC180  }
0xe6: {  	_ =	swait.ge [sflag:s8], $0x3E80  }
0xe7: {  	[sflag:s8] =	ssyncset.done $0x0  }
0xe8: {  	[sflag:s8] =	ssyncadd.s32 $0xFFFFC180  }
0xe9: {  	_ =	swait.ge [sflag:s8], $0x3E80  }
0xea: {  	[sflag:s8] =	ssyncset.done $0x0  }
0xeb: {  	s15 =	simm.s32 $0x4AD0;
	[sflag:s8] =	ssyncadd.s32 $0xFFFFC180  }
0xec: {  	[spmem:s2] =	stream.indirect.scatter.add.f32 [tilespmem:s9], [sflag:$0x2], $0x20, s15, s6, $0xb8;
	[tilespmem:$0x198C0] =	vst v63  }
0xed: {  	s3 =	simm.s32 $0x4CC8  }
0xee: {  	[spmem:s2] =	stream.indirect.scatter.add.f32 [tilespmem:s10], [sflag:$0x2], $0x20, s3, s6, $0xb8;
	[tilespmem:$0x198C0] =	vst v63  }
0xef: {  	_ =	swait.ge [sflag:s8], $0x3E80  }
0xf0: {  	[sflag:s8] =	ssyncset.done $0x0  }
0xf1: {  	[sflag:s8] =	ssyncadd.s32 $0xFFFFC180  }
0xf2: {  	_ =	swait.ge [sflag:s8], $0x3E80  }
0xf3: {  	[sflag:s8] =	ssyncset.done $0x0  }
0xf4: {  	[sflag:s8] =	ssyncadd.s32 $0xFFFFC180  }
0xf5: {  	p1 =	sne.s32 s1, $0x1;
	[bflag:$0x0] =	sbarrier.arrive $0xFFFF  }
.Ltmp1:
0xf6: {  	s15 =	rddreg [dreg:$0x7];
	(pc) =	sbr.rel @!p1 .LBB2_2-.Ltmp1, $4  }
0xf7: {  	s31 =	sor.u32 $0x1C03, s14;
	[smem:$0x7FD] =	sst s14  }
0xf8: {  	[hbm:s15], [sflag:s31] =	dma.local [spmem:s4], $0xA00  }
0xf9: {  	s1 =	sadd.s32 $0xFFFFFFFF, s1;
	_ =	swait.ge [sflag:s13], $0xA00  }
0xfa: {  	p0 =	por $0x1, $0x1;
	s0 =	rddreg [dreg:$0x6];
	[sflag:s13] =	ssyncset.done $0x0  }
.LBB2_3:
0xfb: {  	s3 =	rddreg [dreg:$0x4]  }
0xfc: {  	[sflag:s13] =	ssyncadd.s32 $0xFFFFF600;
	s14 =	rddreg [dreg:$0x3]  }
0xfd: {  	[tilespmem:s29], [sflag:$0x1] =	stream.linear.gather [hbm4b:s3+s29], $0x2760, $0x38;
	[tilespmem:$0x198C0] =	vst v63  }
0xfe: {  	s15 =	rddreg [dreg:$0x5]  }
0xff: {  	[tilespmem:s30], [sflag:$0x1] =	stream.linear.gather [hbm4b:s15+s29], $0x2760, $0x38;
	[tilespmem:$0x198C0] =	vst v63  }
0x100: {  	[spmem:s4], [sflag:s0] =	dma.local [hbm:s14], $0xA00  }
0x101: {  	_ =	swait.ge [sflag:s7], $0x2760  }
0x102: {  	[sflag:s7] =	ssyncset.done $0x0  }
0x103: {  	[sflag:s7] =	ssyncadd.s32 $0xFFFFD8A0  }
0x104: {  	_ =	swait.ge [sflag:s7], $0x2760  }
0x105: {  	[sflag:s7] =	ssyncset.done $0x0  }
0x106: {  	[sflag:s7] =	ssyncadd.s32 $0xFFFFD8A0  }
0x107: {  	_ =	swait.ge [sflag:s7], $0xA00  }
0x108: {  	[sflag:s7] =	ssyncset.done $0x0  }
0x109: {  	[sflag:s7] =	ssyncadd.s32 $0xFFFFF600  }
0x10a: {  	[tilespmem:s11], [sflag:$0x1] =	stream.indirect.gather [hbm4b:s5+s6], $0x20, s29, s6, $0xb8;
	[tilespmem:$0x198C0] =	vst v63  }
0x10b: {  	s3 =	rddreg [dreg:$0x8]  }
0x10c: {  	[tilespmem:s12], [sflag:$0x1] =	stream.indirect.gather [hbm4b:s5+s6], $0x20, s3, s6, $0xb8;
	[tilespmem:$0x198C0] =	vst v63  }
0x10d: {  	[bflag:$0x0] =	sbarrier.arrive $0xFFFF  }
0x10e: {  	_ =	swait.ge [sflag:s7], $0x3E80  }
0x10f: {  	[sflag:s7] =	ssyncset.done $0x0  }
0x110: {  	[sflag:s7] =	ssyncadd.s32 $0xFFFFC180  }
0x111: {  	_ =	swait.ge [sflag:s7], $0x3E80  }
0x112: {  	[sflag:s7] =	ssyncset.done $0x0  }
0x113: {  	s14 =	rddreg [dreg:$0x9];
	[sflag:s7] =	ssyncadd.s32 $0xFFFFC180  }
0x114: {  	[tilespmem:s9], [sflag:$0x1] =	stream.indirect.gather [hbm4b:s5+s6], $0x20, s14, s6, $0xb8;
	[tilespmem:$0x198C0] =	vst v63  }
0x115: {  	s15 =	rddreg [dreg:$0xa]  }
0x116: {  	[tilespmem:s10], [sflag:$0x1] =	stream.indirect.gather [hbm4b:s5+s6], $0x20, s15, s6, $0xb8;
	[tilespmem:$0x198C0] =	vst v63  }
0x117: {  	_ = 	snop  }
0x118: {  	[spmem:s2] =	stream.indirect.scatter.add.f32 [tilespmem:s11], [sflag:$0x2], $0x20, s30, s6, $0xb8;
	[tilespmem:$0x198C0] =	vst v63  }
0x119: {  	s3 =	rddreg [dreg:$0xb]  }
0x11a: {  	[spmem:s2] =	stream.indirect.scatter.add.f32 [tilespmem:s12], [sflag:$0x2], $0x20, s3, s6, $0xb8;
	[tilespmem:$0x198C0] =	vst v63  }
0x11b: {  	_ =	swait.ge [sflag:s7], $0x3E80  }
0x11c: {  	[sflag:s7] =	ssyncset.done $0x0  }
0x11d: {  	[sflag:s7] =	ssyncadd.s32 $0xFFFFC180  }
0x11e: {  	_ =	swait.ge [sflag:s7], $0x3E80  }
0x11f: {  	[sflag:s7] =	ssyncset.done $0x0  }
0x120: {  	[sflag:s7] =	ssyncadd.s32 $0xFFFFC180  }
0x121: {  	_ =	swait.ge [sflag:s8], $0x3E80  }
0x122: {  	[sflag:s8] =	ssyncset.done $0x0  }
0x123: {  	[sflag:s8] =	ssyncadd.s32 $0xFFFFC180  }
0x124: {  	_ =	swait.ge [sflag:s8], $0x3E80  }
0x125: {  	[sflag:s8] =	ssyncset.done $0x0  }
0x126: {  	s14 =	rddreg [dreg:$0xc];
	[sflag:s8] =	ssyncadd.s32 $0xFFFFC180  }
0x127: {  	[tilespmem:s11], [sflag:$0x1] =	stream.indirect.gather [hbm4b:s5+s6], $0x20, s14, s6, $0xb8;
	[tilespmem:$0x198C0] =	vst v63  }
0x128: {  	s15 =	rddreg [dreg:$0xd]  }
0x129: {  	[tilespmem:s12], [sflag:$0x1] =	stream.indirect.gather [hbm4b:s5+s6], $0x20, s15, s6, $0xb8;
	[tilespmem:$0x198C0] =	vst v63  }
0x12a: {  	s14 =	rddreg [dreg:$0xe]  }
0x12b: {  	[spmem:s2] =	stream.indirect.scatter.add.f32 [tilespmem:s9], [sflag:$0x2], $0x20, s14, s6, $0xb8;
	[tilespmem:$0x198C0] =	vst v63  }
0x12c: {  	s15 =	rddreg [dreg:$0xf]  }
0x12d: {  	[spmem:s2] =	stream.indirect.scatter.add.f32 [tilespmem:s10], [sflag:$0x2], $0x20, s15, s6, $0xb8;
	[tilespmem:$0x198C0] =	vst v63  }
0x12e: {  	_ =	swait.ge [sflag:s7], $0x3E80  }
0x12f: {  	[sflag:s7] =	ssyncset.done $0x0  }
0x130: {  	[sflag:s7] =	ssyncadd.s32 $0xFFFFC180  }
0x131: {  	_ =	swait.ge [sflag:s7], $0x3E80  }
0x132: {  	[sflag:s7] =	ssyncset.done $0x0  }
0x133: {  	[sflag:s7] =	ssyncadd.s32 $0xFFFFC180  }
0x134: {  	_ =	swait.ge [sflag:s8], $0x3E80  }
0x135: {  	[sflag:s8] =	ssyncset.done $0x0  }
0x136: {  	[sflag:s8] =	ssyncadd.s32 $0xFFFFC180  }
0x137: {  	_ =	swait.ge [sflag:s8], $0x3E80  }
0x138: {  	[sflag:s8] =	ssyncset.done $0x0  }
0x139: {  	s14 =	rddreg [dreg:$0x10];
	[sflag:s8] =	ssyncadd.s32 $0xFFFFC180  }
0x13a: {  	[tilespmem:s9], [sflag:$0x1] =	stream.indirect.gather [hbm4b:s5+s6], $0x20, s14, s6, $0xb8;
	[tilespmem:$0x198C0] =	vst v63  }
0x13b: {  	s15 =	rddreg [dreg:$0x11]  }
0x13c: {  	[tilespmem:s10], [sflag:$0x1] =	stream.indirect.gather [hbm4b:s5+s6], $0x20, s15, s6, $0xb8;
	[tilespmem:$0x198C0] =	vst v63  }
0x13d: {  	s14 =	rddreg [dreg:$0x12]  }
0x13e: {  	[spmem:s2] =	stream.indirect.scatter.add.f32 [tilespmem:s11], [sflag:$0x2], $0x20, s14, s6, $0xb8;
	[tilespmem:$0x198C0] =	vst v63  }
0x13f: {  	s15 =	rddreg [dreg:$0x13]  }
0x140: {  	[spmem:s2] =	stream.indirect.scatter.add.f32 [tilespmem:s12], [sflag:$0x2], $0x20, s15, s6, $0xb8;
	[tilespmem:$0x198C0] =	vst v63  }
0x141: {  	_ =	swait.ge [sflag:s7], $0x3E80  }
0x142: {  	[sflag:s7] =	ssyncset.done $0x0  }
0x143: {  	[sflag:s7] =	ssyncadd.s32 $0xFFFFC180  }
0x144: {  	_ =	swait.ge [sflag:s7], $0x3E80  }
0x145: {  	[sflag:s7] =	ssyncset.done $0x0  }
0x146: {  	[sflag:s7] =	ssyncadd.s32 $0xFFFFC180  }
0x147: {  	_ =	swait.ge [sflag:s8], $0x3E80  }
0x148: {  	[sflag:s8] =	ssyncset.done $0x0  }
0x149: {  	[sflag:s8] =	ssyncadd.s32 $0xFFFFC180  }
0x14a: {  	_ =	swait.ge [sflag:s8], $0x3E80  }
0x14b: {  	[sflag:s8] =	ssyncset.done $0x0  }
0x14c: {  	s14 =	rddreg [dreg:$0x14];
	[sflag:s8] =	ssyncadd.s32 $0xFFFFC180  }
0x14d: {  	[tilespmem:s11], [sflag:$0x1] =	stream.indirect.gather [hbm4b:s5+s6], $0x20, s14, s6, $0xb8;
	[tilespmem:$0x198C0] =	vst v63  }
0x14e: {  	s15 =	rddreg [dreg:$0x15]  }
0x14f: {  	[tilespmem:s12], [sflag:$0x1] =	stream.indirect.gather [hbm4b:s5+s6], $0x20, s15, s6, $0xb8;
	[tilespmem:$0x198C0] =	vst v63  }
0x150: {  	s14 =	rddreg [dreg:$0x16]  }
0x151: {  	[spmem:s2] =	stream.indirect.scatter.add.f32 [tilespmem:s9], [sflag:$0x2], $0x20, s14, s6, $0xb8;
	[tilespmem:$0x198C0] =	vst v63  }
0x152: {  	s15 =	rddreg [dreg:$0x17]  }
0x153: {  	[spmem:s2] =	stream.indirect.scatter.add.f32 [tilespmem:s10], [sflag:$0x2], $0x20, s15, s6, $0xb8;
	[tilespmem:$0x198C0] =	vst v63  }
0x154: {  	_ =	swait.ge [sflag:s7], $0x3E80  }
0x155: {  	[sflag:s7] =	ssyncset.done $0x0  }
0x156: {  	[sflag:s7] =	ssyncadd.s32 $0xFFFFC180  }
0x157: {  	_ =	swait.ge [sflag:s7], $0x3E80  }
0x158: {  	[sflag:s7] =	ssyncset.done $0x0  }
0x159: {  	[sflag:s7] =	ssyncadd.s32 $0xFFFFC180  }
0x15a: {  	_ =	swait.ge [sflag:s8], $0x3E80  }
0x15b: {  	[sflag:s8] =	ssyncset.done $0x0  }
0x15c: {  	[sflag:s8] =	ssyncadd.s32 $0xFFFFC180  }
0x15d: {  	_ =	swait.ge [sflag:s8], $0x3E80  }
0x15e: {  	[sflag:s8] =	ssyncset.done $0x0  }
0x15f: {  	s14 =	rddreg [dreg:$0x18];
	[sflag:s8] =	ssyncadd.s32 $0xFFFFC180  }
0x160: {  	[tilespmem:s9], [sflag:$0x1] =	stream.indirect.gather [hbm4b:s5+s6], $0x20, s14, s6, $0xb8;
	[tilespmem:$0x198C0] =	vst v63  }
0x161: {  	s15 =	rddreg [dreg:$0x19]  }
0x162: {  	[tilespmem:s10], [sflag:$0x1] =	stream.indirect.gather [hbm4b:s5+s6], $0x20, s15, s6, $0xb8;
	[tilespmem:$0x198C0] =	vst v63  }
0x163: {  	s14 =	rddreg [dreg:$0x1a]  }
0x164: {  	[spmem:s2] =	stream.indirect.scatter.add.f32 [tilespmem:s11], [sflag:$0x2], $0x20, s14, s6, $0xb8;
	[tilespmem:$0x198C0] =	vst v63  }
0x165: {  	s15 =	rddreg [dreg:$0x1b]  }
0x166: {  	[spmem:s2] =	stream.indirect.scatter.add.f32 [tilespmem:s12], [sflag:$0x2], $0x20, s15, s6, $0xb8;
	[tilespmem:$0x198C0] =	vst v63  }
0x167: {  	_ =	swait.ge [sflag:s7], $0x3E80  }
0x168: {  	[sflag:s7] =	ssyncset.done $0x0  }
0x169: {  	[sflag:s7] =	ssyncadd.s32 $0xFFFFC180  }
0x16a: {  	_ =	swait.ge [sflag:s7], $0x3E80  }
0x16b: {  	[sflag:s7] =	ssyncset.done $0x0  }
0x16c: {  	[sflag:s7] =	ssyncadd.s32 $0xFFFFC180  }
0x16d: {  	_ =	swait.ge [sflag:s8], $0x3E80  }
0x16e: {  	[sflag:s8] =	ssyncset.done $0x0  }
0x16f: {  	[sflag:s8] =	ssyncadd.s32 $0xFFFFC180  }
0x170: {  	_ =	swait.ge [sflag:s8], $0x3E80  }
0x171: {  	[sflag:s8] =	ssyncset.done $0x0  }
0x172: {  	s3 =	rddreg [dreg:$0x1c];
	[sflag:s8] =	ssyncadd.s32 $0xFFFFC180  }
0x173: {  	[tilespmem:s11], [sflag:$0x1] =	stream.indirect.gather [hbm4b:s5+s6], $0x20, s3, s6, $0xb8;
	[tilespmem:$0x198C0] =	vst v63  }
0x174: {  	s14 =	rddreg [dreg:$0x1d]  }
0x175: {  	[tilespmem:s12], [sflag:$0x1] =	stream.indirect.gather [hbm4b:s5+s6], $0x20, s14, s6, $0xb8;
	[tilespmem:$0x198C0] =	vst v63  }
0x176: {  	s15 =	rddreg [dreg:$0x1e]  }
0x177: {  	[spmem:s2] =	stream.indirect.scatter.add.f32 [tilespmem:s9], [sflag:$0x2], $0x20, s15, s6, $0xb8;
	[tilespmem:$0x198C0] =	vst v63  }
0x178: {  	s14 =	rddreg [dreg:$0x1f]  }
0x179: {  	[spmem:s2] =	stream.indirect.scatter.add.f32 [tilespmem:s10], [sflag:$0x2], $0x20, s14, s6, $0xb8;
	[tilespmem:$0x198C0] =	vst v63  }
0x17a: {  	_ =	swait.ge [sflag:s7], $0x3E80  }
0x17b: {  	[sflag:s7] =	ssyncset.done $0x0  }
0x17c: {  	[sflag:s7] =	ssyncadd.s32 $0xFFFFC180  }
0x17d: {  	_ =	swait.ge [sflag:s7], $0x3E80  }
0x17e: {  	[sflag:s7] =	ssyncset.done $0x0  }
0x17f: {  	[sflag:s7] =	ssyncadd.s32 $0xFFFFC180  }
0x180: {  	_ =	swait.ge [sflag:s8], $0x3E80  }
0x181: {  	[sflag:s8] =	ssyncset.done $0x0  }
0x182: {  	[sflag:s8] =	ssyncadd.s32 $0xFFFFC180  }
0x183: {  	_ =	swait.ge [sflag:s8], $0x3E80  }
0x184: {  	[sflag:s8] =	ssyncset.done $0x0  }
0x185: {  	[sflag:s8] =	ssyncadd.s32 $0xFFFFC180  }
0x186: {  	[tilespmem:s9], [sflag:$0x1] =	stream.indirect.gather [hbm4b:s5+s6], $0x20, s24, s6, $0xb8;
	[tilespmem:$0x198C0] =	vst v63  }
0x187: {  	_ = 	snop  }
0x188: {  	[tilespmem:s10], [sflag:$0x1] =	stream.indirect.gather [hbm4b:s5+s6], $0x20, s25, s6, $0xb8;
	[tilespmem:$0x198C0] =	vst v63  }
0x189: {  	_ = 	snop  }
0x18a: {  	[spmem:s2] =	stream.indirect.scatter.add.f32 [tilespmem:s11], [sflag:$0x2], $0x20, s26, s6, $0xb8;
	[tilespmem:$0x198C0] =	vst v63  }
0x18b: {  	_ = 	snop  }
0x18c: {  	[spmem:s2] =	stream.indirect.scatter.add.f32 [tilespmem:s12], [sflag:$0x2], $0x20, s28, s6, $0xb8;
	[tilespmem:$0x198C0] =	vst v63  }
0x18d: {  	_ =	swait.ge [sflag:s7], $0x3E80  }
0x18e: {  	[sflag:s7] =	ssyncset.done $0x0  }
0x18f: {  	[sflag:s7] =	ssyncadd.s32 $0xFFFFC180  }
0x190: {  	_ =	swait.ge [sflag:s7], $0x3E80  }
0x191: {  	[sflag:s7] =	ssyncset.done $0x0  }
0x192: {  	[sflag:s7] =	ssyncadd.s32 $0xFFFFC180  }
0x193: {  	_ =	swait.ge [sflag:s8], $0x3E80  }
0x194: {  	[sflag:s8] =	ssyncset.done $0x0  }
0x195: {  	[sflag:s8] =	ssyncadd.s32 $0xFFFFC180  }
0x196: {  	_ =	swait.ge [sflag:s8], $0x3E80  }
0x197: {  	[sflag:s8] =	ssyncset.done $0x0  }
0x198: {  	[sflag:s8] =	ssyncadd.s32 $0xFFFFC180  }
0x199: {  	[tilespmem:s11], [sflag:$0x1] =	stream.indirect.gather [hbm4b:s5+s6], $0x20, s20, s6, $0xb8;
	[tilespmem:$0x198C0] =	vst v63  }
0x19a: {  	_ = 	snop  }
0x19b: {  	[tilespmem:s12], [sflag:$0x1] =	stream.indirect.gather [hbm4b:s5+s6], $0x20, s21, s6, $0xb8;
	[tilespmem:$0x198C0] =	vst v63  }
0x19c: {  	_ = 	snop  }
0x19d: {  	[spmem:s2] =	stream.indirect.scatter.add.f32 [tilespmem:s9], [sflag:$0x2], $0x20, s22, s6, $0xb8;
	[tilespmem:$0x198C0] =	vst v63  }
0x19e: {  	_ = 	snop  }
0x19f: {  	[spmem:s2] =	stream.indirect.scatter.add.f32 [tilespmem:s10], [sflag:$0x2], $0x20, s23, s6, $0xb8;
	[tilespmem:$0x198C0] =	vst v63  }
0x1a0: {  	_ =	swait.ge [sflag:s7], $0x3E80  }
0x1a1: {  	[sflag:s7] =	ssyncset.done $0x0  }
0x1a2: {  	[sflag:s7] =	ssyncadd.s32 $0xFFFFC180  }
0x1a3: {  	_ =	swait.ge [sflag:s7], $0x3E80  }
0x1a4: {  	[sflag:s7] =	ssyncset.done $0x0  }
0x1a5: {  	[sflag:s7] =	ssyncadd.s32 $0xFFFFC180  }
0x1a6: {  	_ =	swait.ge [sflag:s8], $0x3E80  }
0x1a7: {  	[sflag:s8] =	ssyncset.done $0x0  }
0x1a8: {  	[sflag:s8] =	ssyncadd.s32 $0xFFFFC180  }
0x1a9: {  	_ =	swait.ge [sflag:s8], $0x3E80  }
0x1aa: {  	[sflag:s8] =	ssyncset.done $0x0  }
0x1ab: {  	[sflag:s8] =	ssyncadd.s32 $0xFFFFC180  }
0x1ac: {  	[tilespmem:s9], [sflag:$0x1] =	stream.indirect.gather [hbm4b:s5+s6], $0x20, s16, s6, $0xb8;
	[tilespmem:$0x198C0] =	vst v63  }
0x1ad: {  	_ = 	snop  }
0x1ae: {  	[tilespmem:s10], [sflag:$0x1] =	stream.indirect.gather [hbm4b:s5+s6], $0x20, s17, s6, $0xb8;
	[tilespmem:$0x198C0] =	vst v63  }
0x1af: {  	_ = 	snop  }
0x1b0: {  	[spmem:s2] =	stream.indirect.scatter.add.f32 [tilespmem:s11], [sflag:$0x2], $0x20, s18, s6, $0xb8;
	[tilespmem:$0x198C0] =	vst v63  }
0x1b1: {  	_ = 	snop  }
0x1b2: {  	[spmem:s2] =	stream.indirect.scatter.add.f32 [tilespmem:s12], [sflag:$0x2], $0x20, s19, s6, $0xb8;
	[tilespmem:$0x198C0] =	vst v63  }
0x1b3: {  	_ =	swait.ge [sflag:s7], $0x3E80  }
0x1b4: {  	[sflag:s7] =	ssyncset.done $0x0  }
0x1b5: {  	[sflag:s7] =	ssyncadd.s32 $0xFFFFC180  }
0x1b6: {  	_ =	swait.ge [sflag:s7], $0x3E80  }
0x1b7: {  	[sflag:s7] =	ssyncset.done $0x0  }
0x1b8: {  	[sflag:s7] =	ssyncadd.s32 $0xFFFFC180  }
0x1b9: {  	_ =	swait.ge [sflag:s8], $0x3E80  }
0x1ba: {  	[sflag:s8] =	ssyncset.done $0x0  }
0x1bb: {  	[sflag:s8] =	ssyncadd.s32 $0xFFFFC180  }
0x1bc: {  	_ =	swait.ge [sflag:s8], $0x3E80  }
0x1bd: {  	[sflag:s8] =	ssyncset.done $0x0  }
0x1be: {  	s14 =	simm.s32 $0x4AD0;
	[sflag:s8] =	ssyncadd.s32 $0xFFFFC180  }
0x1bf: {  	[spmem:s2] =	stream.indirect.scatter.add.f32 [tilespmem:s9], [sflag:$0x2], $0x20, s14, s6, $0xb8;
	[tilespmem:$0x198C0] =	vst v63  }
0x1c0: {  	s15 =	simm.s32 $0x4CC8  }
0x1c1: {  	[spmem:s2] =	stream.indirect.scatter.add.f32 [tilespmem:s10], [sflag:$0x2], $0x20, s15, s6, $0xb8;
	[tilespmem:$0x198C0] =	vst v63  }
0x1c2: {  	_ =	swait.ge [sflag:s8], $0x3E80  }
0x1c3: {  	[sflag:s8] =	ssyncset.done $0x0  }
0x1c4: {  	[sflag:s8] =	ssyncadd.s32 $0xFFFFC180  }
0x1c5: {  	_ =	swait.ge [sflag:s8], $0x3E80  }
0x1c6: {  	[sflag:s8] =	ssyncset.done $0x0  }
0x1c7: {  	p1 =	sne.s32 s1, $0x1;
	[sflag:s8] =	ssyncadd.s32 $0xFFFFC180  }
.Ltmp2:
0x1c8: {  	[bflag:$0x0] =	sbarrier.arrive $0xFFFF;
	(pc) =	sbr.rel @p1 .LBB2_3-.Ltmp2, $4  }
0x1c9: {  	s15 =	rddreg [dreg:$0x7]  }
0x1ca: {  	[hbm:s15], [sflag:s31] =	dma.local [spmem:s4], $0xA00  }
0x1cb: {  	_ =	swait.ge [sflag:s13], $0xA00  }
0x1cc: {  	s1 =	sadd.s32 $0xFFFFFFFF, s1;
	s0 =	rddreg [dreg:$0x6];
	[sflag:s13] =	ssyncset.done $0x0  }
0x1cd: {  	s15 =	rddreg [dreg:$0x2]  }
0x1ce: {  	s14 =	stileid.u32;
	s31 =	sld [smem:$0x7FD]  }
.LBB2_5:
0x1cf: {  	s1 =	rddreg [dreg:$0x4]  }
0x1d0: {  	[sflag:s13] =	ssyncadd.s32 @p0 $0xFFFFF600;
	s3 =	rddreg [dreg:$0x3]  }
0x1d1: {  	[tilespmem:s29], [sflag:$0x1] =	stream.linear.gather [hbm4b:s1+s29], $0x2760, $0x38;
	[tilespmem:$0x198C0] =	vst v63  }
0x1d2: {  	s1 =	rddreg [dreg:$0x5]  }
0x1d3: {  	[tilespmem:s30], [sflag:$0x1] =	stream.linear.gather [hbm4b:s1+s29], $0x2760, $0x38;
	[tilespmem:$0x198C0] =	vst v63  }
0x1d4: {  	[spmem:s4], [sflag:s0] =	dma.local [hbm:s3], $0xA00  }
0x1d5: {  	_ =	swait.ge [sflag:s7], $0x2760  }
0x1d6: {  	[sflag:s7] =	ssyncset.done $0x0  }
0x1d7: {  	[sflag:s7] =	ssyncadd.s32 $0xFFFFD8A0  }
0x1d8: {  	_ =	swait.ge [sflag:s7], $0x2760  }
0x1d9: {  	[sflag:s7] =	ssyncset.done $0x0  }
0x1da: {  	[sflag:s7] =	ssyncadd.s32 $0xFFFFD8A0  }
0x1db: {  	_ =	swait.ge [sflag:s7], $0xA00  }
0x1dc: {  	[sflag:s7] =	ssyncset.done $0x0  }
0x1dd: {  	[sflag:s7] =	ssyncadd.s32 $0xFFFFF600  }
0x1de: {  	[tilespmem:s11], [sflag:$0x1] =	stream.indirect.gather [hbm4b:s5+s6], $0x20, s29, s6, $0xb8;
	[tilespmem:$0x198C0] =	vst v63  }
0x1df: {  	s3 =	rddreg [dreg:$0x8]  }
0x1e0: {  	[tilespmem:s12], [sflag:$0x1] =	stream.indirect.gather [hbm4b:s5+s6], $0x20, s3, s6, $0xb8;
	[tilespmem:$0x198C0] =	vst v63  }
0x1e1: {  	[bflag:$0x0] =	sbarrier.arrive $0xFFFF  }
0x1e2: {  	_ =	swait.ge [sflag:s7], $0x3E80  }
0x1e3: {  	[sflag:s7] =	ssyncset.done $0x0  }
0x1e4: {  	[sflag:s7] =	ssyncadd.s32 $0xFFFFC180  }
0x1e5: {  	_ =	swait.ge [sflag:s7], $0x3E80  }
0x1e6: {  	[sflag:s7] =	ssyncset.done $0x0  }
0x1e7: {  	s1 =	rddreg [dreg:$0x9];
	[sflag:s7] =	ssyncadd.s32 $0xFFFFC180  }
0x1e8: {  	[tilespmem:s9], [sflag:$0x1] =	stream.indirect.gather [hbm4b:s5+s6], $0x20, s1, s6, $0xb8;
	[tilespmem:$0x198C0] =	vst v63  }
0x1e9: {  	s3 =	rddreg [dreg:$0xa]  }
0x1ea: {  	[tilespmem:s10], [sflag:$0x1] =	stream.indirect.gather [hbm4b:s5+s6], $0x20, s3, s6, $0xb8;
	[tilespmem:$0x198C0] =	vst v63  }
0x1eb: {  	_ = 	snop  }
0x1ec: {  	[spmem:s2] =	stream.indirect.scatter.add.f32 [tilespmem:s11], [sflag:$0x2], $0x20, s30, s6, $0xb8;
	[tilespmem:$0x198C0] =	vst v63  }
0x1ed: {  	s29 =	rddreg [dreg:$0xb]  }
0x1ee: {  	[spmem:s2] =	stream.indirect.scatter.add.f32 [tilespmem:s12], [sflag:$0x2], $0x20, s29, s6, $0xb8;
	[tilespmem:$0x198C0] =	vst v63  }
0x1ef: {  	_ =	swait.ge [sflag:s7], $0x3E80  }
0x1f0: {  	[sflag:s7] =	ssyncset.done $0x0  }
0x1f1: {  	[sflag:s7] =	ssyncadd.s32 $0xFFFFC180  }
0x1f2: {  	_ =	swait.ge [sflag:s7], $0x3E80  }
0x1f3: {  	[sflag:s7] =	ssyncset.done $0x0  }
0x1f4: {  	[sflag:s7] =	ssyncadd.s32 $0xFFFFC180  }
0x1f5: {  	_ =	swait.ge [sflag:s8], $0x3E80  }
0x1f6: {  	[sflag:s8] =	ssyncset.done $0x0  }
0x1f7: {  	[sflag:s8] =	ssyncadd.s32 $0xFFFFC180  }
0x1f8: {  	_ =	swait.ge [sflag:s8], $0x3E80  }
0x1f9: {  	[sflag:s8] =	ssyncset.done $0x0  }
0x1fa: {  	s1 =	rddreg [dreg:$0xc];
	[sflag:s8] =	ssyncadd.s32 $0xFFFFC180  }
0x1fb: {  	[tilespmem:s11], [sflag:$0x1] =	stream.indirect.gather [hbm4b:s5+s6], $0x20, s1, s6, $0xb8;
	[tilespmem:$0x198C0] =	vst v63  }
0x1fc: {  	s3 =	rddreg [dreg:$0xd]  }
0x1fd: {  	[tilespmem:s12], [sflag:$0x1] =	stream.indirect.gather [hbm4b:s5+s6], $0x20, s3, s6, $0xb8;
	[tilespmem:$0x198C0] =	vst v63  }
0x1fe: {  	s29 =	rddreg [dreg:$0xe]  }
0x1ff: {  	[spmem:s2] =	stream.indirect.scatter.add.f32 [tilespmem:s9], [sflag:$0x2], $0x20, s29, s6, $0xb8;
	[tilespmem:$0x198C0] =	vst v63  }
0x200: {  	s30 =	rddreg [dreg:$0xf]  }
0x201: {  	[spmem:s2] =	stream.indirect.scatter.add.f32 [tilespmem:s10], [sflag:$0x2], $0x20, s30, s6, $0xb8;
	[tilespmem:$0x198C0] =	vst v63  }
0x202: {  	_ =	swait.ge [sflag:s7], $0x3E80  }
0x203: {  	[sflag:s7] =	ssyncset.done $0x0  }
0x204: {  	[sflag:s7] =	ssyncadd.s32 $0xFFFFC180  }
0x205: {  	_ =	swait.ge [sflag:s7], $0x3E80  }
0x206: {  	[sflag:s7] =	ssyncset.done $0x0  }
0x207: {  	[sflag:s7] =	ssyncadd.s32 $0xFFFFC180  }
0x208: {  	_ =	swait.ge [sflag:s8], $0x3E80  }
0x209: {  	[sflag:s8] =	ssyncset.done $0x0  }
0x20a: {  	[sflag:s8] =	ssyncadd.s32 $0xFFFFC180  }
0x20b: {  	_ =	swait.ge [sflag:s8], $0x3E80  }
0x20c: {  	[sflag:s8] =	ssyncset.done $0x0  }
0x20d: {  	s1 =	rddreg [dreg:$0x10];
	[sflag:s8] =	ssyncadd.s32 $0xFFFFC180  }
0x20e: {  	[tilespmem:s9], [sflag:$0x1] =	stream.indirect.gather [hbm4b:s5+s6], $0x20, s1, s6, $0xb8;
	[tilespmem:$0x198C0] =	vst v63  }
0x20f: {  	s3 =	rddreg [dreg:$0x11]  }
0x210: {  	[tilespmem:s10], [sflag:$0x1] =	stream.indirect.gather [hbm4b:s5+s6], $0x20, s3, s6, $0xb8;
	[tilespmem:$0x198C0] =	vst v63  }
0x211: {  	s29 =	rddreg [dreg:$0x12]  }
0x212: {  	[spmem:s2] =	stream.indirect.scatter.add.f32 [tilespmem:s11], [sflag:$0x2], $0x20, s29, s6, $0xb8;
	[tilespmem:$0x198C0] =	vst v63  }
0x213: {  	s30 =	rddreg [dreg:$0x13]  }
0x214: {  	[spmem:s2] =	stream.indirect.scatter.add.f32 [tilespmem:s12], [sflag:$0x2], $0x20, s30, s6, $0xb8;
	[tilespmem:$0x198C0] =	vst v63  }
0x215: {  	_ =	swait.ge [sflag:s7], $0x3E80  }
0x216: {  	[sflag:s7] =	ssyncset.done $0x0  }
0x217: {  	[sflag:s7] =	ssyncadd.s32 $0xFFFFC180  }
0x218: {  	_ =	swait.ge [sflag:s7], $0x3E80  }
0x219: {  	[sflag:s7] =	ssyncset.done $0x0  }
0x21a: {  	[sflag:s7] =	ssyncadd.s32 $0xFFFFC180  }
0x21b: {  	_ =	swait.ge [sflag:s8], $0x3E80  }
0x21c: {  	[sflag:s8] =	ssyncset.done $0x0  }
0x21d: {  	[sflag:s8] =	ssyncadd.s32 $0xFFFFC180  }
0x21e: {  	_ =	swait.ge [sflag:s8], $0x3E80  }
0x21f: {  	[sflag:s8] =	ssyncset.done $0x0  }
0x220: {  	s1 =	rddreg [dreg:$0x14];
	[sflag:s8] =	ssyncadd.s32 $0xFFFFC180  }
0x221: {  	[tilespmem:s11], [sflag:$0x1] =	stream.indirect.gather [hbm4b:s5+s6], $0x20, s1, s6, $0xb8;
	[tilespmem:$0x198C0] =	vst v63  }
0x222: {  	s3 =	rddreg [dreg:$0x15]  }
0x223: {  	[tilespmem:s12], [sflag:$0x1] =	stream.indirect.gather [hbm4b:s5+s6], $0x20, s3, s6, $0xb8;
	[tilespmem:$0x198C0] =	vst v63  }
0x224: {  	s29 =	rddreg [dreg:$0x16]  }
0x225: {  	[spmem:s2] =	stream.indirect.scatter.add.f32 [tilespmem:s9], [sflag:$0x2], $0x20, s29, s6, $0xb8;
	[tilespmem:$0x198C0] =	vst v63  }
0x226: {  	s30 =	rddreg [dreg:$0x17]  }
0x227: {  	[spmem:s2] =	stream.indirect.scatter.add.f32 [tilespmem:s10], [sflag:$0x2], $0x20, s30, s6, $0xb8;
	[tilespmem:$0x198C0] =	vst v63  }
0x228: {  	_ =	swait.ge [sflag:s7], $0x3E80  }
0x229: {  	[sflag:s7] =	ssyncset.done $0x0  }
0x22a: {  	[sflag:s7] =	ssyncadd.s32 $0xFFFFC180  }
0x22b: {  	_ =	swait.ge [sflag:s7], $0x3E80  }
0x22c: {  	[sflag:s7] =	ssyncset.done $0x0  }
0x22d: {  	[sflag:s7] =	ssyncadd.s32 $0xFFFFC180  }
0x22e: {  	_ =	swait.ge [sflag:s8], $0x3E80  }
0x22f: {  	[sflag:s8] =	ssyncset.done $0x0  }
0x230: {  	[sflag:s8] =	ssyncadd.s32 $0xFFFFC180  }
0x231: {  	_ =	swait.ge [sflag:s8], $0x3E80  }
0x232: {  	[sflag:s8] =	ssyncset.done $0x0  }
0x233: {  	s1 =	rddreg [dreg:$0x18];
	[sflag:s8] =	ssyncadd.s32 $0xFFFFC180  }
0x234: {  	[tilespmem:s9], [sflag:$0x1] =	stream.indirect.gather [hbm4b:s5+s6], $0x20, s1, s6, $0xb8;
	[tilespmem:$0x198C0] =	vst v63  }
0x235: {  	s3 =	rddreg [dreg:$0x19]  }
0x236: {  	[tilespmem:s10], [sflag:$0x1] =	stream.indirect.gather [hbm4b:s5+s6], $0x20, s3, s6, $0xb8;
	[tilespmem:$0x198C0] =	vst v63  }
0x237: {  	s29 =	rddreg [dreg:$0x1a]  }
0x238: {  	[spmem:s2] =	stream.indirect.scatter.add.f32 [tilespmem:s11], [sflag:$0x2], $0x20, s29, s6, $0xb8;
	[tilespmem:$0x198C0] =	vst v63  }
0x239: {  	s30 =	rddreg [dreg:$0x1b]  }
0x23a: {  	[spmem:s2] =	stream.indirect.scatter.add.f32 [tilespmem:s12], [sflag:$0x2], $0x20, s30, s6, $0xb8;
	[tilespmem:$0x198C0] =	vst v63  }
0x23b: {  	_ =	swait.ge [sflag:s7], $0x3E80  }
0x23c: {  	[sflag:s7] =	ssyncset.done $0x0  }
0x23d: {  	[sflag:s7] =	ssyncadd.s32 $0xFFFFC180  }
0x23e: {  	_ =	swait.ge [sflag:s7], $0x3E80  }
0x23f: {  	[sflag:s7] =	ssyncset.done $0x0  }
0x240: {  	[sflag:s7] =	ssyncadd.s32 $0xFFFFC180  }
0x241: {  	_ =	swait.ge [sflag:s8], $0x3E80  }
0x242: {  	[sflag:s8] =	ssyncset.done $0x0  }
0x243: {  	[sflag:s8] =	ssyncadd.s32 $0xFFFFC180  }
0x244: {  	_ =	swait.ge [sflag:s8], $0x3E80  }
0x245: {  	[sflag:s8] =	ssyncset.done $0x0  }
0x246: {  	s3 =	rddreg [dreg:$0x1c];
	[sflag:s8] =	ssyncadd.s32 $0xFFFFC180  }
0x247: {  	[tilespmem:s11], [sflag:$0x1] =	stream.indirect.gather [hbm4b:s5+s6], $0x20, s3, s6, $0xb8;
	[tilespmem:$0x198C0] =	vst v63  }
0x248: {  	s29 =	rddreg [dreg:$0x1d]  }
0x249: {  	[tilespmem:s12], [sflag:$0x1] =	stream.indirect.gather [hbm4b:s5+s6], $0x20, s29, s6, $0xb8;
	[tilespmem:$0x198C0] =	vst v63  }
0x24a: {  	s30 =	rddreg [dreg:$0x1e]  }
0x24b: {  	[spmem:s2] =	stream.indirect.scatter.add.f32 [tilespmem:s9], [sflag:$0x2], $0x20, s30, s6, $0xb8;
	[tilespmem:$0x198C0] =	vst v63  }
0x24c: {  	s3 =	rddreg [dreg:$0x1f]  }
0x24d: {  	[spmem:s2] =	stream.indirect.scatter.add.f32 [tilespmem:s10], [sflag:$0x2], $0x20, s3, s6, $0xb8;
	[tilespmem:$0x198C0] =	vst v63  }
0x24e: {  	_ =	swait.ge [sflag:s7], $0x3E80  }
0x24f: {  	[sflag:s7] =	ssyncset.done $0x0  }
0x250: {  	[sflag:s7] =	ssyncadd.s32 $0xFFFFC180  }
0x251: {  	_ =	swait.ge [sflag:s7], $0x3E80  }
0x252: {  	[sflag:s7] =	ssyncset.done $0x0  }
0x253: {  	[sflag:s7] =	ssyncadd.s32 $0xFFFFC180  }
0x254: {  	_ =	swait.ge [sflag:s8], $0x3E80  }
0x255: {  	[sflag:s8] =	ssyncset.done $0x0  }
0x256: {  	[sflag:s8] =	ssyncadd.s32 $0xFFFFC180  }
0x257: {  	_ =	swait.ge [sflag:s8], $0x3E80  }
0x258: {  	[sflag:s8] =	ssyncset.done $0x0  }
0x259: {  	[sflag:s8] =	ssyncadd.s32 $0xFFFFC180  }
0x25a: {  	[tilespmem:s9], [sflag:$0x1] =	stream.indirect.gather [hbm4b:s5+s6], $0x20, s24, s6, $0xb8;
	[tilespmem:$0x198C0] =	vst v63  }
0x25b: {  	_ = 	snop  }
0x25c: {  	[tilespmem:s10], [sflag:$0x1] =	stream.indirect.gather [hbm4b:s5+s6], $0x20, s25, s6, $0xb8;
	[tilespmem:$0x198C0] =	vst v63  }
0x25d: {  	_ = 	snop  }
0x25e: {  	[spmem:s2] =	stream.indirect.scatter.add.f32 [tilespmem:s11], [sflag:$0x2], $0x20, s26, s6, $0xb8;
	[tilespmem:$0x198C0] =	vst v63  }
0x25f: {  	_ = 	snop  }
0x260: {  	[spmem:s2] =	stream.indirect.scatter.add.f32 [tilespmem:s12], [sflag:$0x2], $0x20, s28, s6, $0xb8;
	[tilespmem:$0x198C0] =	vst v63  }
0x261: {  	_ =	swait.ge [sflag:s7], $0x3E80  }
0x262: {  	[sflag:s7] =	ssyncset.done $0x0  }
0x263: {  	[sflag:s7] =	ssyncadd.s32 $0xFFFFC180  }
0x264: {  	_ =	swait.ge [sflag:s7], $0x3E80  }
0x265: {  	[sflag:s7] =	ssyncset.done $0x0  }
0x266: {  	[sflag:s7] =	ssyncadd.s32 $0xFFFFC180  }
0x267: {  	_ =	swait.ge [sflag:s8], $0x3E80  }
0x268: {  	[sflag:s8] =	ssyncset.done $0x0  }
0x269: {  	[sflag:s8] =	ssyncadd.s32 $0xFFFFC180  }
0x26a: {  	_ =	swait.ge [sflag:s8], $0x3E80  }
0x26b: {  	[sflag:s8] =	ssyncset.done $0x0  }
0x26c: {  	[sflag:s8] =	ssyncadd.s32 $0xFFFFC180  }
0x26d: {  	[tilespmem:s11], [sflag:$0x1] =	stream.indirect.gather [hbm4b:s5+s6], $0x20, s20, s6, $0xb8;
	[tilespmem:$0x198C0] =	vst v63  }
0x26e: {  	_ = 	snop  }
0x26f: {  	[tilespmem:s12], [sflag:$0x1] =	stream.indirect.gather [hbm4b:s5+s6], $0x20, s21, s6, $0xb8;
	[tilespmem:$0x198C0] =	vst v63  }
0x270: {  	_ = 	snop  }
0x271: {  	[spmem:s2] =	stream.indirect.scatter.add.f32 [tilespmem:s9], [sflag:$0x2], $0x20, s22, s6, $0xb8;
	[tilespmem:$0x198C0] =	vst v63  }
0x272: {  	_ = 	snop  }
0x273: {  	[spmem:s2] =	stream.indirect.scatter.add.f32 [tilespmem:s10], [sflag:$0x2], $0x20, s23, s6, $0xb8;
	[tilespmem:$0x198C0] =	vst v63  }
0x274: {  	_ =	swait.ge [sflag:s7], $0x3E80  }
0x275: {  	[sflag:s7] =	ssyncset.done $0x0  }
0x276: {  	[sflag:s7] =	ssyncadd.s32 $0xFFFFC180  }
0x277: {  	_ =	swait.ge [sflag:s7], $0x3E80  }
0x278: {  	[sflag:s7] =	ssyncset.done $0x0  }
0x279: {  	[sflag:s7] =	ssyncadd.s32 $0xFFFFC180  }
0x27a: {  	_ =	swait.ge [sflag:s8], $0x3E80  }
0x27b: {  	[sflag:s8] =	ssyncset.done $0x0  }
0x27c: {  	[sflag:s8] =	ssyncadd.s32 $0xFFFFC180  }
0x27d: {  	_ =	swait.ge [sflag:s8], $0x3E80  }
0x27e: {  	[sflag:s8] =	ssyncset.done $0x0  }
0x27f: {  	[sflag:s8] =	ssyncadd.s32 $0xFFFFC180  }
0x280: {  	[tilespmem:s9], [sflag:$0x1] =	stream.indirect.gather [hbm4b:s5+s6], $0x20, s16, s6, $0xb8;
	[tilespmem:$0x198C0] =	vst v63  }
0x281: {  	_ = 	snop  }
0x282: {  	[tilespmem:s10], [sflag:$0x1] =	stream.indirect.gather [hbm4b:s5+s6], $0x20, s17, s6, $0xb8;
	[tilespmem:$0x198C0] =	vst v63  }
0x283: {  	_ = 	snop  }
0x284: {  	[spmem:s2] =	stream.indirect.scatter.add.f32 [tilespmem:s11], [sflag:$0x2], $0x20, s18, s6, $0xb8;
	[tilespmem:$0x198C0] =	vst v63  }
0x285: {  	_ = 	snop  }
0x286: {  	[spmem:s2] =	stream.indirect.scatter.add.f32 [tilespmem:s12], [sflag:$0x2], $0x20, s19, s6, $0xb8;
	[tilespmem:$0x198C0] =	vst v63  }
0x287: {  	_ =	swait.ge [sflag:s7], $0x3E80  }
0x288: {  	[sflag:s7] =	ssyncset.done $0x0  }
0x289: {  	[sflag:s7] =	ssyncadd.s32 $0xFFFFC180  }
0x28a: {  	_ =	swait.ge [sflag:s7], $0x3E80  }
0x28b: {  	[sflag:s7] =	ssyncset.done $0x0  }
0x28c: {  	[sflag:s7] =	ssyncadd.s32 $0xFFFFC180  }
0x28d: {  	_ =	swait.ge [sflag:s8], $0x3E80  }
0x28e: {  	[sflag:s8] =	ssyncset.done $0x0  }
0x28f: {  	[sflag:s8] =	ssyncadd.s32 $0xFFFFC180  }
0x290: {  	_ =	swait.ge [sflag:s8], $0x3E80  }
0x291: {  	[sflag:s8] =	ssyncset.done $0x0  }
0x292: {  	s28 =	simm.s32 $0x4AD0;
	[sflag:s8] =	ssyncadd.s32 $0xFFFFC180  }
0x293: {  	[spmem:s2] =	stream.indirect.scatter.add.f32 [tilespmem:s9], [sflag:$0x2], $0x20, s28, s6, $0xb8;
	[tilespmem:$0x198C0] =	vst v63  }
0x294: {  	s29 =	simm.s32 $0x4CC8  }
0x295: {  	[spmem:s2] =	stream.indirect.scatter.add.f32 [tilespmem:s10], [sflag:$0x2], $0x20, s29, s6, $0xb8;
	[tilespmem:$0x198C0] =	vst v63  }
0x296: {  	_ =	swait.ge [sflag:s8], $0x3E80  }
0x297: {  	[sflag:s8] =	ssyncset.done $0x0  }
0x298: {  	[sflag:s8] =	ssyncadd.s32 $0xFFFFC180  }
0x299: {  	_ =	swait.ge [sflag:s8], $0x3E80  }
0x29a: {  	[sflag:s8] =	ssyncset.done $0x0  }
0x29b: {  	[sflag:s8] =	ssyncadd.s32 $0xFFFFC180  }
0x29c: {  	[bflag:$0x0] =	sbarrier.arrive $0xFFFF  }
0x29d: {  	s31 =	sor.u32 $0x1C03, s31;
	s30 =	rddreg [dreg:$0x7]  }
0x29e: {  	[hbm:s30], [sflag:s31] =	dma.local [spmem:s4], $0xA00  }
0x29f: {  	_ =	swait.ge [sflag:s13], $0xA00  }
0x2a0: {  	[sflag:s13] =	ssyncset.done $0x0  }
0x2a1: {  	[sflag:s13] =	ssyncadd.s32 $0xFFFFF600  }
0x2a2: {  	_ =	sfence.sel $0x180000  }
0x2a3: {  	[bflag:$0x0] =	sbarrier.arrive $0xFFFF  }
0x2a4: {  	p0 =	sne.s32 s14, $0x0;
	_ =	strace $0x9000004A  }
0x2a5: {  	s0 =	sadd.s32 @!p0 $0x100000, s15;
	[bflag:$0x2] =	sbarrier.arrive $0xFFFF  }
0x2a6: {  	[sflag:s0] =	ssyncadd.tile.s32 @!p0 $0x1;
	_ =	shalt  }
.LBB2_2:
.Ltmp3:
0x2a7: {  	(pc) =	sbr.rel .LBB2_5-.Ltmp3, $3  }
0x2a8: {  	_ =	sdelay $0x1  }
0x2a9: {  	s15 =	rddreg [dreg:$0x2]  }
0x2aa: {  	s14 =	stileid.u32;
	s31 =	sld [smem:$0x7FD]  }
.Lfunc_end2:
_tile_overlayer_lowered:
.L_overlay_start_2:
0x2ab: {  	(tag) =	ssettag $0x2  }
0x2ac: {  	s0 =	rddreg [dreg:$0x0];
	s2 =	stileid.u32  }
0x2ad: {  	s1 =	rddreg [dreg:$0x1];
	p0 =	sne.s32 s2, $0x0  }
0x2ae: {  	s3 =	rddreg [dreg:$0x2];
	[bflag:$0x3] =	sbarrier.arrive $0xFFFF;
	s2 =	simm.s32 @!p0 $0x1C03  }
0x2af: {  	[timem:s3], [sflag:s2] =	dma.local @!p0 [hbm:s0], s1  }
0x2b0: {  	s0 =	simm.s32 @!p0 $0x3  }
0x2b1: {  	_ =	swait.ge @!p0 [sflag:s0], s1  }
0x2b2: {  	s1 =	ssub.s32 @!p0 $0x0, s1;
	[sflag:s0] =	ssyncset.done @!p0 $0x0  }
0x2b3: {  	[sflag:s0] =	ssyncadd.s32 @!p0 s1  }
0x2b4: {  	[bflag:$0x3] =	sbarrier.arrive $0xFFFF  }
0x2b5: {  	_ =	shalt  }

// kernel: kernel.15.cloned.1.call-start
scs
__scs_entry_jumppad:
0x0: {  	(pc) =	sbr.rel $0x88, $3  }
0x1: {  	(tag) =	ssettag $0x0;
	lr =	simm.s32 $0x1  }
0x2: {  	[smem:$0x3F99] =	sst lr;
	_ =	strace $0xD0000000  }
0x3: {  	_ = 	snop  }
0x4: {  	_ = 	snop  }
0x5: {  	_ = 	snop  }
0x6: {  	_ = 	snop  }
0x7: {  	_ = 	snop  }
__scs_overlays_trampoline_lowered:
0x8: {  	[smem:$0x3FA8] =	sst s0  }
0x9: {  	[smem:$0x3FA9] =	sst s1  }
0xa: {  	[smem:$0x3FAA] =	sst s2  }
0xb: {  	[smem:$0x3FAB] =	sst s3  }
0xc: {  	[smem:$0x3FAC] =	sst s4  }
0xd: {  	[smem:$0x3FAD] =	sst s5  }
0xe: {  	[smem:$0x3FAE] =	sst s6  }
0xf: {  	[smem:$0x3FAF] =	sst s7  }
0x10: {  	[smem:$0x3FB0] =	sst s8  }
0x11: {  	[smem:$0x3FB1] =	sst s9;
	s0 =	simm.s32 @!p0 $0x0  }
0x12: {  	s1 =	sld [smem:$0x3F97];
	s0 =	simm.s32 @p0 $0x1  }
0x13: {  	[smem:$0x3FB2] =	sst s0;
	s0 =	simm.s32 @!p1 $0x0  }
0x14: {  	s2 =	sld [smem:$0x3F96];
	s0 =	simm.s32 @p1 $0x1  }
0x15: {  	[smem:$0x3FB3] =	sst s0;
	s0 =	simm.s32 @!p2 $0x0  }
0x16: {  	s3 =	sld [smem:$0x3FDB];
	s0 =	simm.s32 @p2 $0x1  }
0x17: {  	s4 =	simm.s32 $0x1BF5;
	[smem:$0x3FB5] =	sst s0  }
0x18: {  	s0 =	sld [smem:$0x3F98];
	_ =	swait.ge [sflag:s4], $0x0  }
0x19: {  	s7 =	sld [smem:$0x3F99]  }
0x1a: {  	s8 =	sadd.s32 $0xFFFFE003, lr  }
0x1b: {  	s9 =	sadd.s32 $0xFFFFFEF7, lr;
	s5 =	simm.s32 $0xFFFFFFFF;
	p2 =	slt.u32 s8, $0xFFFFF086  }
0x1c: {  	p1 =	slt.u32 s9, $0xF7A;
	s5 =	simm.s32 @!p2 $0x0  }
0x1d: {  	s5 =	simm.s32 @p1 $0x1;
	p0 =	seq.s32 s7, s2  }
0x1e: {  	s7 =	smul.u32 @!p0 $0xF7A, s2;
	p2 =	seq.s32 @!p0 s5, $0x0  }
0x1f: {  	s9 =	smul.u32 $0xF7A, s1;
	s8 =	simm.s32 @!p0 $0x1BF5;
	p2 =	por !p2, p0  }
0x20: {  	[sflag:s8] =	ssyncset.s32 @!p0 $0xFFFFF086;
	s6 =	sadd.s32 @!p0 s3, s7;
	s7 =	simm.s32 @!p0 $0x108  }
0x21: {  	s3 =	sadd.s32 s3, s9;
	s6 =	sadd.s32 @!p0 $0x88, s6;
	s7 =	simm.s32 @p2 $0x1082  }
0x22: {  	[simem:s7], [sflag:s8] =	dma.local @!p0 [hbm:s6], $0xF7A  }
0x23: {  	s9 =	sor.u32 $0xD0000000, s2;
	s6 =	simm.s32 $0x108;
	_ =	swait.ge @!p0 [sflag:s8], $0x0  }
0x24: {  	s3 =	sadd.s32 $0x88, s3;
	s6 =	simm.s32 @!p1 $0x1082;
	[sflag:s4] =	ssyncset.s32 $0xFFFFF086  }
0x25: {  	[simem:s6], [sflag:s4] =	dma.local [hbm:s3], $0xF7A  }
0x26: {  	[smem:$0x3F99] =	sst s1;
	(tag) =	ssettag s2;
	_ =	strace s9  }
0x27: {  	s1 =	sld [smem:$0x3FA9]  }
0x28: {  	s2 =	sld [smem:$0x3FAA]  }
0x29: {  	s4 =	sld [smem:$0x3FAC]  }
0x2a: {  	p0 =	seq.s32 s5, $0x0;
	s5 =	sld [smem:$0x3FAD]  }
0x2b: {  	s6 =	sld [smem:$0x3FAE]  }
0x2c: {  	s7 =	sld [smem:$0x3FAF]  }
0x2d: {  	s3 =	simm.s32 $0x108;
	s8 =	sld [smem:$0x3FB0]  }
0x2e: {  	s3 =	simm.s32 @!p0 $0x1082;
	s9 =	sld [smem:$0x3FB1]  }
0x2f: {  	lr =	sadd.s32 s0, s3;
	s0 =	sld [smem:$0x3FA8]  }
0x30: {  	s3 =	sld [smem:$0x3FAB]  }
0x31: {  	[smem:$0x3FB4] =	sst s10  }
0x32: {  	s10 =	sld [smem:$0x3FB2];
	_ =	sdelay $0x3  }
0x33: {  	p0 =	seq.s32 s10, $0x1;
	s10 =	sld [smem:$0x3FB4];
	_ =	sdelay $0x3  }
0x34: {  	[smem:$0x3FB4] =	sst s10  }
0x35: {  	s10 =	sld [smem:$0x3FB3];
	_ =	sdelay $0x3  }
0x36: {  	p1 =	seq.s32 s10, $0x1;
	s10 =	sld [smem:$0x3FB4];
	_ =	sdelay $0x3  }
0x37: {  	[smem:$0x3FB4] =	sst s10  }
0x38: {  	s10 =	sld [smem:$0x3FB5]  }
0x39: {  	_ = 	snop;
	(pc) =	sbr.ind lr, $3  }
0x3a: {  	_ = 	snop  }
0x3b: {  	_ = 	snop  }
0x3c: {  	p2 =	seq.s32 s10, $0x1;
	s10 =	sld [smem:$0x3FB4]  }
0x3d: {  	_ =	shalt  }
0x3e: {  	_ =	shalt  }
0x3f: {  	_ =	shalt  }
0x40: {  	_ =	shalt  }
0x41: {  	_ =	shalt  }
0x42: {  	_ =	shalt  }
0x43: {  	_ =	shalt  }
0x44: {  	_ =	shalt  }
0x45: {  	_ =	shalt  }
0x46: {  	_ =	shalt  }
0x47: {  	_ =	shalt  }
0x48: {  	_ =	shalt  }
0x49: {  	_ =	shalt  }
0x4a: {  	_ =	shalt  }
0x4b: {  	_ =	shalt  }
0x4c: {  	_ =	shalt  }
0x4d: {  	_ =	shalt  }
0x4e: {  	_ =	shalt  }
0x4f: {  	_ =	shalt  }
0x50: {  	_ =	shalt  }
0x51: {  	_ =	shalt  }
0x52: {  	_ =	shalt  }
0x53: {  	_ =	shalt  }
0x54: {  	_ =	shalt  }
0x55: {  	_ =	shalt  }
0x56: {  	_ =	shalt  }
0x57: {  	_ =	shalt  }
0x58: {  	_ =	shalt  }
0x59: {  	_ =	shalt  }
0x5a: {  	_ =	shalt  }
0x5b: {  	_ =	shalt  }
0x5c: {  	_ =	shalt  }
0x5d: {  	_ =	shalt  }
0x5e: {  	_ =	shalt  }
0x5f: {  	_ =	shalt  }
0x60: {  	_ =	shalt  }
0x61: {  	_ =	shalt  }
0x62: {  	_ =	shalt  }
0x63: {  	_ =	shalt  }
0x64: {  	_ =	shalt  }
0x65: {  	_ =	shalt  }
0x66: {  	_ =	shalt  }
0x67: {  	_ =	shalt  }
0x68: {  	_ =	shalt  }
0x69: {  	_ =	shalt  }
0x6a: {  	_ =	shalt  }
0x6b: {  	_ =	shalt  }
0x6c: {  	_ =	shalt  }
0x6d: {  	_ =	shalt  }
0x6e: {  	_ =	shalt  }
0x6f: {  	_ =	shalt  }
0x70: {  	_ =	shalt  }
0x71: {  	_ =	shalt  }
0x72: {  	_ =	shalt  }
0x73: {  	_ =	shalt  }
0x74: {  	_ =	shalt  }
0x75: {  	_ =	shalt  }
0x76: {  	_ =	shalt  }
0x77: {  	_ =	shalt  }
0x78: {  	_ =	shalt  }
0x79: {  	_ =	shalt  }
0x7a: {  	_ =	shalt  }
0x7b: {  	_ =	shalt  }
0x7c: {  	_ =	shalt  }
0x7d: {  	_ =	shalt  }
0x7e: {  	_ =	shalt  }
0x7f: {  	_ =	shalt  }
0x80: {  	_ =	shalt  }
0x81: {  	_ =	shalt  }
0x82: {  	_ =	shalt  }
0x83: {  	_ =	shalt  }
0x84: {  	_ =	shalt  }
0x85: {  	_ =	shalt  }
0x86: {  	_ =	shalt  }
0x87: {  	_ =	shalt  }
.Lfunc_end0:
.L_simem_size_0:
called_computation.2_lowered:
.L_overlay_start_0:
0x88: {  	s2 =	sld [smem:$0x3FD9]  }
0x89: {  	s3 =	sld [smem:$0x3FFE];
	_ =	sdelay $0x1  }
0x8a: {  	s1 =	srdreg.scid  }
0x8b: {  	s0 =	sand.u32 $0x1, s1  }
0x8c: {  	s16 =	sshll.u32 s0, $0xA;
	s2 =	sadd.s32 s3, s2  }
0x8d: {  	s2 =	sadd.s32 s2, s16  }
0x8e: {  	[smem:$0x3FC0] =	sst s2  }
0x8f: {  	_ = 	snop  }
0x90: {  	(tm) =	ssettm $0x1  }
0x91: {  	s17 =	sld [smem:$0x3FFB];
	_ =	sdelay $0x3  }
0x92: {  	_ =	strace s17  }
0x93: {  	s2 =	sld [smem:$0x3FFC];
	_ =	sdelay $0x3  }
0x94: {  	_ =	strace s2  }
0x95: {  	s2 =	sld [smem:$0x3FFD];
	_ =	sdelay $0x3  }
0x96: {  	_ =	strace s2  }
0x97: {  	_ =	strace $0x8FFFFFFF  }
0x98: {  	s18 =	sld [smem:$0x3FDB];
	_ =	sdelay $0x1  }
0x99: {  	s19 =	simm.s32 $_scs_section_size  }
0x9a: {  	s4 =	simm.s32 $_size__tile_overlayer_lowered;
	s5 =	simm.s32 $_tile_overlayer_lowered  }
0x9b: {  	s22 =	simm.s32 $0x1BFF;
	s21 =	sshll.u32 s5, $0x1;
	s2 =	sadd.s32 s19, s18  }
0x9c: {  	s6 =	simm.s32 $0x0;
	s20 =	sshll.u32 s4, $0x1;
	s4 =	sadd.s32 s21, s2  }
0x9d: {  	[timem:s6], [sflag:s22] =	dma.local [hbm:s4], s20  }
0x9e: {  	_ =	swait.ge [sflag:s22], s20  }
0x9f: {  	s3 =	ssub.s32 $0x0, s20;
	[sflag:s22] =	ssyncset.done $0x0  }
0xa0: {  	[sflag:s22] =	ssyncadd.s32 s3;
	_ =	sdelay $0x1  }
0xa1: {  	s23 =	simm.s32 $0x1B8B  }
0xa2: {  	_ =	swait.ge [sflag:s23], $0x1  }
0xa3: {  	[sflag:s23] =	ssyncset.done $0x0  }
0xa4: {  	s25 =	simm.s32 $0x1B8E;
	s24 =	sld [smem:$0x3FFE];
	[sflag:s23] =	ssyncadd.s32 $0xFFFFFFFF  }
0xa5: {  	s26 =	simm.s32 $execute0_lowered;
	[smem:$0x3FD2] =	sst s25  }
0xa6: {  	s4 =	sshll.u32 s26, $0x1;
	_ =	strace $0x8000004C;
	[dreg:$0x1] =	wrdreg $0xFFFFFFFF  }
0xa7: {  	s28 =	simm.s32 $_size_execute0_lowered;
	s2 =	sadd.s32 s2, s4;
	[dreg:$0x0] =	wrdreg $0x0  }
0xa8: {  	s4 =	sshll.u32 s28, $0x1;
	[dreg:$0x2] =	wrdreg s2  }
0xa9: {  	[dreg:$0x3] =	wrdreg s4  }
0xaa: {  	[dreg:$0x4] =	wrdreg $0xC0  }
0xab: {  	_ =	task [dreg:s6], $0x5FFFF  }
0xac: {  	[dreg:$0x1] =	wrdreg $0xFFFFFFFF  }
0xad: {  	[dreg:$0x0] =	wrdreg $0x60  }
0xae: {  	[dreg:$0x2] =	wrdreg s24  }
0xaf: {  	[dreg:$0x3] =	wrdreg $0x148C00  }
0xb0: {  	[dreg:$0x4] =	wrdreg $0x9  }
0xb1: {  	_ =	task.clear_ibuf [dreg:s6], $0x5FFFF;
	_ =	strace $0x9000004C  }
0xb2: {  	s29 =	simm.s32 $0x9;
	_ =	strace $0x8000004E  }
0xb3: {  	_ =	swait.ge [sflag:s29], $0x1  }
0xb4: {  	[sflag:s29] =	ssyncadd.s32 $0xFFFFFFFF  }
0xb5: {  	_ =	strace $0x9000004E  }
0xb6: {  	_ =	sfence  }
0xb7: {  	s30 =	sld [smem:$0x0];
	_ =	sdelay $0x2  }
0xb8: {  	s31 =	sshll.u32 s1, $0xD;
	s1 =	sshrl.u32 s1, $0x2  }
0xb9: {  	s3 =	sand.u32 $0x4000, s31;
	s1 =	sadd.s32 s1, s30  }
0xba: {  	s0 =	sor.u32 s3, s0;
	s1 =	sshll.u32 s1, $0x11  }
0xbb: {  	s0 =	sor.u32 s1, s0  }
0xbc: {  	s0 =	sadd.s32 $0x8F2B, s0  }
0xbd: {  	[sflag:s0] =	ssyncadd.remote.s32 $0x1  }
0xbe: {  	_ =	sfence.sel $0xFFFF  }
0xbf: {  	[dreg:$0x0] =	wrdreg $0xFFFFFFFF;
	(pc) =	sbr.abs _section_cstart, $3  }
0xc0: {  	[dreg:$0x1] =	wrdreg $0xFFFFFFFF  }
0xc1: {  	_ =	task.clear_ibuf [dreg:s6], $0x2FFFF;
	_ =	strace $0x9FFFFFFF  }
0xc2: {  	(tm) =	ssettm $0x7FFFFFFF  }
0xc3: {  	_ =	shalt  }
tec
execute0_lowered:
.L_overlay_start_1:
0x0: {  	(tag) =	ssettag $0x1  }
0x1: {  	s4 =	rddreg [dreg:$0x0]  }
0x2: {  	s2 =	rddreg [dreg:$0x1]  }
0x3: {  	s15 =	rddreg [dreg:$0x2];
	s29 =	simm.s32 $0x0  }
0x4: {  	[smem:$0x7FF] =	sst s29;
	s5 =	sadd.s32 $0x20200, s4  }
0x5: {  	s21 =	simm.s32 $0x1F8;
	_ =	strace $0x8000004D;
	[dreg:$0x3] =	wrdreg s5  }
0x6: {  	s0 =	srdreg.scid;
	s22 =	simm.s32 $0x3F0;
	[dreg:$0x8] =	wrdreg s21  }
0x7: {  	s14 =	stileid.u32;
	s23 =	simm.s32 $0x5E8;
	[dreg:$0x9] =	wrdreg s22  }
0x8: {  	s24 =	simm.s32 $0x2958;
	s25 =	simm.s32 $0x7E0;
	[dreg:$0xa] =	wrdreg s23  }
0x9: {  	s26 =	simm.s32 $0x9D8;
	s7 =	simm.s32 $0xBD0;
	[dreg:$0xb] =	wrdreg s24  }
0xa: {  	s8 =	simm.s32 $0xDC8;
	s9 =	simm.s32 $0x2F40;
	[dreg:$0xc] =	wrdreg s25  }
0xb: {  	s10 =	simm.s32 $0x3138;
	s12 =	simm.s32 $0xFC0;
	[dreg:$0xd] =	wrdreg s26  }
0xc: {  	s13 =	simm.s32 $0x11B8;
	s30 =	simm.s32 $0x2760;
	[dreg:$0x10] =	wrdreg s7  }
0xd: {  	s28 =	simm.s32 $0x40F8;
	p0 =	por $0x0, $0x0;
	[dreg:$0x11] =	wrdreg s8  }
0xe: {  	s0 =	sand.u32 $0x1, s0;
	s1 =	sshll.u32 s14, $0x1;
	[dreg:$0x12] =	wrdreg s9  }
0xf: {  	s6 =	smul.u32 $0x5000, s14;
	s31 =	sshll.u32 s14, $0x6;
	[dreg:$0x13] =	wrdreg s10  }
0x10: {  	s1 =	sor.u32 s0, s1;
	s3 =	smul.u32 $0x50000, s0;
	[dreg:$0x14] =	wrdreg s12  }
0x11: {  	s19 =	sor.u32 $0x1C01, s31;
	s0 =	ssub.s32 $0x2, s0;
	[dreg:$0x15] =	wrdreg s13  }
0x12: {  	s7 =	simm.s32 $0x1;
	s21 =	simm.s32 $0x3720;
	s22 =	simm.s32 $0x3918  }
0x13: {  	s23 =	simm.s32 $0x17A0;
	s12 =	simm.s32 $0x8D40;
	[dreg:$0x6] =	wrdreg s19  }
0x14: {  	s24 =	simm.s32 $0x1998;
	s9 =	simm.s32 $0xCBC0;
	[dreg:$0x1a] =	wrdreg s21  }
0x15: {  	s25 =	simm.s32 $0x3B10;
	s10 =	simm.s32 $0x10A40;
	[dreg:$0x1b] =	wrdreg s22  }
0x16: {  	s26 =	simm.s32 $0x3D08;
	s8 =	simm.s32 $0x2;
	[dreg:$0x1c] =	wrdreg s23  }
0x17: {  	s13 =	simm.s32 $0x3;
	s1 =	smul.u32 $0x2760, s1;
	[dreg:$0x1d] =	wrdreg s24  }
0x18: {  	s11 =	sshrl.u32 s0, $0x1;
	s16 =	sadd.s32 s6, s2;
	[dreg:$0x1e] =	wrdreg s25  }
0x19: {  	s19 =	simm.s32 $0x13B0;
	[dreg:$0x1f] =	wrdreg s26;
	s24 =	simm.s32 $0x1B90  }
0x1a: {  	s25 =	simm.s32 $0x1D88;
	s26 =	simm.s32 $0x3F00;
	s21 =	simm.s32 $0x2178  }
0x1b: {  	s22 =	simm.s32 $0x42F0;
	s23 =	simm.s32 $0x44E8;
	s3 =	sadd.s32 s6, s3  }
0x1c: {  	s0 =	ssub.s32 s0, s11;
	[dreg:$0x18] =	wrdreg s19;
	s6 =	simm.s32 $0x1F4  }
0x1d: {  	s11 =	simm.s32 $0x4EC0;
	s19 =	simm.s32 $0x48D8;
	s1 =	sshrl.u32 s1, $0x3  }
0x1e: {  	s17 =	sshrl.u32 s3, $0x3;
	s3 =	simm.s32 $0x2B50;
	s1 =	sadd.s32 s1, s4  }
0x1f: {  	s5 =	sadd.s32 s17, s4;
	[dreg:$0xe] =	wrdreg s3;
	s17 =	simm.s32 $0x3330  }
0x20: {  	s0 =	smax.u32 s0, $0x1;
	s18 =	sadd.s32 $0x2800, s1;
	[dreg:$0x16] =	wrdreg s17  }
0x21: {  	p1 =	sne.s32 s0, $0x1;
	s1 =	sadd.s32 $0xC580, s1;
	[dreg:$0x4] =	wrdreg s18  }
0x22: {  	s20 =	sadd.s32 $0x20C00, s5;
	s5 =	simm.s32 $0x2D48;
	[dreg:$0x5] =	wrdreg s1  }
.Ltmp0:
0x23: {  	s17 =	simm.s32 $0x2568;
	[dreg:$0x7] =	wrdreg s20;
	(pc) =	sbr.rel @!p1 .LBB2_5-.Ltmp0, $4  }
0x24: {  	[dreg:$0xf] =	wrdreg s5;
	s5 =	sadd.s32 $0x16400, s4;
	s18 =	simm.s32 $0x3528  }
0x25: {  	s4 =	sshrl.u32 s16, $0x3;
	s1 =	sadd.s32 $0xFFFFFFFF, s0;
	s0 =	rddreg [dreg:$0x6]  }
0x26: {  	s20 =	simm.s32 $0x15A8;
	s16 =	simm.s32 $0x2370;
	[dreg:$0x17] =	wrdreg s18  }
0x27: {  	[dreg:$0x19] =	wrdreg s20;
	s20 =	simm.s32 $0x1F80;
	s18 =	simm.s32 $0x46E0  }
0x28: {  	s14 =	smov.u32 s31;
	s31 =	rddreg [dreg:$0x4]  }
0x29: {  	s3 =	rddreg [dreg:$0x5]  }
0x2a: {  	[tilespmem:s29], [sflag:$0x1] =	stream.linear.gather [hbm4b:s31+s29], $0x2760, $0x38;
	[tilespmem:$0x198C0] =	vst v63  }
0x2b: {  	s31 =	rddreg [dreg:$0x3]  }
0x2c: {  	[tilespmem:s30], [sflag:$0x1] =	stream.linear.gather [hbm4b:s3+s29], $0x2760, $0x38;
	[tilespmem:$0x198C0] =	vst v63  }
0x2d: {  	[spmem:s4], [sflag:s0] =	dma.local [hbm:s31], $0xA00  }
0x2e: {  	_ =	swait.ge [sflag:s7], $0x2760  }
0x2f: {  	[sflag:s7] =	ssyncset.done $0x0  }
0x30: {  	[sflag:s7] =	ssyncadd.s32 $0xFFFFD8A0  }
0x31: {  	_ =	swait.ge [sflag:s7], $0x2760  }
0x32: {  	[sflag:s7] =	ssyncset.done $0x0  }
0x33: {  	[sflag:s7] =	ssyncadd.s32 $0xFFFFD8A0  }
0x34: {  	_ =	swait.ge [sflag:s7], $0xA00  }
0x35: {  	[sflag:s7] =	ssyncset.done $0x0  }
0x36: {  	[sflag:s7] =	ssyncadd.s32 $0xFFFFF600  }
0x37: {  	[tilespmem:s11], [sflag:$0x1] =	stream.indirect.gather [hbm4b:s5+s6], $0x20, s29, s6, $0xb8;
	[tilespmem:$0x198C0] =	vst v63  }
0x38: {  	s15 =	rddreg [dreg:$0x8]  }
0x39: {  	[tilespmem:s12], [sflag:$0x1] =	stream.indirect.gather [hbm4b:s5+s6], $0x20, s15, s6, $0xb8;
	[tilespmem:$0x198C0] =	vst v63  }
0x3a: {  	[bflag:$0x0] =	sbarrier.arrive $0xFFFF  }
0x3b: {  	_ =	swait.ge [sflag:s7], $0x3E80  }
0x3c: {  	[sflag:s7] =	ssyncset.done $0x0  }
0x3d: {  	[sflag:s7] =	ssyncadd.s32 $0xFFFFC180  }
0x3e: {  	_ =	swait.ge [sflag:s7], $0x3E80  }
0x3f: {  	[sflag:s7] =	ssyncset.done $0x0  }
0x40: {  	s3 =	rddreg [dreg:$0x9];
	[sflag:s7] =	ssyncadd.s32 $0xFFFFC180  }
0x41: {  	[tilespmem:s9], [sflag:$0x1] =	stream.indirect.gather [hbm4b:s5+s6], $0x20, s3, s6, $0xb8;
	[tilespmem:$0x198C0] =	vst v63  }
0x42: {  	s15 =	rddreg [dreg:$0xa]  }
0x43: {  	[tilespmem:s10], [sflag:$0x1] =	stream.indirect.gather [hbm4b:s5+s6], $0x20, s15, s6, $0xb8;
	[tilespmem:$0x198C0] =	vst v63  }
0x44: {  	_ = 	snop  }
0x45: {  	[spmem:s2] =	stream.indirect.scatter.add.f32 [tilespmem:s11], [sflag:$0x2], $0x20, s30, s6, $0xb8;
	[tilespmem:$0x198C0] =	vst v63  }
0x46: {  	s15 =	rddreg [dreg:$0xb]  }
0x47: {  	[spmem:s2] =	stream.indirect.scatter.add.f32 [tilespmem:s12], [sflag:$0x2], $0x20, s15, s6, $0xb8;
	[tilespmem:$0x198C0] =	vst v63  }
0x48: {  	_ =	swait.ge [sflag:s7], $0x3E80  }
0x49: {  	[sflag:s7] =	ssyncset.done $0x0  }
0x4a: {  	[sflag:s7] =	ssyncadd.s32 $0xFFFFC180  }
0x4b: {  	_ =	swait.ge [sflag:s7], $0x3E80  }
0x4c: {  	[sflag:s7] =	ssyncset.done $0x0  }
0x4d: {  	[sflag:s7] =	ssyncadd.s32 $0xFFFFC180  }
0x4e: {  	_ =	swait.ge [sflag:s8], $0x3E80  }
0x4f: {  	[sflag:s8] =	ssyncset.done $0x0  }
0x50: {  	[sflag:s8] =	ssyncadd.s32 $0xFFFFC180  }
0x51: {  	_ =	swait.ge [sflag:s8], $0x3E80  }
0x52: {  	[sflag:s8] =	ssyncset.done $0x0  }
0x53: {  	s3 =	rddreg [dreg:$0xc];
	[sflag:s8] =	ssyncadd.s32 $0xFFFFC180  }
0x54: {  	[tilespmem:s11], [sflag:$0x1] =	stream.indirect.gather [hbm4b:s5+s6], $0x20, s3, s6, $0xb8;
	[tilespmem:$0x198C0] =	vst v63  }
0x55: {  	s15 =	rddreg [dreg:$0xd]  }
0x56: {  	[tilespmem:s12], [sflag:$0x1] =	stream.indirect.gather [hbm4b:s5+s6], $0x20, s15, s6, $0xb8;
	[tilespmem:$0x198C0] =	vst v63  }
0x57: {  	s0 =	rddreg [dreg:$0xe]  }
0x58: {  	[spmem:s2] =	stream.indirect.scatter.add.f32 [tilespmem:s9], [sflag:$0x2], $0x20, s0, s6, $0xb8;
	[tilespmem:$0x198C0] =	vst v63  }
0x59: {  	s15 =	rddreg [dreg:$0xf]  }
0x5a: {  	[spmem:s2] =	stream.indirect.scatter.add.f32 [tilespmem:s10], [sflag:$0x2], $0x20, s15, s6, $0xb8;
	[tilespmem:$0x198C0] =	vst v63  }
0x5b: {  	_ =	swait.ge [sflag:s7], $0x3E80  }
0x5c: {  	[sflag:s7] =	ssyncset.done $0x0  }
0x5d: {  	[sflag:s7] =	ssyncadd.s32 $0xFFFFC180  }
0x5e: {  	_ =	swait.ge [sflag:s7], $0x3E80  }
0x5f: {  	[sflag:s7] =	ssyncset.done $0x0  }
0x60: {  	[sflag:s7] =	ssyncadd.s32 $0xFFFFC180  }
0x61: {  	_ =	swait.ge [sflag:s8], $0x3E80  }
0x62: {  	[sflag:s8] =	ssyncset.done $0x0  }
0x63: {  	[sflag:s8] =	ssyncadd.s32 $0xFFFFC180  }
0x64: {  	_ =	swait.ge [sflag:s8], $0x3E80  }
0x65: {  	[sflag:s8] =	ssyncset.done $0x0  }
0x66: {  	s3 =	rddreg [dreg:$0x10];
	[sflag:s8] =	ssyncadd.s32 $0xFFFFC180  }
0x67: {  	[tilespmem:s9], [sflag:$0x1] =	stream.indirect.gather [hbm4b:s5+s6], $0x20, s3, s6, $0xb8;
	[tilespmem:$0x198C0] =	vst v63  }
0x68: {  	s15 =	rddreg [dreg:$0x11]  }
0x69: {  	[tilespmem:s10], [sflag:$0x1] =	stream.indirect.gather [hbm4b:s5+s6], $0x20, s15, s6, $0xb8;
	[tilespmem:$0x198C0] =	vst v63  }
0x6a: {  	s0 =	rddreg [dreg:$0x12]  }
0x6b: {  	[spmem:s2] =	stream.indirect.scatter.add.f32 [tilespmem:s11], [sflag:$0x2], $0x20, s0, s6, $0xb8;
	[tilespmem:$0x198C0] =	vst v63  }
0x6c: {  	s15 =	rddreg [dreg:$0x13]  }
0x6d: {  	[spmem:s2] =	stream.indirect.scatter.add.f32 [tilespmem:s12], [sflag:$0x2], $0x20, s15, s6, $0xb8;
	[tilespmem:$0x198C0] =	vst v63  }
0x6e: {  	_ =	swait.ge [sflag:s7], $0x3E80  }
0x6f: {  	[sflag:s7] =	ssyncset.done $0x0  }
0x70: {  	[sflag:s7] =	ssyncadd.s32 $0xFFFFC180  }
0x71: {  	_ =	swait.ge [sflag:s7], $0x3E80  }
0x72: {  	[sflag:s7] =	ssyncset.done $0x0  }
0x73: {  	[sflag:s7] =	ssyncadd.s32 $0xFFFFC180  }
0x74: {  	_ =	swait.ge [sflag:s8], $0x3E80  }
0x75: {  	[sflag:s8] =	ssyncset.done $0x0  }
0x76: {  	[sflag:s8] =	ssyncadd.s32 $0xFFFFC180  }
0x77: {  	_ =	swait.ge [sflag:s8], $0x3E80  }
0x78: {  	[sflag:s8] =	ssyncset.done $0x0  }
0x79: {  	s3 =	rddreg [dreg:$0x14];
	[sflag:s8] =	ssyncadd.s32 $0xFFFFC180  }
0x7a: {  	[tilespmem:s11], [sflag:$0x1] =	stream.indirect.gather [hbm4b:s5+s6], $0x20, s3, s6, $0xb8;
	[tilespmem:$0x198C0] =	vst v63  }
0x7b: {  	s15 =	rddreg [dreg:$0x15]  }
0x7c: {  	[tilespmem:s12], [sflag:$0x1] =	stream.indirect.gather [hbm4b:s5+s6], $0x20, s15, s6, $0xb8;
	[tilespmem:$0x198C0] =	vst v63  }
0x7d: {  	s0 =	rddreg [dreg:$0x16]  }
0x7e: {  	[spmem:s2] =	stream.indirect.scatter.add.f32 [tilespmem:s9], [sflag:$0x2], $0x20, s0, s6, $0xb8;
	[tilespmem:$0x198C0] =	vst v63  }
0x7f: {  	s15 =	rddreg [dreg:$0x17]  }
0x80: {  	[spmem:s2] =	stream.indirect.scatter.add.f32 [tilespmem:s10], [sflag:$0x2], $0x20, s15, s6, $0xb8;
	[tilespmem:$0x198C0] =	vst v63  }
0x81: {  	_ =	swait.ge [sflag:s7], $0x3E80  }
0x82: {  	[sflag:s7] =	ssyncset.done $0x0  }
0x83: {  	[sflag:s7] =	ssyncadd.s32 $0xFFFFC180  }
0x84: {  	_ =	swait.ge [sflag:s7], $0x3E80  }
0x85: {  	[sflag:s7] =	ssyncset.done $0x0  }
0x86: {  	[sflag:s7] =	ssyncadd.s32 $0xFFFFC180  }
0x87: {  	_ =	swait.ge [sflag:s8], $0x3E80  }
0x88: {  	[sflag:s8] =	ssyncset.done $0x0  }
0x89: {  	[sflag:s8] =	ssyncadd.s32 $0xFFFFC180  }
0x8a: {  	_ =	swait.ge [sflag:s8], $0x3E80  }
0x8b: {  	[sflag:s8] =	ssyncset.done $0x0  }
0x8c: {  	s3 =	rddreg [dreg:$0x18];
	[sflag:s8] =	ssyncadd.s32 $0xFFFFC180  }
0x8d: {  	[tilespmem:s9], [sflag:$0x1] =	stream.indirect.gather [hbm4b:s5+s6], $0x20, s3, s6, $0xb8;
	[tilespmem:$0x198C0] =	vst v63  }
0x8e: {  	s15 =	rddreg [dreg:$0x19]  }
0x8f: {  	[tilespmem:s10], [sflag:$0x1] =	stream.indirect.gather [hbm4b:s5+s6], $0x20, s15, s6, $0xb8;
	[tilespmem:$0x198C0] =	vst v63  }
0x90: {  	s0 =	rddreg [dreg:$0x1a]  }
0x91: {  	[spmem:s2] =	stream.indirect.scatter.add.f32 [tilespmem:s11], [sflag:$0x2], $0x20, s0, s6, $0xb8;
	[tilespmem:$0x198C0] =	vst v63  }
0x92: {  	s15 =	rddreg [dreg:$0x1b]  }
0x93: {  	[spmem:s2] =	stream.indirect.scatter.add.f32 [tilespmem:s12], [sflag:$0x2], $0x20, s15, s6, $0xb8;
	[tilespmem:$0x198C0] =	vst v63  }
0x94: {  	_ =	swait.ge [sflag:s7], $0x3E80  }
0x95: {  	[sflag:s7] =	ssyncset.done $0x0  }
0x96: {  	[sflag:s7] =	ssyncadd.s32 $0xFFFFC180  }
0x97: {  	_ =	swait.ge [sflag:s7], $0x3E80  }
0x98: {  	[sflag:s7] =	ssyncset.done $0x0  }
0x99: {  	[sflag:s7] =	ssyncadd.s32 $0xFFFFC180  }
0x9a: {  	_ =	swait.ge [sflag:s8], $0x3E80  }
0x9b: {  	[sflag:s8] =	ssyncset.done $0x0  }
0x9c: {  	[sflag:s8] =	ssyncadd.s32 $0xFFFFC180  }
0x9d: {  	_ =	swait.ge [sflag:s8], $0x3E80  }
0x9e: {  	[sflag:s8] =	ssyncset.done $0x0  }
0x9f: {  	s3 =	rddreg [dreg:$0x1c];
	[sflag:s8] =	ssyncadd.s32 $0xFFFFC180  }
0xa0: {  	[tilespmem:s11], [sflag:$0x1] =	stream.indirect.gather [hbm4b:s5+s6], $0x20, s3, s6, $0xb8;
	[tilespmem:$0x198C0] =	vst v63  }
0xa1: {  	s15 =	rddreg [dreg:$0x1d]  }
0xa2: {  	[tilespmem:s12], [sflag:$0x1] =	stream.indirect.gather [hbm4b:s5+s6], $0x20, s15, s6, $0xb8;
	[tilespmem:$0x198C0] =	vst v63  }
0xa3: {  	s0 =	rddreg [dreg:$0x1e]  }
0xa4: {  	[spmem:s2] =	stream.indirect.scatter.add.f32 [tilespmem:s9], [sflag:$0x2], $0x20, s0, s6, $0xb8;
	[tilespmem:$0x198C0] =	vst v63  }
0xa5: {  	s15 =	rddreg [dreg:$0x1f]  }
0xa6: {  	[spmem:s2] =	stream.indirect.scatter.add.f32 [tilespmem:s10], [sflag:$0x2], $0x20, s15, s6, $0xb8;
	[tilespmem:$0x198C0] =	vst v63  }
0xa7: {  	_ =	swait.ge [sflag:s7], $0x3E80  }
0xa8: {  	[sflag:s7] =	ssyncset.done $0x0  }
0xa9: {  	[sflag:s7] =	ssyncadd.s32 $0xFFFFC180  }
0xaa: {  	_ =	swait.ge [sflag:s7], $0x3E80  }
0xab: {  	[sflag:s7] =	ssyncset.done $0x0  }
0xac: {  	[sflag:s7] =	ssyncadd.s32 $0xFFFFC180  }
0xad: {  	_ =	swait.ge [sflag:s8], $0x3E80  }
0xae: {  	[sflag:s8] =	ssyncset.done $0x0  }
0xaf: {  	[sflag:s8] =	ssyncadd.s32 $0xFFFFC180  }
0xb0: {  	_ =	swait.ge [sflag:s8], $0x3E80  }
0xb1: {  	[sflag:s8] =	ssyncset.done $0x0  }
0xb2: {  	[sflag:s8] =	ssyncadd.s32 $0xFFFFC180  }
0xb3: {  	[tilespmem:s9], [sflag:$0x1] =	stream.indirect.gather [hbm4b:s5+s6], $0x20, s24, s6, $0xb8;
	[tilespmem:$0x198C0] =	vst v63  }
0xb4: {  	_ = 	snop  }
0xb5: {  	[tilespmem:s10], [sflag:$0x1] =	stream.indirect.gather [hbm4b:s5+s6], $0x20, s25, s6, $0xb8;
	[tilespmem:$0x198C0] =	vst v63  }
0xb6: {  	_ = 	snop  }
0xb7: {  	[spmem:s2] =	stream.indirect.scatter.add.f32 [tilespmem:s11], [sflag:$0x2], $0x20, s26, s6, $0xb8;
	[tilespmem:$0x198C0] =	vst v63  }
0xb8: {  	_ = 	snop  }
0xb9: {  	[spmem:s2] =	stream.indirect.scatter.add.f32 [tilespmem:s12], [sflag:$0x2], $0x20, s28, s6, $0xb8;
	[tilespmem:$0x198C0] =	vst v63  }
0xba: {  	_ =	swait.ge [sflag:s7], $0x3E80  }
0xbb: {  	[sflag:s7] =	ssyncset.done $0x0  }
0xbc: {  	[sflag:s7] =	ssyncadd.s32 $0xFFFFC180  }
0xbd: {  	_ =	swait.ge [sflag:s7], $0x3E80  }
0xbe: {  	[sflag:s7] =	ssyncset.done $0x0  }
0xbf: {  	[sflag:s7] =	ssyncadd.s32 $0xFFFFC180  }
0xc0: {  	_ =	swait.ge [sflag:s8], $0x3E80  }
0xc1: {  	[sflag:s8] =	ssyncset.done $0x0  }
0xc2: {  	[sflag:s8] =	ssyncadd.s32 $0xFFFFC180  }
0xc3: {  	_ =	swait.ge [sflag:s8], $0x3E80  }
0xc4: {  	[sflag:s8] =	ssyncset.done $0x0  }
0xc5: {  	[sflag:s8] =	ssyncadd.s32 $0xFFFFC180  }
0xc6: {  	[tilespmem:s11], [sflag:$0x1] =	stream.indirect.gather [hbm4b:s5+s6], $0x20, s20, s6, $0xb8;
	[tilespmem:$0x198C0] =	vst v63  }
0xc7: {  	_ = 	snop  }
0xc8: {  	[tilespmem:s12], [sflag:$0x1] =	stream.indirect.gather [hbm4b:s5+s6], $0x20, s21, s6, $0xb8;
	[tilespmem:$0x198C0] =	vst v63  }
0xc9: {  	_ = 	snop  }
0xca: {  	[spmem:s2] =	stream.indirect.scatter.add.f32 [tilespmem:s9], [sflag:$0x2], $0x20, s22, s6, $0xb8;
	[tilespmem:$0x198C0] =	vst v63  }
0xcb: {  	_ = 	snop  }
0xcc: {  	[spmem:s2] =	stream.indirect.scatter.add.f32 [tilespmem:s10], [sflag:$0x2], $0x20, s23, s6, $0xb8;
	[tilespmem:$0x198C0] =	vst v63  }
0xcd: {  	_ =	swait.ge [sflag:s7], $0x3E80  }
0xce: {  	[sflag:s7] =	ssyncset.done $0x0  }
0xcf: {  	[sflag:s7] =	ssyncadd.s32 $0xFFFFC180  }
0xd0: {  	_ =	swait.ge [sflag:s7], $0x3E80  }
0xd1: {  	[sflag:s7] =	ssyncset.done $0x0  }
0xd2: {  	[sflag:s7] =	ssyncadd.s32 $0xFFFFC180  }
0xd3: {  	_ =	swait.ge [sflag:s8], $0x3E80  }
0xd4: {  	[sflag:s8] =	ssyncset.done $0x0  }
0xd5: {  	[sflag:s8] =	ssyncadd.s32 $0xFFFFC180  }
0xd6: {  	_ =	swait.ge [sflag:s8], $0x3E80  }
0xd7: {  	[sflag:s8] =	ssyncset.done $0x0  }
0xd8: {  	[sflag:s8] =	ssyncadd.s32 $0xFFFFC180  }
0xd9: {  	[tilespmem:s9], [sflag:$0x1] =	stream.indirect.gather [hbm4b:s5+s6], $0x20, s16, s6, $0xb8;
	[tilespmem:$0x198C0] =	vst v63  }
0xda: {  	_ = 	snop  }
0xdb: {  	[tilespmem:s10], [sflag:$0x1] =	stream.indirect.gather [hbm4b:s5+s6], $0x20, s17, s6, $0xb8;
	[tilespmem:$0x198C0] =	vst v63  }
0xdc: {  	_ = 	snop  }
0xdd: {  	[spmem:s2] =	stream.indirect.scatter.add.f32 [tilespmem:s11], [sflag:$0x2], $0x20, s18, s6, $0xb8;
	[tilespmem:$0x198C0] =	vst v63  }
0xde: {  	_ = 	snop  }
0xdf: {  	[spmem:s2] =	stream.indirect.scatter.add.f32 [tilespmem:s12], [sflag:$0x2], $0x20, s19, s6, $0xb8;
	[tilespmem:$0x198C0] =	vst v63  }
0xe0: {  	_ =	swait.ge [sflag:s7], $0x3E80  }
0xe1: {  	[sflag:s7] =	ssyncset.done $0x0  }
0xe2: {  	[sflag:s7] =	ssyncadd.s32 $0xFFFFC180  }
0xe3: {  	_ =	swait.ge [sflag:s7], $0x3E80  }
0xe4: {  	[sflag:s7] =	ssyncset.done $0x0  }
0xe5: {  	[sflag:s7] =	ssyncadd.s32 $0xFFFFC180  }
0xe6: {  	_ =	swait.ge [sflag:s8], $0x3E80  }
0xe7: {  	[sflag:s8] =	ssyncset.done $0x0  }
0xe8: {  	[sflag:s8] =	ssyncadd.s32 $0xFFFFC180  }
0xe9: {  	_ =	swait.ge [sflag:s8], $0x3E80  }
0xea: {  	[sflag:s8] =	ssyncset.done $0x0  }
0xeb: {  	s15 =	simm.s32 $0x4AD0;
	[sflag:s8] =	ssyncadd.s32 $0xFFFFC180  }
0xec: {  	[spmem:s2] =	stream.indirect.scatter.add.f32 [tilespmem:s9], [sflag:$0x2], $0x20, s15, s6, $0xb8;
	[tilespmem:$0x198C0] =	vst v63  }
0xed: {  	s3 =	simm.s32 $0x4CC8  }
0xee: {  	[spmem:s2] =	stream.indirect.scatter.add.f32 [tilespmem:s10], [sflag:$0x2], $0x20, s3, s6, $0xb8;
	[tilespmem:$0x198C0] =	vst v63  }
0xef: {  	_ =	swait.ge [sflag:s8], $0x3E80  }
0xf0: {  	[sflag:s8] =	ssyncset.done $0x0  }
0xf1: {  	[sflag:s8] =	ssyncadd.s32 $0xFFFFC180  }
0xf2: {  	_ =	swait.ge [sflag:s8], $0x3E80  }
0xf3: {  	[sflag:s8] =	ssyncset.done $0x0  }
0xf4: {  	[sflag:s8] =	ssyncadd.s32 $0xFFFFC180  }
0xf5: {  	p1 =	sne.s32 s1, $0x1;
	[bflag:$0x0] =	sbarrier.arrive $0xFFFF  }
.Ltmp1:
0xf6: {  	s15 =	rddreg [dreg:$0x7];
	(pc) =	sbr.rel @!p1 .LBB2_2-.Ltmp1, $4  }
0xf7: {  	s31 =	sor.u32 $0x1C03, s14;
	[smem:$0x7FD] =	sst s14  }
0xf8: {  	[hbm:s15], [sflag:s31] =	dma.local [spmem:s4], $0xA00  }
0xf9: {  	s1 =	sadd.s32 $0xFFFFFFFF, s1;
	_ =	swait.ge [sflag:s13], $0xA00  }
0xfa: {  	p0 =	por $0x1, $0x1;
	s0 =	rddreg [dreg:$0x6];
	[sflag:s13] =	ssyncset.done $0x0  }
.LBB2_3:
0xfb: {  	s3 =	rddreg [dreg:$0x4]  }
0xfc: {  	[sflag:s13] =	ssyncadd.s32 $0xFFFFF600;
	s14 =	rddreg [dreg:$0x3]  }
0xfd: {  	[tilespmem:s29], [sflag:$0x1] =	stream.linear.gather [hbm4b:s3+s29], $0x2760, $0x38;
	[tilespmem:$0x198C0] =	vst v63  }
0xfe: {  	s15 =	rddreg [dreg:$0x5]  }
0xff: {  	[tilespmem:s30], [sflag:$0x1] =	stream.linear.gather [hbm4b:s15+s29], $0x2760, $0x38;
	[tilespmem:$0x198C0] =	vst v63  }
0x100: {  	[spmem:s4], [sflag:s0] =	dma.local [hbm:s14], $0xA00  }
0x101: {  	_ =	swait.ge [sflag:s7], $0x2760  }
0x102: {  	[sflag:s7] =	ssyncset.done $0x0  }
0x103: {  	[sflag:s7] =	ssyncadd.s32 $0xFFFFD8A0  }
0x104: {  	_ =	swait.ge [sflag:s7], $0x2760  }
0x105: {  	[sflag:s7] =	ssyncset.done $0x0  }
0x106: {  	[sflag:s7] =	ssyncadd.s32 $0xFFFFD8A0  }
0x107: {  	_ =	swait.ge [sflag:s7], $0xA00  }
0x108: {  	[sflag:s7] =	ssyncset.done $0x0  }
0x109: {  	[sflag:s7] =	ssyncadd.s32 $0xFFFFF600  }
0x10a: {  	[tilespmem:s11], [sflag:$0x1] =	stream.indirect.gather [hbm4b:s5+s6], $0x20, s29, s6, $0xb8;
	[tilespmem:$0x198C0] =	vst v63  }
0x10b: {  	s3 =	rddreg [dreg:$0x8]  }
0x10c: {  	[tilespmem:s12], [sflag:$0x1] =	stream.indirect.gather [hbm4b:s5+s6], $0x20, s3, s6, $0xb8;
	[tilespmem:$0x198C0] =	vst v63  }
0x10d: {  	[bflag:$0x0] =	sbarrier.arrive $0xFFFF  }
0x10e: {  	_ =	swait.ge [sflag:s7], $0x3E80  }
0x10f: {  	[sflag:s7] =	ssyncset.done $0x0  }
0x110: {  	[sflag:s7] =	ssyncadd.s32 $0xFFFFC180  }
0x111: {  	_ =	swait.ge [sflag:s7], $0x3E80  }
0x112: {  	[sflag:s7] =	ssyncset.done $0x0  }
0x113: {  	s14 =	rddreg [dreg:$0x9];
	[sflag:s7] =	ssyncadd.s32 $0xFFFFC180  }
0x114: {  	[tilespmem:s9], [sflag:$0x1] =	stream.indirect.gather [hbm4b:s5+s6], $0x20, s14, s6, $0xb8;
	[tilespmem:$0x198C0] =	vst v63  }
0x115: {  	s15 =	rddreg [dreg:$0xa]  }
0x116: {  	[tilespmem:s10], [sflag:$0x1] =	stream.indirect.gather [hbm4b:s5+s6], $0x20, s15, s6, $0xb8;
	[tilespmem:$0x198C0] =	vst v63  }
0x117: {  	_ = 	snop  }
0x118: {  	[spmem:s2] =	stream.indirect.scatter.add.f32 [tilespmem:s11], [sflag:$0x2], $0x20, s30, s6, $0xb8;
	[tilespmem:$0x198C0] =	vst v63  }
0x119: {  	s3 =	rddreg [dreg:$0xb]  }
0x11a: {  	[spmem:s2] =	stream.indirect.scatter.add.f32 [tilespmem:s12], [sflag:$0x2], $0x20, s3, s6, $0xb8;
	[tilespmem:$0x198C0] =	vst v63  }
0x11b: {  	_ =	swait.ge [sflag:s7], $0x3E80  }
0x11c: {  	[sflag:s7] =	ssyncset.done $0x0  }
0x11d: {  	[sflag:s7] =	ssyncadd.s32 $0xFFFFC180  }
0x11e: {  	_ =	swait.ge [sflag:s7], $0x3E80  }
0x11f: {  	[sflag:s7] =	ssyncset.done $0x0  }
0x120: {  	[sflag:s7] =	ssyncadd.s32 $0xFFFFC180  }
0x121: {  	_ =	swait.ge [sflag:s8], $0x3E80  }
0x122: {  	[sflag:s8] =	ssyncset.done $0x0  }
0x123: {  	[sflag:s8] =	ssyncadd.s32 $0xFFFFC180  }
0x124: {  	_ =	swait.ge [sflag:s8], $0x3E80  }
0x125: {  	[sflag:s8] =	ssyncset.done $0x0  }
0x126: {  	s14 =	rddreg [dreg:$0xc];
	[sflag:s8] =	ssyncadd.s32 $0xFFFFC180  }
0x127: {  	[tilespmem:s11], [sflag:$0x1] =	stream.indirect.gather [hbm4b:s5+s6], $0x20, s14, s6, $0xb8;
	[tilespmem:$0x198C0] =	vst v63  }
0x128: {  	s15 =	rddreg [dreg:$0xd]  }
0x129: {  	[tilespmem:s12], [sflag:$0x1] =	stream.indirect.gather [hbm4b:s5+s6], $0x20, s15, s6, $0xb8;
	[tilespmem:$0x198C0] =	vst v63  }
0x12a: {  	s14 =	rddreg [dreg:$0xe]  }
0x12b: {  	[spmem:s2] =	stream.indirect.scatter.add.f32 [tilespmem:s9], [sflag:$0x2], $0x20, s14, s6, $0xb8;
	[tilespmem:$0x198C0] =	vst v63  }
0x12c: {  	s15 =	rddreg [dreg:$0xf]  }
0x12d: {  	[spmem:s2] =	stream.indirect.scatter.add.f32 [tilespmem:s10], [sflag:$0x2], $0x20, s15, s6, $0xb8;
	[tilespmem:$0x198C0] =	vst v63  }
0x12e: {  	_ =	swait.ge [sflag:s7], $0x3E80  }
0x12f: {  	[sflag:s7] =	ssyncset.done $0x0  }
0x130: {  	[sflag:s7] =	ssyncadd.s32 $0xFFFFC180  }
0x131: {  	_ =	swait.ge [sflag:s7], $0x3E80  }
0x132: {  	[sflag:s7] =	ssyncset.done $0x0  }
0x133: {  	[sflag:s7] =	ssyncadd.s32 $0xFFFFC180  }
0x134: {  	_ =	swait.ge [sflag:s8], $0x3E80  }
0x135: {  	[sflag:s8] =	ssyncset.done $0x0  }
0x136: {  	[sflag:s8] =	ssyncadd.s32 $0xFFFFC180  }
0x137: {  	_ =	swait.ge [sflag:s8], $0x3E80  }
0x138: {  	[sflag:s8] =	ssyncset.done $0x0  }
0x139: {  	s14 =	rddreg [dreg:$0x10];
	[sflag:s8] =	ssyncadd.s32 $0xFFFFC180  }
0x13a: {  	[tilespmem:s9], [sflag:$0x1] =	stream.indirect.gather [hbm4b:s5+s6], $0x20, s14, s6, $0xb8;
	[tilespmem:$0x198C0] =	vst v63  }
0x13b: {  	s15 =	rddreg [dreg:$0x11]  }
0x13c: {  	[tilespmem:s10], [sflag:$0x1] =	stream.indirect.gather [hbm4b:s5+s6], $0x20, s15, s6, $0xb8;
	[tilespmem:$0x198C0] =	vst v63  }
0x13d: {  	s14 =	rddreg [dreg:$0x12]  }
0x13e: {  	[spmem:s2] =	stream.indirect.scatter.add.f32 [tilespmem:s11], [sflag:$0x2], $0x20, s14, s6, $0xb8;
	[tilespmem:$0x198C0] =	vst v63  }
0x13f: {  	s15 =	rddreg [dreg:$0x13]  }
0x140: {  	[spmem:s2] =	stream.indirect.scatter.add.f32 [tilespmem:s12], [sflag:$0x2], $0x20, s15, s6, $0xb8;
	[tilespmem:$0x198C0] =	vst v63  }
0x141: {  	_ =	swait.ge [sflag:s7], $0x3E80  }
0x142: {  	[sflag:s7] =	ssyncset.done $0x0  }
0x143: {  	[sflag:s7] =	ssyncadd.s32 $0xFFFFC180  }
0x144: {  	_ =	swait.ge [sflag:s7], $0x3E80  }
0x145: {  	[sflag:s7] =	ssyncset.done $0x0  }
0x146: {  	[sflag:s7] =	ssyncadd.s32 $0xFFFFC180  }
0x147: {  	_ =	swait.ge [sflag:s8], $0x3E80  }
0x148: {  	[sflag:s8] =	ssyncset.done $0x0  }
0x149: {  	[sflag:s8] =	ssyncadd.s32 $0xFFFFC180  }
0x14a: {  	_ =	swait.ge [sflag:s8], $0x3E80  }
0x14b: {  	[sflag:s8] =	ssyncset.done $0x0  }
0x14c: {  	s14 =	rddreg [dreg:$0x14];
	[sflag:s8] =	ssyncadd.s32 $0xFFFFC180  }
0x14d: {  	[tilespmem:s11], [sflag:$0x1] =	stream.indirect.gather [hbm4b:s5+s6], $0x20, s14, s6, $0xb8;
	[tilespmem:$0x198C0] =	vst v63  }
0x14e: {  	s15 =	rddreg [dreg:$0x15]  }
0x14f: {  	[tilespmem:s12], [sflag:$0x1] =	stream.indirect.gather [hbm4b:s5+s6], $0x20, s15, s6, $0xb8;
	[tilespmem:$0x198C0] =	vst v63  }
0x150: {  	s14 =	rddreg [dreg:$0x16]  }
0x151: {  	[spmem:s2] =	stream.indirect.scatter.add.f32 [tilespmem:s9], [sflag:$0x2], $0x20, s14, s6, $0xb8;
	[tilespmem:$0x198C0] =	vst v63  }
0x152: {  	s15 =	rddreg [dreg:$0x17]  }
0x153: {  	[spmem:s2] =	stream.indirect.scatter.add.f32 [tilespmem:s10], [sflag:$0x2], $0x20, s15, s6, $0xb8;
	[tilespmem:$0x198C0] =	vst v63  }
0x154: {  	_ =	swait.ge [sflag:s7], $0x3E80  }
0x155: {  	[sflag:s7] =	ssyncset.done $0x0  }
0x156: {  	[sflag:s7] =	ssyncadd.s32 $0xFFFFC180  }
0x157: {  	_ =	swait.ge [sflag:s7], $0x3E80  }
0x158: {  	[sflag:s7] =	ssyncset.done $0x0  }
0x159: {  	[sflag:s7] =	ssyncadd.s32 $0xFFFFC180  }
0x15a: {  	_ =	swait.ge [sflag:s8], $0x3E80  }
0x15b: {  	[sflag:s8] =	ssyncset.done $0x0  }
0x15c: {  	[sflag:s8] =	ssyncadd.s32 $0xFFFFC180  }
0x15d: {  	_ =	swait.ge [sflag:s8], $0x3E80  }
0x15e: {  	[sflag:s8] =	ssyncset.done $0x0  }
0x15f: {  	s14 =	rddreg [dreg:$0x18];
	[sflag:s8] =	ssyncadd.s32 $0xFFFFC180  }
0x160: {  	[tilespmem:s9], [sflag:$0x1] =	stream.indirect.gather [hbm4b:s5+s6], $0x20, s14, s6, $0xb8;
	[tilespmem:$0x198C0] =	vst v63  }
0x161: {  	s15 =	rddreg [dreg:$0x19]  }
0x162: {  	[tilespmem:s10], [sflag:$0x1] =	stream.indirect.gather [hbm4b:s5+s6], $0x20, s15, s6, $0xb8;
	[tilespmem:$0x198C0] =	vst v63  }
0x163: {  	s14 =	rddreg [dreg:$0x1a]  }
0x164: {  	[spmem:s2] =	stream.indirect.scatter.add.f32 [tilespmem:s11], [sflag:$0x2], $0x20, s14, s6, $0xb8;
	[tilespmem:$0x198C0] =	vst v63  }
0x165: {  	s15 =	rddreg [dreg:$0x1b]  }
0x166: {  	[spmem:s2] =	stream.indirect.scatter.add.f32 [tilespmem:s12], [sflag:$0x2], $0x20, s15, s6, $0xb8;
	[tilespmem:$0x198C0] =	vst v63  }
0x167: {  	_ =	swait.ge [sflag:s7], $0x3E80  }
0x168: {  	[sflag:s7] =	ssyncset.done $0x0  }
0x169: {  	[sflag:s7] =	ssyncadd.s32 $0xFFFFC180  }
0x16a: {  	_ =	swait.ge [sflag:s7], $0x3E80  }
0x16b: {  	[sflag:s7] =	ssyncset.done $0x0  }
0x16c: {  	[sflag:s7] =	ssyncadd.s32 $0xFFFFC180  }
0x16d: {  	_ =	swait.ge [sflag:s8], $0x3E80  }
0x16e: {  	[sflag:s8] =	ssyncset.done $0x0  }
0x16f: {  	[sflag:s8] =	ssyncadd.s32 $0xFFFFC180  }
0x170: {  	_ =	swait.ge [sflag:s8], $0x3E80  }
0x171: {  	[sflag:s8] =	ssyncset.done $0x0  }
0x172: {  	s3 =	rddreg [dreg:$0x1c];
	[sflag:s8] =	ssyncadd.s32 $0xFFFFC180  }
0x173: {  	[tilespmem:s11], [sflag:$0x1] =	stream.indirect.gather [hbm4b:s5+s6], $0x20, s3, s6, $0xb8;
	[tilespmem:$0x198C0] =	vst v63  }
0x174: {  	s14 =	rddreg [dreg:$0x1d]  }
0x175: {  	[tilespmem:s12], [sflag:$0x1] =	stream.indirect.gather [hbm4b:s5+s6], $0x20, s14, s6, $0xb8;
	[tilespmem:$0x198C0] =	vst v63  }
0x176: {  	s15 =	rddreg [dreg:$0x1e]  }
0x177: {  	[spmem:s2] =	stream.indirect.scatter.add.f32 [tilespmem:s9], [sflag:$0x2], $0x20, s15, s6, $0xb8;
	[tilespmem:$0x198C0] =	vst v63  }
0x178: {  	s14 =	rddreg [dreg:$0x1f]  }
0x179: {  	[spmem:s2] =	stream.indirect.scatter.add.f32 [tilespmem:s10], [sflag:$0x2], $0x20, s14, s6, $0xb8;
	[tilespmem:$0x198C0] =	vst v63  }
0x17a: {  	_ =	swait.ge [sflag:s7], $0x3E80  }
0x17b: {  	[sflag:s7] =	ssyncset.done $0x0  }
0x17c: {  	[sflag:s7] =	ssyncadd.s32 $0xFFFFC180  }
0x17d: {  	_ =	swait.ge [sflag:s7], $0x3E80  }
0x17e: {  	[sflag:s7] =	ssyncset.done $0x0  }
0x17f: {  	[sflag:s7] =	ssyncadd.s32 $0xFFFFC180  }
0x180: {  	_ =	swait.ge [sflag:s8], $0x3E80  }
0x181: {  	[sflag:s8] =	ssyncset.done $0x0  }
0x182: {  	[sflag:s8] =	ssyncadd.s32 $0xFFFFC180  }
0x183: {  	_ =	swait.ge [sflag:s8], $0x3E80  }
0x184: {  	[sflag:s8] =	ssyncset.done $0x0  }
0x185: {  	[sflag:s8] =	ssyncadd.s32 $0xFFFFC180  }
0x186: {  	[tilespmem:s9], [sflag:$0x1] =	stream.indirect.gather [hbm4b:s5+s6], $0x20, s24, s6, $0xb8;
	[tilespmem:$0x198C0] =	vst v63  }
0x187: {  	_ = 	snop  }
0x188: {  	[tilespmem:s10], [sflag:$0x1] =	stream.indirect.gather [hbm4b:s5+s6], $0x20, s25, s6, $0xb8;
	[tilespmem:$0x198C0] =	vst v63  }
0x189: {  	_ = 	snop  }
0x18a: {  	[spmem:s2] =	stream.indirect.scatter.add.f32 [tilespmem:s11], [sflag:$0x2], $0x20, s26, s6, $0xb8;
	[tilespmem:$0x198C0] =	vst v63  }
0x18b: {  	_ = 	snop  }
0x18c: {  	[spmem:s2] =	stream.indirect.scatter.add.f32 [tilespmem:s12], [sflag:$0x2], $0x20, s28, s6, $0xb8;
	[tilespmem:$0x198C0] =	vst v63  }
0x18d: {  	_ =	swait.ge [sflag:s7], $0x3E80  }
0x18e: {  	[sflag:s7] =	ssyncset.done $0x0  }
0x18f: {  	[sflag:s7] =	ssyncadd.s32 $0xFFFFC180  }
0x190: {  	_ =	swait.ge [sflag:s7], $0x3E80  }
0x191: {  	[sflag:s7] =	ssyncset.done $0x0  }
0x192: {  	[sflag:s7] =	ssyncadd.s32 $0xFFFFC180  }
0x193: {  	_ =	swait.ge [sflag:s8], $0x3E80  }
0x194: {  	[sflag:s8] =	ssyncset.done $0x0  }
0x195: {  	[sflag:s8] =	ssyncadd.s32 $0xFFFFC180  }
0x196: {  	_ =	swait.ge [sflag:s8], $0x3E80  }
0x197: {  	[sflag:s8] =	ssyncset.done $0x0  }
0x198: {  	[sflag:s8] =	ssyncadd.s32 $0xFFFFC180  }
0x199: {  	[tilespmem:s11], [sflag:$0x1] =	stream.indirect.gather [hbm4b:s5+s6], $0x20, s20, s6, $0xb8;
	[tilespmem:$0x198C0] =	vst v63  }
0x19a: {  	_ = 	snop  }
0x19b: {  	[tilespmem:s12], [sflag:$0x1] =	stream.indirect.gather [hbm4b:s5+s6], $0x20, s21, s6, $0xb8;
	[tilespmem:$0x198C0] =	vst v63  }
0x19c: {  	_ = 	snop  }
0x19d: {  	[spmem:s2] =	stream.indirect.scatter.add.f32 [tilespmem:s9], [sflag:$0x2], $0x20, s22, s6, $0xb8;
	[tilespmem:$0x198C0] =	vst v63  }
0x19e: {  	_ = 	snop  }
0x19f: {  	[spmem:s2] =	stream.indirect.scatter.add.f32 [tilespmem:s10], [sflag:$0x2], $0x20, s23, s6, $0xb8;
	[tilespmem:$0x198C0] =	vst v63  }
0x1a0: {  	_ =	swait.ge [sflag:s7], $0x3E80  }
0x1a1: {  	[sflag:s7] =	ssyncset.done $0x0  }
0x1a2: {  	[sflag:s7] =	ssyncadd.s32 $0xFFFFC180  }
0x1a3: {  	_ =	swait.ge [sflag:s7], $0x3E80  }
0x1a4: {  	[sflag:s7] =	ssyncset.done $0x0  }
0x1a5: {  	[sflag:s7] =	ssyncadd.s32 $0xFFFFC180  }
0x1a6: {  	_ =	swait.ge [sflag:s8], $0x3E80  }
0x1a7: {  	[sflag:s8] =	ssyncset.done $0x0  }
0x1a8: {  	[sflag:s8] =	ssyncadd.s32 $0xFFFFC180  }
0x1a9: {  	_ =	swait.ge [sflag:s8], $0x3E80  }
0x1aa: {  	[sflag:s8] =	ssyncset.done $0x0  }
0x1ab: {  	[sflag:s8] =	ssyncadd.s32 $0xFFFFC180  }
0x1ac: {  	[tilespmem:s9], [sflag:$0x1] =	stream.indirect.gather [hbm4b:s5+s6], $0x20, s16, s6, $0xb8;
	[tilespmem:$0x198C0] =	vst v63  }
0x1ad: {  	_ = 	snop  }
0x1ae: {  	[tilespmem:s10], [sflag:$0x1] =	stream.indirect.gather [hbm4b:s5+s6], $0x20, s17, s6, $0xb8;
	[tilespmem:$0x198C0] =	vst v63  }
0x1af: {  	_ = 	snop  }
0x1b0: {  	[spmem:s2] =	stream.indirect.scatter.add.f32 [tilespmem:s11], [sflag:$0x2], $0x20, s18, s6, $0xb8;
	[tilespmem:$0x198C0] =	vst v63  }
0x1b1: {  	_ = 	snop  }
0x1b2: {  	[spmem:s2] =	stream.indirect.scatter.add.f32 [tilespmem:s12], [sflag:$0x2], $0x20, s19, s6, $0xb8;
	[tilespmem:$0x198C0] =	vst v63  }
0x1b3: {  	_ =	swait.ge [sflag:s7], $0x3E80  }
0x1b4: {  	[sflag:s7] =	ssyncset.done $0x0  }
0x1b5: {  	[sflag:s7] =	ssyncadd.s32 $0xFFFFC180  }
0x1b6: {  	_ =	swait.ge [sflag:s7], $0x3E80  }
0x1b7: {  	[sflag:s7] =	ssyncset.done $0x0  }
0x1b8: {  	[sflag:s7] =	ssyncadd.s32 $0xFFFFC180  }
0x1b9: {  	_ =	swait.ge [sflag:s8], $0x3E80  }
0x1ba: {  	[sflag:s8] =	ssyncset.done $0x0  }
0x1bb: {  	[sflag:s8] =	ssyncadd.s32 $0xFFFFC180  }
0x1bc: {  	_ =	swait.ge [sflag:s8], $0x3E80  }
0x1bd: {  	[sflag:s8] =	ssyncset.done $0x0  }
0x1be: {  	s14 =	simm.s32 $0x4AD0;
	[sflag:s8] =	ssyncadd.s32 $0xFFFFC180  }
0x1bf: {  	[spmem:s2] =	stream.indirect.scatter.add.f32 [tilespmem:s9], [sflag:$0x2], $0x20, s14, s6, $0xb8;
	[tilespmem:$0x198C0] =	vst v63  }
0x1c0: {  	s15 =	simm.s32 $0x4CC8  }
0x1c1: {  	[spmem:s2] =	stream.indirect.scatter.add.f32 [tilespmem:s10], [sflag:$0x2], $0x20, s15, s6, $0xb8;
	[tilespmem:$0x198C0] =	vst v63  }
0x1c2: {  	_ =	swait.ge [sflag:s8], $0x3E80  }
0x1c3: {  	[sflag:s8] =	ssyncset.done $0x0  }
0x1c4: {  	[sflag:s8] =	ssyncadd.s32 $0xFFFFC180  }
0x1c5: {  	_ =	swait.ge [sflag:s8], $0x3E80  }
0x1c6: {  	[sflag:s8] =	ssyncset.done $0x0  }
0x1c7: {  	p1 =	sne.s32 s1, $0x1;
	[sflag:s8] =	ssyncadd.s32 $0xFFFFC180  }
.Ltmp2:
0x1c8: {  	[bflag:$0x0] =	sbarrier.arrive $0xFFFF;
	(pc) =	sbr.rel @p1 .LBB2_3-.Ltmp2, $4  }
0x1c9: {  	s15 =	rddreg [dreg:$0x7]  }
0x1ca: {  	[hbm:s15], [sflag:s31] =	dma.local [spmem:s4], $0xA00  }
0x1cb: {  	_ =	swait.ge [sflag:s13], $0xA00  }
0x1cc: {  	s1 =	sadd.s32 $0xFFFFFFFF, s1;
	s0 =	rddreg [dreg:$0x6];
	[sflag:s13] =	ssyncset.done $0x0  }
0x1cd: {  	s15 =	rddreg [dreg:$0x2]  }
0x1ce: {  	s14 =	stileid.u32;
	s31 =	sld [smem:$0x7FD]  }
.LBB2_5:
0x1cf: {  	s1 =	rddreg [dreg:$0x4]  }
0x1d0: {  	[sflag:s13] =	ssyncadd.s32 @p0 $0xFFFFF600;
	s3 =	rddreg [dreg:$0x3]  }
0x1d1: {  	[tilespmem:s29], [sflag:$0x1] =	stream.linear.gather [hbm4b:s1+s29], $0x2760, $0x38;
	[tilespmem:$0x198C0] =	vst v63  }
0x1d2: {  	s1 =	rddreg [dreg:$0x5]  }
0x1d3: {  	[tilespmem:s30], [sflag:$0x1] =	stream.linear.gather [hbm4b:s1+s29], $0x2760, $0x38;
	[tilespmem:$0x198C0] =	vst v63  }
0x1d4: {  	[spmem:s4], [sflag:s0] =	dma.local [hbm:s3], $0xA00  }
0x1d5: {  	_ =	swait.ge [sflag:s7], $0x2760  }
0x1d6: {  	[sflag:s7] =	ssyncset.done $0x0  }
0x1d7: {  	[sflag:s7] =	ssyncadd.s32 $0xFFFFD8A0  }
0x1d8: {  	_ =	swait.ge [sflag:s7], $0x2760  }
0x1d9: {  	[sflag:s7] =	ssyncset.done $0x0  }
0x1da: {  	[sflag:s7] =	ssyncadd.s32 $0xFFFFD8A0  }
0x1db: {  	_ =	swait.ge [sflag:s7], $0xA00  }
0x1dc: {  	[sflag:s7] =	ssyncset.done $0x0  }
0x1dd: {  	[sflag:s7] =	ssyncadd.s32 $0xFFFFF600  }
0x1de: {  	[tilespmem:s11], [sflag:$0x1] =	stream.indirect.gather [hbm4b:s5+s6], $0x20, s29, s6, $0xb8;
	[tilespmem:$0x198C0] =	vst v63  }
0x1df: {  	s3 =	rddreg [dreg:$0x8]  }
0x1e0: {  	[tilespmem:s12], [sflag:$0x1] =	stream.indirect.gather [hbm4b:s5+s6], $0x20, s3, s6, $0xb8;
	[tilespmem:$0x198C0] =	vst v63  }
0x1e1: {  	[bflag:$0x0] =	sbarrier.arrive $0xFFFF  }
0x1e2: {  	_ =	swait.ge [sflag:s7], $0x3E80  }
0x1e3: {  	[sflag:s7] =	ssyncset.done $0x0  }
0x1e4: {  	[sflag:s7] =	ssyncadd.s32 $0xFFFFC180  }
0x1e5: {  	_ =	swait.ge [sflag:s7], $0x3E80  }
0x1e6: {  	[sflag:s7] =	ssyncset.done $0x0  }
0x1e7: {  	s1 =	rddreg [dreg:$0x9];
	[sflag:s7] =	ssyncadd.s32 $0xFFFFC180  }
0x1e8: {  	[tilespmem:s9], [sflag:$0x1] =	stream.indirect.gather [hbm4b:s5+s6], $0x20, s1, s6, $0xb8;
	[tilespmem:$0x198C0] =	vst v63  }
0x1e9: {  	s3 =	rddreg [dreg:$0xa]  }
0x1ea: {  	[tilespmem:s10], [sflag:$0x1] =	stream.indirect.gather [hbm4b:s5+s6], $0x20, s3, s6, $0xb8;
	[tilespmem:$0x198C0] =	vst v63  }
0x1eb: {  	_ = 	snop  }
0x1ec: {  	[spmem:s2] =	stream.indirect.scatter.add.f32 [tilespmem:s11], [sflag:$0x2], $0x20, s30, s6, $0xb8;
	[tilespmem:$0x198C0] =	vst v63  }
0x1ed: {  	s29 =	rddreg [dreg:$0xb]  }
0x1ee: {  	[spmem:s2] =	stream.indirect.scatter.add.f32 [tilespmem:s12], [sflag:$0x2], $0x20, s29, s6, $0xb8;
	[tilespmem:$0x198C0] =	vst v63  }
0x1ef: {  	_ =	swait.ge [sflag:s7], $0x3E80  }
0x1f0: {  	[sflag:s7] =	ssyncset.done $0x0  }
0x1f1: {  	[sflag:s7] =	ssyncadd.s32 $0xFFFFC180  }
0x1f2: {  	_ =	swait.ge [sflag:s7], $0x3E80  }
0x1f3: {  	[sflag:s7] =	ssyncset.done $0x0  }
0x1f4: {  	[sflag:s7] =	ssyncadd.s32 $0xFFFFC180  }
0x1f5: {  	_ =	swait.ge [sflag:s8], $0x3E80  }
0x1f6: {  	[sflag:s8] =	ssyncset.done $0x0  }
0x1f7: {  	[sflag:s8] =	ssyncadd.s32 $0xFFFFC180  }
0x1f8: {  	_ =	swait.ge [sflag:s8], $0x3E80  }
0x1f9: {  	[sflag:s8] =	ssyncset.done $0x0  }
0x1fa: {  	s1 =	rddreg [dreg:$0xc];
	[sflag:s8] =	ssyncadd.s32 $0xFFFFC180  }
0x1fb: {  	[tilespmem:s11], [sflag:$0x1] =	stream.indirect.gather [hbm4b:s5+s6], $0x20, s1, s6, $0xb8;
	[tilespmem:$0x198C0] =	vst v63  }
0x1fc: {  	s3 =	rddreg [dreg:$0xd]  }
0x1fd: {  	[tilespmem:s12], [sflag:$0x1] =	stream.indirect.gather [hbm4b:s5+s6], $0x20, s3, s6, $0xb8;
	[tilespmem:$0x198C0] =	vst v63  }
0x1fe: {  	s29 =	rddreg [dreg:$0xe]  }
0x1ff: {  	[spmem:s2] =	stream.indirect.scatter.add.f32 [tilespmem:s9], [sflag:$0x2], $0x20, s29, s6, $0xb8;
	[tilespmem:$0x198C0] =	vst v63  }
0x200: {  	s30 =	rddreg [dreg:$0xf]  }
0x201: {  	[spmem:s2] =	stream.indirect.scatter.add.f32 [tilespmem:s10], [sflag:$0x2], $0x20, s30, s6, $0xb8;
	[tilespmem:$0x198C0] =	vst v63  }
0x202: {  	_ =	swait.ge [sflag:s7], $0x3E80  }
0x203: {  	[sflag:s7] =	ssyncset.done $0x0  }
0x204: {  	[sflag:s7] =	ssyncadd.s32 $0xFFFFC180  }
0x205: {  	_ =	swait.ge [sflag:s7], $0x3E80  }
0x206: {  	[sflag:s7] =	ssyncset.done $0x0  }
0x207: {  	[sflag:s7] =	ssyncadd.s32 $0xFFFFC180  }
0x208: {  	_ =	swait.ge [sflag:s8], $0x3E80  }
0x209: {  	[sflag:s8] =	ssyncset.done $0x0  }
0x20a: {  	[sflag:s8] =	ssyncadd.s32 $0xFFFFC180  }
0x20b: {  	_ =	swait.ge [sflag:s8], $0x3E80  }
0x20c: {  	[sflag:s8] =	ssyncset.done $0x0  }
0x20d: {  	s1 =	rddreg [dreg:$0x10];
	[sflag:s8] =	ssyncadd.s32 $0xFFFFC180  }
0x20e: {  	[tilespmem:s9], [sflag:$0x1] =	stream.indirect.gather [hbm4b:s5+s6], $0x20, s1, s6, $0xb8;
	[tilespmem:$0x198C0] =	vst v63  }
0x20f: {  	s3 =	rddreg [dreg:$0x11]  }
0x210: {  	[tilespmem:s10], [sflag:$0x1] =	stream.indirect.gather [hbm4b:s5+s6], $0x20, s3, s6, $0xb8;
	[tilespmem:$0x198C0] =	vst v63  }
0x211: {  	s29 =	rddreg [dreg:$0x12]  }
0x212: {  	[spmem:s2] =	stream.indirect.scatter.add.f32 [tilespmem:s11], [sflag:$0x2], $0x20, s29, s6, $0xb8;
	[tilespmem:$0x198C0] =	vst v63  }
0x213: {  	s30 =	rddreg [dreg:$0x13]  }
0x214: {  	[spmem:s2] =	stream.indirect.scatter.add.f32 [tilespmem:s12], [sflag:$0x2], $0x20, s30, s6, $0xb8;
	[tilespmem:$0x198C0] =	vst v63  }
0x215: {  	_ =	swait.ge [sflag:s7], $0x3E80  }
0x216: {  	[sflag:s7] =	ssyncset.done $0x0  }
0x217: {  	[sflag:s7] =	ssyncadd.s32 $0xFFFFC180  }
0x218: {  	_ =	swait.ge [sflag:s7], $0x3E80  }
0x219: {  	[sflag:s7] =	ssyncset.done $0x0  }
0x21a: {  	[sflag:s7] =	ssyncadd.s32 $0xFFFFC180  }
0x21b: {  	_ =	swait.ge [sflag:s8], $0x3E80  }
0x21c: {  	[sflag:s8] =	ssyncset.done $0x0  }
0x21d: {  	[sflag:s8] =	ssyncadd.s32 $0xFFFFC180  }
0x21e: {  	_ =	swait.ge [sflag:s8], $0x3E80  }
0x21f: {  	[sflag:s8] =	ssyncset.done $0x0  }
0x220: {  	s1 =	rddreg [dreg:$0x14];
	[sflag:s8] =	ssyncadd.s32 $0xFFFFC180  }
0x221: {  	[tilespmem:s11], [sflag:$0x1] =	stream.indirect.gather [hbm4b:s5+s6], $0x20, s1, s6, $0xb8;
	[tilespmem:$0x198C0] =	vst v63  }
0x222: {  	s3 =	rddreg [dreg:$0x15]  }
0x223: {  	[tilespmem:s12], [sflag:$0x1] =	stream.indirect.gather [hbm4b:s5+s6], $0x20, s3, s6, $0xb8;
	[tilespmem:$0x198C0] =	vst v63  }
0x224: {  	s29 =	rddreg [dreg:$0x16]  }
0x225: {  	[spmem:s2] =	stream.indirect.scatter.add.f32 [tilespmem:s9], [sflag:$0x2], $0x20, s29, s6, $0xb8;
	[tilespmem:$0x198C0] =	vst v63  }
0x226: {  	s30 =	rddreg [dreg:$0x17]  }
0x227: {  	[spmem:s2] =	stream.indirect.scatter.add.f32 [tilespmem:s10], [sflag:$0x2], $0x20, s30, s6, $0xb8;
	[tilespmem:$0x198C0] =	vst v63  }
0x228: {  	_ =	swait.ge [sflag:s7], $0x3E80  }
0x229: {  	[sflag:s7] =	ssyncset.done $0x0  }
0x22a: {  	[sflag:s7] =	ssyncadd.s32 $0xFFFFC180  }
0x22b: {  	_ =	swait.ge [sflag:s7], $0x3E80  }
0x22c: {  	[sflag:s7] =	ssyncset.done $0x0  }
0x22d: {  	[sflag:s7] =	ssyncadd.s32 $0xFFFFC180  }
0x22e: {  	_ =	swait.ge [sflag:s8], $0x3E80  }
0x22f: {  	[sflag:s8] =	ssyncset.done $0x0  }
0x230: {  	[sflag:s8] =	ssyncadd.s32 $0xFFFFC180  }
0x231: {  	_ =	swait.ge [sflag:s8], $0x3E80  }
0x232: {  	[sflag:s8] =	ssyncset.done $0x0  }
0x233: {  	s1 =	rddreg [dreg:$0x18];
	[sflag:s8] =	ssyncadd.s32 $0xFFFFC180  }
0x234: {  	[tilespmem:s9], [sflag:$0x1] =	stream.indirect.gather [hbm4b:s5+s6], $0x20, s1, s6, $0xb8;
	[tilespmem:$0x198C0] =	vst v63  }
0x235: {  	s3 =	rddreg [dreg:$0x19]  }
0x236: {  	[tilespmem:s10], [sflag:$0x1] =	stream.indirect.gather [hbm4b:s5+s6], $0x20, s3, s6, $0xb8;
	[tilespmem:$0x198C0] =	vst v63  }
0x237: {  	s29 =	rddreg [dreg:$0x1a]  }
0x238: {  	[spmem:s2] =	stream.indirect.scatter.add.f32 [tilespmem:s11], [sflag:$0x2], $0x20, s29, s6, $0xb8;
	[tilespmem:$0x198C0] =	vst v63  }
0x239: {  	s30 =	rddreg [dreg:$0x1b]  }
0x23a: {  	[spmem:s2] =	stream.indirect.scatter.add.f32 [tilespmem:s12], [sflag:$0x2], $0x20, s30, s6, $0xb8;
	[tilespmem:$0x198C0] =	vst v63  }
0x23b: {  	_ =	swait.ge [sflag:s7], $0x3E80  }
0x23c: {  	[sflag:s7] =	ssyncset.done $0x0  }
0x23d: {  	[sflag:s7] =	ssyncadd.s32 $0xFFFFC180  }
0x23e: {  	_ =	swait.ge [sflag:s7], $0x3E80  }
0x23f: {  	[sflag:s7] =	ssyncset.done $0x0  }
0x240: {  	[sflag:s7] =	ssyncadd.s32 $0xFFFFC180  }
0x241: {  	_ =	swait.ge [sflag:s8], $0x3E80  }
0x242: {  	[sflag:s8] =	ssyncset.done $0x0  }
0x243: {  	[sflag:s8] =	ssyncadd.s32 $0xFFFFC180  }
0x244: {  	_ =	swait.ge [sflag:s8], $0x3E80  }
0x245: {  	[sflag:s8] =	ssyncset.done $0x0  }
0x246: {  	s3 =	rddreg [dreg:$0x1c];
	[sflag:s8] =	ssyncadd.s32 $0xFFFFC180  }
0x247: {  	[tilespmem:s11], [sflag:$0x1] =	stream.indirect.gather [hbm4b:s5+s6], $0x20, s3, s6, $0xb8;
	[tilespmem:$0x198C0] =	vst v63  }
0x248: {  	s29 =	rddreg [dreg:$0x1d]  }
0x249: {  	[tilespmem:s12], [sflag:$0x1] =	stream.indirect.gather [hbm4b:s5+s6], $0x20, s29, s6, $0xb8;
	[tilespmem:$0x198C0] =	vst v63  }
0x24a: {  	s30 =	rddreg [dreg:$0x1e]  }
0x24b: {  	[spmem:s2] =	stream.indirect.scatter.add.f32 [tilespmem:s9], [sflag:$0x2], $0x20, s30, s6, $0xb8;
	[tilespmem:$0x198C0] =	vst v63  }
0x24c: {  	s3 =	rddreg [dreg:$0x1f]  }
0x24d: {  	[spmem:s2] =	stream.indirect.scatter.add.f32 [tilespmem:s10], [sflag:$0x2], $0x20, s3, s6, $0xb8;
	[tilespmem:$0x198C0] =	vst v63  }
0x24e: {  	_ =	swait.ge [sflag:s7], $0x3E80  }
0x24f: {  	[sflag:s7] =	ssyncset.done $0x0  }
0x250: {  	[sflag:s7] =	ssyncadd.s32 $0xFFFFC180  }
0x251: {  	_ =	swait.ge [sflag:s7], $0x3E80  }
0x252: {  	[sflag:s7] =	ssyncset.done $0x0  }
0x253: {  	[sflag:s7] =	ssyncadd.s32 $0xFFFFC180  }
0x254: {  	_ =	swait.ge [sflag:s8], $0x3E80  }
0x255: {  	[sflag:s8] =	ssyncset.done $0x0  }
0x256: {  	[sflag:s8] =	ssyncadd.s32 $0xFFFFC180  }
0x257: {  	_ =	swait.ge [sflag:s8], $0x3E80  }
0x258: {  	[sflag:s8] =	ssyncset.done $0x0  }
0x259: {  	[sflag:s8] =	ssyncadd.s32 $0xFFFFC180  }
0x25a: {  	[tilespmem:s9], [sflag:$0x1] =	stream.indirect.gather [hbm4b:s5+s6], $0x20, s24, s6, $0xb8;
	[tilespmem:$0x198C0] =	vst v63  }
0x25b: {  	_ = 	snop  }
0x25c: {  	[tilespmem:s10], [sflag:$0x1] =	stream.indirect.gather [hbm4b:s5+s6], $0x20, s25, s6, $0xb8;
	[tilespmem:$0x198C0] =	vst v63  }
0x25d: {  	_ = 	snop  }
0x25e: {  	[spmem:s2] =	stream.indirect.scatter.add.f32 [tilespmem:s11], [sflag:$0x2], $0x20, s26, s6, $0xb8;
	[tilespmem:$0x198C0] =	vst v63  }
0x25f: {  	_ = 	snop  }
0x260: {  	[spmem:s2] =	stream.indirect.scatter.add.f32 [tilespmem:s12], [sflag:$0x2], $0x20, s28, s6, $0xb8;
	[tilespmem:$0x198C0] =	vst v63  }
0x261: {  	_ =	swait.ge [sflag:s7], $0x3E80  }
0x262: {  	[sflag:s7] =	ssyncset.done $0x0  }
0x263: {  	[sflag:s7] =	ssyncadd.s32 $0xFFFFC180  }
0x264: {  	_ =	swait.ge [sflag:s7], $0x3E80  }
0x265: {  	[sflag:s7] =	ssyncset.done $0x0  }
0x266: {  	[sflag:s7] =	ssyncadd.s32 $0xFFFFC180  }
0x267: {  	_ =	swait.ge [sflag:s8], $0x3E80  }
0x268: {  	[sflag:s8] =	ssyncset.done $0x0  }
0x269: {  	[sflag:s8] =	ssyncadd.s32 $0xFFFFC180  }
0x26a: {  	_ =	swait.ge [sflag:s8], $0x3E80  }
0x26b: {  	[sflag:s8] =	ssyncset.done $0x0  }
0x26c: {  	[sflag:s8] =	ssyncadd.s32 $0xFFFFC180  }
0x26d: {  	[tilespmem:s11], [sflag:$0x1] =	stream.indirect.gather [hbm4b:s5+s6], $0x20, s20, s6, $0xb8;
	[tilespmem:$0x198C0] =	vst v63  }
0x26e: {  	_ = 	snop  }
0x26f: {  	[tilespmem:s12], [sflag:$0x1] =	stream.indirect.gather [hbm4b:s5+s6], $0x20, s21, s6, $0xb8;
	[tilespmem:$0x198C0] =	vst v63  }
0x270: {  	_ = 	snop  }
0x271: {  	[spmem:s2] =	stream.indirect.scatter.add.f32 [tilespmem:s9], [sflag:$0x2], $0x20, s22, s6, $0xb8;
	[tilespmem:$0x198C0] =	vst v63  }
0x272: {  	_ = 	snop  }
0x273: {  	[spmem:s2] =	stream.indirect.scatter.add.f32 [tilespmem:s10], [sflag:$0x2], $0x20, s23, s6, $0xb8;
	[tilespmem:$0x198C0] =	vst v63  }
0x274: {  	_ =	swait.ge [sflag:s7], $0x3E80  }
0x275: {  	[sflag:s7] =	ssyncset.done $0x0  }
0x276: {  	[sflag:s7] =	ssyncadd.s32 $0xFFFFC180  }
0x277: {  	_ =	swait.ge [sflag:s7], $0x3E80  }
0x278: {  	[sflag:s7] =	ssyncset.done $0x0  }
0x279: {  	[sflag:s7] =	ssyncadd.s32 $0xFFFFC180  }
0x27a: {  	_ =	swait.ge [sflag:s8], $0x3E80  }
0x27b: {  	[sflag:s8] =	ssyncset.done $0x0  }
0x27c: {  	[sflag:s8] =	ssyncadd.s32 $0xFFFFC180  }
0x27d: {  	_ =	swait.ge [sflag:s8], $0x3E80  }
0x27e: {  	[sflag:s8] =	ssyncset.done $0x0  }
0x27f: {  	[sflag:s8] =	ssyncadd.s32 $0xFFFFC180  }
0x280: {  	[tilespmem:s9], [sflag:$0x1] =	stream.indirect.gather [hbm4b:s5+s6], $0x20, s16, s6, $0xb8;
	[tilespmem:$0x198C0] =	vst v63  }
0x281: {  	_ = 	snop  }
0x282: {  	[tilespmem:s10], [sflag:$0x1] =	stream.indirect.gather [hbm4b:s5+s6], $0x20, s17, s6, $0xb8;
	[tilespmem:$0x198C0] =	vst v63  }
0x283: {  	_ = 	snop  }
0x284: {  	[spmem:s2] =	stream.indirect.scatter.add.f32 [tilespmem:s11], [sflag:$0x2], $0x20, s18, s6, $0xb8;
	[tilespmem:$0x198C0] =	vst v63  }
0x285: {  	_ = 	snop  }
0x286: {  	[spmem:s2] =	stream.indirect.scatter.add.f32 [tilespmem:s12], [sflag:$0x2], $0x20, s19, s6, $0xb8;
	[tilespmem:$0x198C0] =	vst v63  }
0x287: {  	_ =	swait.ge [sflag:s7], $0x3E80  }
0x288: {  	[sflag:s7] =	ssyncset.done $0x0  }
0x289: {  	[sflag:s7] =	ssyncadd.s32 $0xFFFFC180  }
0x28a: {  	_ =	swait.ge [sflag:s7], $0x3E80  }
0x28b: {  	[sflag:s7] =	ssyncset.done $0x0  }
0x28c: {  	[sflag:s7] =	ssyncadd.s32 $0xFFFFC180  }
0x28d: {  	_ =	swait.ge [sflag:s8], $0x3E80  }
0x28e: {  	[sflag:s8] =	ssyncset.done $0x0  }
0x28f: {  	[sflag:s8] =	ssyncadd.s32 $0xFFFFC180  }
0x290: {  	_ =	swait.ge [sflag:s8], $0x3E80  }
0x291: {  	[sflag:s8] =	ssyncset.done $0x0  }
0x292: {  	s28 =	simm.s32 $0x4AD0;
	[sflag:s8] =	ssyncadd.s32 $0xFFFFC180  }
0x293: {  	[spmem:s2] =	stream.indirect.scatter.add.f32 [tilespmem:s9], [sflag:$0x2], $0x20, s28, s6, $0xb8;
	[tilespmem:$0x198C0] =	vst v63  }
0x294: {  	s29 =	simm.s32 $0x4CC8  }
0x295: {  	[spmem:s2] =	stream.indirect.scatter.add.f32 [tilespmem:s10], [sflag:$0x2], $0x20, s29, s6, $0xb8;
	[tilespmem:$0x198C0] =	vst v63  }
0x296: {  	_ =	swait.ge [sflag:s8], $0x3E80  }
0x297: {  	[sflag:s8] =	ssyncset.done $0x0  }
0x298: {  	[sflag:s8] =	ssyncadd.s32 $0xFFFFC180  }
0x299: {  	_ =	swait.ge [sflag:s8], $0x3E80  }
0x29a: {  	[sflag:s8] =	ssyncset.done $0x0  }
0x29b: {  	[sflag:s8] =	ssyncadd.s32 $0xFFFFC180  }
0x29c: {  	[bflag:$0x0] =	sbarrier.arrive $0xFFFF  }
0x29d: {  	s31 =	sor.u32 $0x1C03, s31;
	s30 =	rddreg [dreg:$0x7]  }
0x29e: {  	[hbm:s30], [sflag:s31] =	dma.local [spmem:s4], $0xA00  }
0x29f: {  	_ =	swait.ge [sflag:s13], $0xA00  }
0x2a0: {  	[sflag:s13] =	ssyncset.done $0x0  }
0x2a1: {  	[sflag:s13] =	ssyncadd.s32 $0xFFFFF600  }
0x2a2: {  	_ =	sfence.sel $0x180000  }
0x2a3: {  	[bflag:$0x0] =	sbarrier.arrive $0xFFFF  }
0x2a4: {  	p0 =	sne.s32 s14, $0x0;
	_ =	strace $0x9000004D  }
0x2a5: {  	s0 =	sadd.s32 @!p0 $0x100000, s15;
	[bflag:$0x2] =	sbarrier.arrive $0xFFFF  }
0x2a6: {  	[sflag:s0] =	ssyncadd.tile.s32 @!p0 $0x1;
	_ =	shalt  }
.LBB2_2:
.Ltmp3:
0x2a7: {  	(pc) =	sbr.rel .LBB2_5-.Ltmp3, $3  }
0x2a8: {  	_ =	sdelay $0x1  }
0x2a9: {  	s15 =	rddreg [dreg:$0x2]  }
0x2aa: {  	s14 =	stileid.u32;
	s31 =	sld [smem:$0x7FD]  }
.Lfunc_end2:
_tile_overlayer_lowered:
.L_overlay_start_2:
0x2ab: {  	(tag) =	ssettag $0x2  }
0x2ac: {  	s0 =	rddreg [dreg:$0x0];
	s2 =	stileid.u32  }
0x2ad: {  	s1 =	rddreg [dreg:$0x1];
	p0 =	sne.s32 s2, $0x0  }
0x2ae: {  	s3 =	rddreg [dreg:$0x2];
	[bflag:$0x3] =	sbarrier.arrive $0xFFFF;
	s2 =	simm.s32 @!p0 $0x1C03  }
0x2af: {  	[timem:s3], [sflag:s2] =	dma.local @!p0 [hbm:s0], s1  }
0x2b0: {  	s0 =	simm.s32 @!p0 $0x3  }
0x2b1: {  	_ =	swait.ge @!p0 [sflag:s0], s1  }
0x2b2: {  	s1 =	ssub.s32 @!p0 $0x0, s1;
	[sflag:s0] =	ssyncset.done @!p0 $0x0  }
0x2b3: {  	[sflag:s0] =	ssyncadd.s32 @!p0 s1  }
0x2b4: {  	[bflag:$0x3] =	sbarrier.arrive $0xFFFF  }
0x2b5: {  	_ =	shalt  }

// kernel: kernel.9.cloned.1.call-start
scs
__scs_entry_jumppad:
0x0: {  	(pc) =	sbr.rel $0x88, $3  }
0x1: {  	(tag) =	ssettag $0x0;
	lr =	simm.s32 $0x1  }
0x2: {  	[smem:$0x3F99] =	sst lr;
	_ =	strace $0xD0000000  }
0x3: {  	_ = 	snop  }
0x4: {  	_ = 	snop  }
0x5: {  	_ = 	snop  }
0x6: {  	_ = 	snop  }
0x7: {  	_ = 	snop  }
__scs_overlays_trampoline_lowered:
0x8: {  	[smem:$0x3FA8] =	sst s0  }
0x9: {  	[smem:$0x3FA9] =	sst s1  }
0xa: {  	[smem:$0x3FAA] =	sst s2  }
0xb: {  	[smem:$0x3FAB] =	sst s3  }
0xc: {  	[smem:$0x3FAC] =	sst s4  }
0xd: {  	[smem:$0x3FAD] =	sst s5  }
0xe: {  	[smem:$0x3FAE] =	sst s6  }
0xf: {  	[smem:$0x3FAF] =	sst s7  }
0x10: {  	[smem:$0x3FB0] =	sst s8  }
0x11: {  	[smem:$0x3FB1] =	sst s9;
	s0 =	simm.s32 @!p0 $0x0  }
0x12: {  	s1 =	sld [smem:$0x3F97];
	s0 =	simm.s32 @p0 $0x1  }
0x13: {  	[smem:$0x3FB2] =	sst s0;
	s0 =	simm.s32 @!p1 $0x0  }
0x14: {  	s2 =	sld [smem:$0x3F96];
	s0 =	simm.s32 @p1 $0x1  }
0x15: {  	[smem:$0x3FB3] =	sst s0;
	s0 =	simm.s32 @!p2 $0x0  }
0x16: {  	s3 =	sld [smem:$0x3FDB];
	s0 =	simm.s32 @p2 $0x1  }
0x17: {  	s4 =	simm.s32 $0x1BF5;
	[smem:$0x3FB5] =	sst s0  }
0x18: {  	s0 =	sld [smem:$0x3F98];
	_ =	swait.ge [sflag:s4], $0x0  }
0x19: {  	s7 =	sld [smem:$0x3F99]  }
0x1a: {  	s8 =	sadd.s32 $0xFFFFE003, lr  }
0x1b: {  	s9 =	sadd.s32 $0xFFFFFEF7, lr;
	s5 =	simm.s32 $0xFFFFFFFF;
	p2 =	slt.u32 s8, $0xFFFFF086  }
0x1c: {  	p1 =	slt.u32 s9, $0xF7A;
	s5 =	simm.s32 @!p2 $0x0  }
0x1d: {  	s5 =	simm.s32 @p1 $0x1;
	p0 =	seq.s32 s7, s2  }
0x1e: {  	s7 =	smul.u32 @!p0 $0xF7A, s2;
	p2 =	seq.s32 @!p0 s5, $0x0  }
0x1f: {  	s9 =	smul.u32 $0xF7A, s1;
	s8 =	simm.s32 @!p0 $0x1BF5;
	p2 =	por !p2, p0  }
0x20: {  	[sflag:s8] =	ssyncset.s32 @!p0 $0xFFFFF086;
	s6 =	sadd.s32 @!p0 s3, s7;
	s7 =	simm.s32 @!p0 $0x108  }
0x21: {  	s3 =	sadd.s32 s3, s9;
	s6 =	sadd.s32 @!p0 $0x88, s6;
	s7 =	simm.s32 @p2 $0x1082  }
0x22: {  	[simem:s7], [sflag:s8] =	dma.local @!p0 [hbm:s6], $0xF7A  }
0x23: {  	s9 =	sor.u32 $0xD0000000, s2;
	s6 =	simm.s32 $0x108;
	_ =	swait.ge @!p0 [sflag:s8], $0x0  }
0x24: {  	s3 =	sadd.s32 $0x88, s3;
	s6 =	simm.s32 @!p1 $0x1082;
	[sflag:s4] =	ssyncset.s32 $0xFFFFF086  }
0x25: {  	[simem:s6], [sflag:s4] =	dma.local [hbm:s3], $0xF7A  }
0x26: {  	[smem:$0x3F99] =	sst s1;
	(tag) =	ssettag s2;
	_ =	strace s9  }
0x27: {  	s1 =	sld [smem:$0x3FA9]  }
0x28: {  	s2 =	sld [smem:$0x3FAA]  }
0x29: {  	s4 =	sld [smem:$0x3FAC]  }
0x2a: {  	p0 =	seq.s32 s5, $0x0;
	s5 =	sld [smem:$0x3FAD]  }
0x2b: {  	s6 =	sld [smem:$0x3FAE]  }
0x2c: {  	s7 =	sld [smem:$0x3FAF]  }
0x2d: {  	s3 =	simm.s32 $0x108;
	s8 =	sld [smem:$0x3FB0]  }
0x2e: {  	s3 =	simm.s32 @!p0 $0x1082;
	s9 =	sld [smem:$0x3FB1]  }
0x2f: {  	lr =	sadd.s32 s0, s3;
	s0 =	sld [smem:$0x3FA8]  }
0x30: {  	s3 =	sld [smem:$0x3FAB]  }
0x31: {  	[smem:$0x3FB4] =	sst s10  }
0x32: {  	s10 =	sld [smem:$0x3FB2];
	_ =	sdelay $0x3  }
0x33: {  	p0 =	seq.s32 s10, $0x1;
	s10 =	sld [smem:$0x3FB4];
	_ =	sdelay $0x3  }
0x34: {  	[smem:$0x3FB4] =	sst s10  }
0x35: {  	s10 =	sld [smem:$0x3FB3];
	_ =	sdelay $0x3  }
0x36: {  	p1 =	seq.s32 s10, $0x1;
	s10 =	sld [smem:$0x3FB4];
	_ =	sdelay $0x3  }
0x37: {  	[smem:$0x3FB4] =	sst s10  }
0x38: {  	s10 =	sld [smem:$0x3FB5]  }
0x39: {  	_ = 	snop;
	(pc) =	sbr.ind lr, $3  }
0x3a: {  	_ = 	snop  }
0x3b: {  	_ = 	snop  }
0x3c: {  	p2 =	seq.s32 s10, $0x1;
	s10 =	sld [smem:$0x3FB4]  }
0x3d: {  	_ =	shalt  }
0x3e: {  	_ =	shalt  }
0x3f: {  	_ =	shalt  }
0x40: {  	_ =	shalt  }
0x41: {  	_ =	shalt  }
0x42: {  	_ =	shalt  }
0x43: {  	_ =	shalt  }
0x44: {  	_ =	shalt  }
0x45: {  	_ =	shalt  }
0x46: {  	_ =	shalt  }
0x47: {  	_ =	shalt  }
0x48: {  	_ =	shalt  }
0x49: {  	_ =	shalt  }
0x4a: {  	_ =	shalt  }
0x4b: {  	_ =	shalt  }
0x4c: {  	_ =	shalt  }
0x4d: {  	_ =	shalt  }
0x4e: {  	_ =	shalt  }
0x4f: {  	_ =	shalt  }
0x50: {  	_ =	shalt  }
0x51: {  	_ =	shalt  }
0x52: {  	_ =	shalt  }
0x53: {  	_ =	shalt  }
0x54: {  	_ =	shalt  }
0x55: {  	_ =	shalt  }
0x56: {  	_ =	shalt  }
0x57: {  	_ =	shalt  }
0x58: {  	_ =	shalt  }
0x59: {  	_ =	shalt  }
0x5a: {  	_ =	shalt  }
0x5b: {  	_ =	shalt  }
0x5c: {  	_ =	shalt  }
0x5d: {  	_ =	shalt  }
0x5e: {  	_ =	shalt  }
0x5f: {  	_ =	shalt  }
0x60: {  	_ =	shalt  }
0x61: {  	_ =	shalt  }
0x62: {  	_ =	shalt  }
0x63: {  	_ =	shalt  }
0x64: {  	_ =	shalt  }
0x65: {  	_ =	shalt  }
0x66: {  	_ =	shalt  }
0x67: {  	_ =	shalt  }
0x68: {  	_ =	shalt  }
0x69: {  	_ =	shalt  }
0x6a: {  	_ =	shalt  }
0x6b: {  	_ =	shalt  }
0x6c: {  	_ =	shalt  }
0x6d: {  	_ =	shalt  }
0x6e: {  	_ =	shalt  }
0x6f: {  	_ =	shalt  }
0x70: {  	_ =	shalt  }
0x71: {  	_ =	shalt  }
0x72: {  	_ =	shalt  }
0x73: {  	_ =	shalt  }
0x74: {  	_ =	shalt  }
0x75: {  	_ =	shalt  }
0x76: {  	_ =	shalt  }
0x77: {  	_ =	shalt  }
0x78: {  	_ =	shalt  }
0x79: {  	_ =	shalt  }
0x7a: {  	_ =	shalt  }
0x7b: {  	_ =	shalt  }
0x7c: {  	_ =	shalt  }
0x7d: {  	_ =	shalt  }
0x7e: {  	_ =	shalt  }
0x7f: {  	_ =	shalt  }
0x80: {  	_ =	shalt  }
0x81: {  	_ =	shalt  }
0x82: {  	_ =	shalt  }
0x83: {  	_ =	shalt  }
0x84: {  	_ =	shalt  }
0x85: {  	_ =	shalt  }
0x86: {  	_ =	shalt  }
0x87: {  	_ =	shalt  }
.Lfunc_end0:
.L_simem_size_0:
called_computation_lowered:
.L_overlay_start_0:
0x88: {  	s2 =	sld [smem:$0x3FD9]  }
0x89: {  	s3 =	sld [smem:$0x3FFE];
	_ =	sdelay $0x1  }
0x8a: {  	s1 =	srdreg.scid  }
0x8b: {  	s0 =	sand.u32 $0x1, s1  }
0x8c: {  	s17 =	sshll.u32 s0, $0xA;
	s2 =	sadd.s32 s3, s2  }
0x8d: {  	s2 =	sadd.s32 s2, s17  }
0x8e: {  	[smem:$0x3FC0] =	sst s2  }
0x8f: {  	_ = 	snop  }
0x90: {  	s2 =	sld [smem:$0x3FD0];
	(tm) =	ssettm $0x1  }
0x91: {  	s18 =	sld [smem:$0x3FFB];
	_ =	sdelay $0x3  }
0x92: {  	_ =	strace s18  }
0x93: {  	s3 =	sld [smem:$0x3FFC];
	_ =	sdelay $0x3  }
0x94: {  	_ =	strace s3  }
0x95: {  	s3 =	sld [smem:$0x3FFD];
	_ =	sdelay $0x3  }
0x96: {  	_ =	strace s3  }
0x97: {  	_ =	strace $0x8FFFFFFF  }
0x98: {  	s19 =	sld [smem:$0x3FDB];
	_ =	sdelay $0x1  }
0x99: {  	s4 =	simm.s32 $_scs_section_size  }
0x9a: {  	s5 =	simm.s32 $_size__tile_overlayer_lowered;
	s6 =	simm.s32 $_tile_overlayer_lowered  }
0x9b: {  	s22 =	simm.s32 $0x1BFF;
	s21 =	sshll.u32 s6, $0x1;
	s3 =	sadd.s32 s4, s19  }
0x9c: {  	s7 =	simm.s32 $0x0;
	s20 =	sshll.u32 s5, $0x1;
	s5 =	sadd.s32 s21, s3  }
0x9d: {  	[timem:s7], [sflag:s22] =	dma.local [hbm:s5], s20  }
0x9e: {  	_ =	swait.ge [sflag:s22], s20  }
0x9f: {  	s4 =	ssub.s32 $0x0, s20;
	[sflag:s22] =	ssyncset.done $0x0  }
0xa0: {  	[sflag:s22] =	ssyncadd.s32 s4;
	_ =	sdelay $0x1  }
0xa1: {  	s23 =	simm.s32 $0x1B8B  }
0xa2: {  	_ =	swait.ge [sflag:s23], $0x1  }
0xa3: {  	[sflag:s23] =	ssyncset.done $0x0  }
0xa4: {  	s25 =	simm.s32 $0x1B8E;
	s24 =	sld [smem:$0x3FFE];
	[sflag:s23] =	ssyncadd.s32 $0xFFFFFFFF  }
0xa5: {  	s26 =	simm.s32 $execute0_lowered;
	[smem:$0x3FD2] =	sst s25  }
0xa6: {  	s5 =	sshll.u32 s26, $0x1;
	_ =	strace $0x80000046;
	[dreg:$0x1] =	wrdreg $0xFFFFFFFF  }
0xa7: {  	s28 =	simm.s32 $_size_execute0_lowered;
	s3 =	sadd.s32 s3, s5;
	[dreg:$0x0] =	wrdreg $0x0  }
0xa8: {  	s5 =	sshll.u32 s28, $0x1;
	[dreg:$0x2] =	wrdreg s3  }
0xa9: {  	[dreg:$0x3] =	wrdreg s5  }
0xaa: {  	[dreg:$0x4] =	wrdreg $0xC0  }
0xab: {  	_ =	task [dreg:s7], $0x5FFFF  }
0xac: {  	[dreg:$0x1] =	wrdreg $0xFFFFFFFF  }
0xad: {  	[dreg:$0x0] =	wrdreg $0x60  }
0xae: {  	[dreg:$0x2] =	wrdreg s24  }
0xaf: {  	[dreg:$0x3] =	wrdreg s2  }
0xb0: {  	[dreg:$0x4] =	wrdreg $0x37000  }
0xb1: {  	[dreg:$0x5] =	wrdreg $0x9  }
0xb2: {  	_ =	task.clear_ibuf [dreg:s7], $0x6FFFF;
	_ =	strace $0x90000046  }
0xb3: {  	s29 =	simm.s32 $0x9;
	_ =	strace $0x80000048  }
0xb4: {  	_ =	swait.ge [sflag:s29], $0x1  }
0xb5: {  	[sflag:s29] =	ssyncadd.s32 $0xFFFFFFFF  }
0xb6: {  	_ =	strace $0x90000048  }
0xb7: {  	_ =	sfence  }
0xb8: {  	s30 =	sld [smem:$0x0];
	_ =	sdelay $0x2  }
0xb9: {  	s31 =	sshll.u32 s1, $0xD;
	s1 =	sshrl.u32 s1, $0x2  }
0xba: {  	s3 =	sand.u32 $0x4000, s31;
	s1 =	sadd.s32 s1, s30  }
0xbb: {  	s0 =	sor.u32 s3, s0;
	s1 =	sshll.u32 s1, $0x11  }
0xbc: {  	s0 =	sor.u32 s1, s0  }
0xbd: {  	s0 =	sadd.s32 $0x8F2B, s0  }
0xbe: {  	[sflag:s0] =	ssyncadd.remote.s32 $0x1  }
0xbf: {  	_ =	sfence.sel $0xFFFF  }
0xc0: {  	[dreg:$0x0] =	wrdreg $0xFFFFFFFF;
	(pc) =	sbr.abs _section_cstart, $3  }
0xc1: {  	[dreg:$0x1] =	wrdreg $0xFFFFFFFF  }
0xc2: {  	_ =	task.clear_ibuf [dreg:s7], $0x2FFFF;
	_ =	strace $0x9FFFFFFF  }
0xc3: {  	(tm) =	ssettm $0x7FFFFFFF  }
tec
execute0_lowered:
.L_overlay_start_1:
0x0: {  	(tag) =	ssettag $0x1  }
0x1: {  	s0 =	rddreg [dreg:$0x0]  }
0x2: {  	s1 =	rddreg [dreg:$0x1]  }
0x3: {  	s2 =	rddreg [dreg:$0x2]  }
0x4: {  	s10 =	rddreg [dreg:$0x3]  }
0x5: {  	s7 =	srdreg.scid;
	s11 =	stileid.u32;
	s18 =	simm.s32 $0x0  }
0x6: {  	s28 =	simm.s32 $0x1F8;
	s29 =	simm.s32 $0x3F0;
	s30 =	simm.s32 $0x5E8  }
0x7: {  	s23 =	simm.s32 $0x7E0;
	s24 =	simm.s32 $0x9D8;
	s25 =	simm.s32 $0xBD0  }
0x8: {  	s26 =	simm.s32 $0xDC8;
	s19 =	simm.s32 $0xFC0;
	s20 =	simm.s32 $0x11B8  }
0x9: {  	s21 =	simm.s32 $0x13B0;
	s22 =	simm.s32 $0x15A8;
	s14 =	simm.s32 $0x17A0  }
0xa: {  	s15 =	simm.s32 $0x1998;
	s16 =	simm.s32 $0x1B90;
	s17 =	simm.s32 $0x1D88  }
0xb: {  	p0 =	por $0x0, $0x0;
	[dreg:$0x5] =	wrdreg s1;
	s1 =	sand.u32 $0x1, s7  }
0xc: {  	s4 =	smul.u32 $0x1400, s11;
	s3 =	sshll.u32 s11, $0x1;
	[smem:$0x7FF] =	sst s18  }
0xd: {  	s6 =	sadd.s32 $0x16400, s0;
	s31 =	sshll.u32 s11, $0x6;
	s7 =	simm.s32 $0x2760  }
0xe: {  	s5 =	smul.u32 $0x14000, s1;
	s3 =	sor.u32 s1, s3;
	s1 =	ssub.s32 $0x2, s1  }
0xf: {  	_ =	strace $0x80000047;
	[dreg:$0x4] =	wrdreg s6;
	s8 =	sshrl.u32 s1, $0x1  }
0x10: {  	s9 =	sor.u32 $0x1C01, s31;
	s6 =	simm.s32 $0x1;
	s1 =	ssub.s32 s1, s8  }
0x11: {  	s3 =	smul.u32 $0x2760, s3;
	s12 =	sadd.s32 s4, s2;
	s13 =	smax.u32 s1, $0x1  }
0x12: {  	[dreg:$0x7] =	wrdreg s9;
	s5 =	sadd.s32 s4, s5;
	p1 =	sne.s32 s13, $0x1  }
.Ltmp0:
0x13: {  	s5 =	sshrl.u32 s5, $0x3;
	s3 =	sshrl.u32 s3, $0x3;
	(pc) =	sbr.rel @!p1 .LBB2_5-.Ltmp0, $4  }
0x14: {  	s9 =	simm.s32 $0x2;
	s5 =	sadd.s32 s5, s0;
	s0 =	sadd.s32 s0, s3  }
0x15: {  	s8 =	simm.s32 $0x1F4;
	s1 =	rddreg [dreg:$0x7];
	s0 =	sadd.s32 $0xC580, s0  }
0x16: {  	s4 =	sadd.s32 $0x16600, s5;
	s5 =	sshrl.u32 s12, $0x3;
	s12 =	simm.s32 $0x2370  }
0x17: {  	[dreg:$0x6] =	wrdreg s0;
	s0 =	sadd.s32 $0xFFFFFFFF, s13;
	s13 =	simm.s32 $0x2568  }
0x18: {  	s10 =	smov.u32 s31;
	s31 =	rddreg [dreg:$0x6]  }
0x19: {  	s3 =	rddreg [dreg:$0x4]  }
0x1a: {  	[tilespmem:s18], [sflag:$0x1] =	stream.linear.gather [hbm4b:s31+s18], $0x2760, $0x38;
	[tilespmem:$0x4B00] =	vst v63  }
0x1b: {  	s31 =	rddreg [dreg:$0x5]  }
0x1c: {  	[tilespmem:s7], [sflag:$0x1] =	stream.linear.gather [hbm4b:s3+s18], $0xFA0, $0x38;
	[tilespmem:$0x4B00] =	vst v63  }
0x1d: {  	[spmem:s5], [sflag:s1] =	dma.local [hbm:s31], $0x280  }
0x1e: {  	_ =	swait.ge [sflag:s6], $0x2760  }
0x1f: {  	[sflag:s6] =	ssyncset.done $0x0  }
0x20: {  	[sflag:s6] =	ssyncadd.s32 $0xFFFFD8A0  }
0x21: {  	_ =	swait.ge [sflag:s6], $0xFA0  }
0x22: {  	[sflag:s6] =	ssyncset.done $0x0  }
0x23: {  	[sflag:s6] =	ssyncadd.s32 $0xFFFFF060  }
0x24: {  	_ =	swait.ge [sflag:s6], $0x280  }
0x25: {  	[sflag:s6] =	ssyncset.done $0x0  }
0x26: {  	[sflag:s6] =	ssyncadd.s32 $0xFFFFFD80  }
0x27: {  	[bflag:$0x0] =	sbarrier.arrive $0xFFFF  }
0x28: {  	[spmem:s2] =	stream.indirect.scatter.add.f32 [tilespmem:s7], [sflag:$0x1], $0x8, s18, s8, $0xb8;
	[tilespmem:$0x4B00] =	vst v63  }
0x29: {  	_ = 	snop  }
0x2a: {  	[spmem:s2] =	stream.indirect.scatter.add.f32 [tilespmem:s7], [sflag:$0x1], $0x8, s28, s8, $0xb8;
	[tilespmem:$0x4B00] =	vst v63  }
0x2b: {  	_ = 	snop  }
0x2c: {  	[spmem:s2] =	stream.indirect.scatter.add.f32 [tilespmem:s7], [sflag:$0x1], $0x8, s29, s8, $0xb8;
	[tilespmem:$0x4B00] =	vst v63  }
0x2d: {  	_ = 	snop  }
0x2e: {  	[spmem:s2] =	stream.indirect.scatter.add.f32 [tilespmem:s7], [sflag:$0x1], $0x8, s30, s8, $0xb8;
	[tilespmem:$0x4B00] =	vst v63  }
0x2f: {  	_ =	swait.ge [sflag:s6], $0xFA0  }
0x30: {  	[sflag:s6] =	ssyncset.done $0x0  }
0x31: {  	[sflag:s6] =	ssyncadd.s32 $0xFFFFF060  }
0x32: {  	_ =	swait.ge [sflag:s6], $0xFA0  }
0x33: {  	[sflag:s6] =	ssyncset.done $0x0  }
0x34: {  	[sflag:s6] =	ssyncadd.s32 $0xFFFFF060  }
0x35: {  	_ =	swait.ge [sflag:s6], $0xFA0  }
0x36: {  	[sflag:s6] =	ssyncset.done $0x0  }
0x37: {  	[sflag:s6] =	ssyncadd.s32 $0xFFFFF060  }
0x38: {  	_ =	swait.ge [sflag:s6], $0xFA0  }
0x39: {  	[sflag:s6] =	ssyncset.done $0x0  }
0x3a: {  	[sflag:s6] =	ssyncadd.s32 $0xFFFFF060  }
0x3b: {  	[spmem:s2] =	stream.indirect.scatter.add.f32 [tilespmem:s7], [sflag:$0x1], $0x8, s23, s8, $0xb8;
	[tilespmem:$0x4B00] =	vst v63  }
0x3c: {  	_ = 	snop  }
0x3d: {  	[spmem:s2] =	stream.indirect.scatter.add.f32 [tilespmem:s7], [sflag:$0x1], $0x8, s24, s8, $0xb8;
	[tilespmem:$0x4B00] =	vst v63  }
0x3e: {  	_ = 	snop  }
0x3f: {  	[spmem:s2] =	stream.indirect.scatter.add.f32 [tilespmem:s7], [sflag:$0x1], $0x8, s25, s8, $0xb8;
	[tilespmem:$0x4B00] =	vst v63  }
0x40: {  	_ = 	snop  }
0x41: {  	[spmem:s2] =	stream.indirect.scatter.add.f32 [tilespmem:s7], [sflag:$0x1], $0x8, s26, s8, $0xb8;
	[tilespmem:$0x4B00] =	vst v63  }
0x42: {  	_ =	swait.ge [sflag:s6], $0xFA0  }
0x43: {  	[sflag:s6] =	ssyncset.done $0x0  }
0x44: {  	[sflag:s6] =	ssyncadd.s32 $0xFFFFF060  }
0x45: {  	_ =	swait.ge [sflag:s6], $0xFA0  }
0x46: {  	[sflag:s6] =	ssyncset.done $0x0  }
0x47: {  	[sflag:s6] =	ssyncadd.s32 $0xFFFFF060  }
0x48: {  	_ =	swait.ge [sflag:s6], $0xFA0  }
0x49: {  	[sflag:s6] =	ssyncset.done $0x0  }
0x4a: {  	[sflag:s6] =	ssyncadd.s32 $0xFFFFF060  }
0x4b: {  	_ =	swait.ge [sflag:s6], $0xFA0  }
0x4c: {  	[sflag:s6] =	ssyncset.done $0x0  }
0x4d: {  	[sflag:s6] =	ssyncadd.s32 $0xFFFFF060  }
0x4e: {  	[spmem:s2] =	stream.indirect.scatter.add.f32 [tilespmem:s7], [sflag:$0x1], $0x8, s19, s8, $0xb8;
	[tilespmem:$0x4B00] =	vst v63  }
0x4f: {  	_ = 	snop  }
0x50: {  	[spmem:s2] =	stream.indirect.scatter.add.f32 [tilespmem:s7], [sflag:$0x1], $0x8, s20, s8, $0xb8;
	[tilespmem:$0x4B00] =	vst v63  }
0x51: {  	_ = 	snop  }
0x52: {  	[spmem:s2] =	stream.indirect.scatter.add.f32 [tilespmem:s7], [sflag:$0x1], $0x8, s21, s8, $0xb8;
	[tilespmem:$0x4B00] =	vst v63  }
0x53: {  	_ = 	snop  }
0x54: {  	[spmem:s2] =	stream.indirect.scatter.add.f32 [tilespmem:s7], [sflag:$0x1], $0x8, s22, s8, $0xb8;
	[tilespmem:$0x4B00] =	vst v63  }
0x55: {  	_ =	swait.ge [sflag:s6], $0xFA0  }
0x56: {  	[sflag:s6] =	ssyncset.done $0x0  }
0x57: {  	[sflag:s6] =	ssyncadd.s32 $0xFFFFF060  }
0x58: {  	_ =	swait.ge [sflag:s6], $0xFA0  }
0x59: {  	[sflag:s6] =	ssyncset.done $0x0  }
0x5a: {  	[sflag:s6] =	ssyncadd.s32 $0xFFFFF060  }
0x5b: {  	_ =	swait.ge [sflag:s6], $0xFA0  }
0x5c: {  	[sflag:s6] =	ssyncset.done $0x0  }
0x5d: {  	[sflag:s6] =	ssyncadd.s32 $0xFFFFF060  }
0x5e: {  	_ =	swait.ge [sflag:s6], $0xFA0  }
0x5f: {  	[sflag:s6] =	ssyncset.done $0x0  }
0x60: {  	[sflag:s6] =	ssyncadd.s32 $0xFFFFF060  }
0x61: {  	[spmem:s2] =	stream.indirect.scatter.add.f32 [tilespmem:s7], [sflag:$0x1], $0x8, s14, s8, $0xb8;
	[tilespmem:$0x4B00] =	vst v63  }
0x62: {  	_ = 	snop  }
0x63: {  	[spmem:s2] =	stream.indirect.scatter.add.f32 [tilespmem:s7], [sflag:$0x1], $0x8, s15, s8, $0xb8;
	[tilespmem:$0x4B00] =	vst v63  }
0x64: {  	_ = 	snop  }
0x65: {  	[spmem:s2] =	stream.indirect.scatter.add.f32 [tilespmem:s7], [sflag:$0x1], $0x8, s16, s8, $0xb8;
	[tilespmem:$0x4B00] =	vst v63  }
0x66: {  	_ = 	snop  }
0x67: {  	[spmem:s2] =	stream.indirect.scatter.add.f32 [tilespmem:s7], [sflag:$0x1], $0x8, s17, s8, $0xb8;
	[tilespmem:$0x4B00] =	vst v63  }
0x68: {  	_ =	swait.ge [sflag:s6], $0xFA0  }
0x69: {  	[sflag:s6] =	ssyncset.done $0x0  }
0x6a: {  	[sflag:s6] =	ssyncadd.s32 $0xFFFFF060  }
0x6b: {  	_ =	swait.ge [sflag:s6], $0xFA0  }
0x6c: {  	[sflag:s6] =	ssyncset.done $0x0  }
0x6d: {  	[sflag:s6] =	ssyncadd.s32 $0xFFFFF060  }
0x6e: {  	_ =	swait.ge [sflag:s6], $0xFA0  }
0x6f: {  	[sflag:s6] =	ssyncset.done $0x0  }
0x70: {  	[sflag:s6] =	ssyncadd.s32 $0xFFFFF060  }
0x71: {  	_ =	swait.ge [sflag:s6], $0xFA0  }
0x72: {  	[sflag:s6] =	ssyncset.done $0x0  }
0x73: {  	s11 =	simm.s32 $0x1F80;
	[sflag:s6] =	ssyncadd.s32 $0xFFFFF060  }
0x74: {  	[spmem:s2] =	stream.indirect.scatter.add.f32 [tilespmem:s7], [sflag:$0x1], $0x8, s11, s8, $0xb8;
	[tilespmem:$0x4B00] =	vst v63  }
0x75: {  	s11 =	simm.s32 $0x2178  }
0x76: {  	[spmem:s2] =	stream.indirect.scatter.add.f32 [tilespmem:s7], [sflag:$0x1], $0x8, s11, s8, $0xb8;
	[tilespmem:$0x4B00] =	vst v63  }
0x77: {  	_ = 	snop  }
0x78: {  	[spmem:s2] =	stream.indirect.scatter.add.f32 [tilespmem:s7], [sflag:$0x1], $0x8, s12, s8, $0xb8;
	[tilespmem:$0x4B00] =	vst v63  }
0x79: {  	_ = 	snop  }
0x7a: {  	[spmem:s2] =	stream.indirect.scatter.add.f32 [tilespmem:s7], [sflag:$0x1], $0x8, s13, s8, $0xb8;
	[tilespmem:$0x4B00] =	vst v63  }
0x7b: {  	_ =	swait.ge [sflag:s6], $0xFA0  }
0x7c: {  	[sflag:s6] =	ssyncset.done $0x0  }
0x7d: {  	[sflag:s6] =	ssyncadd.s32 $0xFFFFF060  }
0x7e: {  	_ =	swait.ge [sflag:s6], $0xFA0  }
0x7f: {  	[sflag:s6] =	ssyncset.done $0x0  }
0x80: {  	[sflag:s6] =	ssyncadd.s32 $0xFFFFF060  }
0x81: {  	_ =	swait.ge [sflag:s6], $0xFA0  }
0x82: {  	[sflag:s6] =	ssyncset.done $0x0  }
0x83: {  	[sflag:s6] =	ssyncadd.s32 $0xFFFFF060  }
0x84: {  	_ =	swait.ge [sflag:s6], $0xFA0  }
0x85: {  	[sflag:s6] =	ssyncset.done $0x0  }
0x86: {  	p1 =	sne.s32 s0, $0x1;
	[sflag:s6] =	ssyncadd.s32 $0xFFFFF060  }
.Ltmp1:
0x87: {  	[bflag:$0x0] =	sbarrier.arrive $0xFFFF;
	(pc) =	sbr.rel @!p1 .LBB2_2-.Ltmp1, $4  }
0x88: {  	s31 =	sor.u32 $0x1C02, s10;
	[dreg:$0x8] =	wrdreg s10  }
0x89: {  	[hbm:s4], [sflag:s31] =	dma.local [spmem:s5], $0x280  }
0x8a: {  	s0 =	sadd.s32 $0xFFFFFFFF, s0;
	_ =	swait.ge [sflag:s9], $0x280  }
0x8b: {  	p0 =	por $0x1, $0x1;
	s1 =	rddreg [dreg:$0x7];
	[sflag:s9] =	ssyncset.done $0x0  }
.LBB2_3:
0x8c: {  	s3 =	rddreg [dreg:$0x6]  }
0x8d: {  	[sflag:s9] =	ssyncadd.s32 $0xFFFFFD80;
	s10 =	rddreg [dreg:$0x5]  }
0x8e: {  	[tilespmem:s18], [sflag:$0x1] =	stream.linear.gather [hbm4b:s3+s18], $0x2760, $0x38;
	[tilespmem:$0x4B00] =	vst v63  }
0x8f: {  	s11 =	rddreg [dreg:$0x4]  }
0x90: {  	[tilespmem:s7], [sflag:$0x1] =	stream.linear.gather [hbm4b:s11+s18], $0xFA0, $0x38;
	[tilespmem:$0x4B00] =	vst v63  }
0x91: {  	[spmem:s5], [sflag:s1] =	dma.local [hbm:s10], $0x280  }
0x92: {  	_ =	swait.ge [sflag:s6], $0x2760  }
0x93: {  	[sflag:s6] =	ssyncset.done $0x0  }
0x94: {  	[sflag:s6] =	ssyncadd.s32 $0xFFFFD8A0  }
0x95: {  	_ =	swait.ge [sflag:s6], $0xFA0  }
0x96: {  	[sflag:s6] =	ssyncset.done $0x0  }
0x97: {  	[sflag:s6] =	ssyncadd.s32 $0xFFFFF060  }
0x98: {  	_ =	swait.ge [sflag:s6], $0x280  }
0x99: {  	[sflag:s6] =	ssyncset.done $0x0  }
0x9a: {  	[sflag:s6] =	ssyncadd.s32 $0xFFFFFD80  }
0x9b: {  	[bflag:$0x0] =	sbarrier.arrive $0xFFFF  }
0x9c: {  	[spmem:s2] =	stream.indirect.scatter.add.f32 [tilespmem:s7], [sflag:$0x1], $0x8, s18, s8, $0xb8;
	[tilespmem:$0x4B00] =	vst v63  }
0x9d: {  	_ = 	snop  }
0x9e: {  	[spmem:s2] =	stream.indirect.scatter.add.f32 [tilespmem:s7], [sflag:$0x1], $0x8, s28, s8, $0xb8;
	[tilespmem:$0x4B00] =	vst v63  }
0x9f: {  	_ = 	snop  }
0xa0: {  	[spmem:s2] =	stream.indirect.scatter.add.f32 [tilespmem:s7], [sflag:$0x1], $0x8, s29, s8, $0xb8;
	[tilespmem:$0x4B00] =	vst v63  }
0xa1: {  	_ = 	snop  }
0xa2: {  	[spmem:s2] =	stream.indirect.scatter.add.f32 [tilespmem:s7], [sflag:$0x1], $0x8, s30, s8, $0xb8;
	[tilespmem:$0x4B00] =	vst v63  }
0xa3: {  	_ =	swait.ge [sflag:s6], $0xFA0  }
0xa4: {  	[sflag:s6] =	ssyncset.done $0x0  }
0xa5: {  	[sflag:s6] =	ssyncadd.s32 $0xFFFFF060  }
0xa6: {  	_ =	swait.ge [sflag:s6], $0xFA0  }
0xa7: {  	[sflag:s6] =	ssyncset.done $0x0  }
0xa8: {  	[sflag:s6] =	ssyncadd.s32 $0xFFFFF060  }
0xa9: {  	_ =	swait.ge [sflag:s6], $0xFA0  }
0xaa: {  	[sflag:s6] =	ssyncset.done $0x0  }
0xab: {  	[sflag:s6] =	ssyncadd.s32 $0xFFFFF060  }
0xac: {  	_ =	swait.ge [sflag:s6], $0xFA0  }
0xad: {  	[sflag:s6] =	ssyncset.done $0x0  }
0xae: {  	[sflag:s6] =	ssyncadd.s32 $0xFFFFF060  }
0xaf: {  	[spmem:s2] =	stream.indirect.scatter.add.f32 [tilespmem:s7], [sflag:$0x1], $0x8, s23, s8, $0xb8;
	[tilespmem:$0x4B00] =	vst v63  }
0xb0: {  	_ = 	snop  }
0xb1: {  	[spmem:s2] =	stream.indirect.scatter.add.f32 [tilespmem:s7], [sflag:$0x1], $0x8, s24, s8, $0xb8;
	[tilespmem:$0x4B00] =	vst v63  }
0xb2: {  	_ = 	snop  }
0xb3: {  	[spmem:s2] =	stream.indirect.scatter.add.f32 [tilespmem:s7], [sflag:$0x1], $0x8, s25, s8, $0xb8;
	[tilespmem:$0x4B00] =	vst v63  }
0xb4: {  	_ = 	snop  }
0xb5: {  	[spmem:s2] =	stream.indirect.scatter.add.f32 [tilespmem:s7], [sflag:$0x1], $0x8, s26, s8, $0xb8;
	[tilespmem:$0x4B00] =	vst v63  }
0xb6: {  	_ =	swait.ge [sflag:s6], $0xFA0  }
0xb7: {  	[sflag:s6] =	ssyncset.done $0x0  }
0xb8: {  	[sflag:s6] =	ssyncadd.s32 $0xFFFFF060  }
0xb9: {  	_ =	swait.ge [sflag:s6], $0xFA0  }
0xba: {  	[sflag:s6] =	ssyncset.done $0x0  }
0xbb: {  	[sflag:s6] =	ssyncadd.s32 $0xFFFFF060  }
0xbc: {  	_ =	swait.ge [sflag:s6], $0xFA0  }
0xbd: {  	[sflag:s6] =	ssyncset.done $0x0  }
0xbe: {  	[sflag:s6] =	ssyncadd.s32 $0xFFFFF060  }
0xbf: {  	_ =	swait.ge [sflag:s6], $0xFA0  }
0xc0: {  	[sflag:s6] =	ssyncset.done $0x0  }
0xc1: {  	[sflag:s6] =	ssyncadd.s32 $0xFFFFF060  }
0xc2: {  	[spmem:s2] =	stream.indirect.scatter.add.f32 [tilespmem:s7], [sflag:$0x1], $0x8, s19, s8, $0xb8;
	[tilespmem:$0x4B00] =	vst v63  }
0xc3: {  	_ = 	snop  }
0xc4: {  	[spmem:s2] =	stream.indirect.scatter.add.f32 [tilespmem:s7], [sflag:$0x1], $0x8, s20, s8, $0xb8;
	[tilespmem:$0x4B00] =	vst v63  }
0xc5: {  	_ = 	snop  }
0xc6: {  	[spmem:s2] =	stream.indirect.scatter.add.f32 [tilespmem:s7], [sflag:$0x1], $0x8, s21, s8, $0xb8;
	[tilespmem:$0x4B00] =	vst v63  }
0xc7: {  	_ = 	snop  }
0xc8: {  	[spmem:s2] =	stream.indirect.scatter.add.f32 [tilespmem:s7], [sflag:$0x1], $0x8, s22, s8, $0xb8;
	[tilespmem:$0x4B00] =	vst v63  }
0xc9: {  	_ =	swait.ge [sflag:s6], $0xFA0  }
0xca: {  	[sflag:s6] =	ssyncset.done $0x0  }
0xcb: {  	[sflag:s6] =	ssyncadd.s32 $0xFFFFF060  }
0xcc: {  	_ =	swait.ge [sflag:s6], $0xFA0  }
0xcd: {  	[sflag:s6] =	ssyncset.done $0x0  }
0xce: {  	[sflag:s6] =	ssyncadd.s32 $0xFFFFF060  }
0xcf: {  	_ =	swait.ge [sflag:s6], $0xFA0  }
0xd0: {  	[sflag:s6] =	ssyncset.done $0x0  }
0xd1: {  	[sflag:s6] =	ssyncadd.s32 $0xFFFFF060  }
0xd2: {  	_ =	swait.ge [sflag:s6], $0xFA0  }
0xd3: {  	[sflag:s6] =	ssyncset.done $0x0  }
0xd4: {  	[sflag:s6] =	ssyncadd.s32 $0xFFFFF060  }
0xd5: {  	[spmem:s2] =	stream.indirect.scatter.add.f32 [tilespmem:s7], [sflag:$0x1], $0x8, s14, s8, $0xb8;
	[tilespmem:$0x4B00] =	vst v63  }
0xd6: {  	_ = 	snop  }
0xd7: {  	[spmem:s2] =	stream.indirect.scatter.add.f32 [tilespmem:s7], [sflag:$0x1], $0x8, s15, s8, $0xb8;
	[tilespmem:$0x4B00] =	vst v63  }
0xd8: {  	_ = 	snop  }
0xd9: {  	[spmem:s2] =	stream.indirect.scatter.add.f32 [tilespmem:s7], [sflag:$0x1], $0x8, s16, s8, $0xb8;
	[tilespmem:$0x4B00] =	vst v63  }
0xda: {  	_ = 	snop  }
0xdb: {  	[spmem:s2] =	stream.indirect.scatter.add.f32 [tilespmem:s7], [sflag:$0x1], $0x8, s17, s8, $0xb8;
	[tilespmem:$0x4B00] =	vst v63  }
0xdc: {  	_ =	swait.ge [sflag:s6], $0xFA0  }
0xdd: {  	[sflag:s6] =	ssyncset.done $0x0  }
0xde: {  	[sflag:s6] =	ssyncadd.s32 $0xFFFFF060  }
0xdf: {  	_ =	swait.ge [sflag:s6], $0xFA0  }
0xe0: {  	[sflag:s6] =	ssyncset.done $0x0  }
0xe1: {  	[sflag:s6] =	ssyncadd.s32 $0xFFFFF060  }
0xe2: {  	_ =	swait.ge [sflag:s6], $0xFA0  }
0xe3: {  	[sflag:s6] =	ssyncset.done $0x0  }
0xe4: {  	[sflag:s6] =	ssyncadd.s32 $0xFFFFF060  }
0xe5: {  	_ =	swait.ge [sflag:s6], $0xFA0  }
0xe6: {  	[sflag:s6] =	ssyncset.done $0x0  }
0xe7: {  	s3 =	simm.s32 $0x1F80;
	[sflag:s6] =	ssyncadd.s32 $0xFFFFF060  }
0xe8: {  	[spmem:s2] =	stream.indirect.scatter.add.f32 [tilespmem:s7], [sflag:$0x1], $0x8, s3, s8, $0xb8;
	[tilespmem:$0x4B00] =	vst v63  }
0xe9: {  	s11 =	simm.s32 $0x2178  }
0xea: {  	[spmem:s2] =	stream.indirect.scatter.add.f32 [tilespmem:s7], [sflag:$0x1], $0x8, s11, s8, $0xb8;
	[tilespmem:$0x4B00] =	vst v63  }
0xeb: {  	_ = 	snop  }
0xec: {  	[spmem:s2] =	stream.indirect.scatter.add.f32 [tilespmem:s7], [sflag:$0x1], $0x8, s12, s8, $0xb8;
	[tilespmem:$0x4B00] =	vst v63  }
0xed: {  	_ = 	snop  }
0xee: {  	[spmem:s2] =	stream.indirect.scatter.add.f32 [tilespmem:s7], [sflag:$0x1], $0x8, s13, s8, $0xb8;
	[tilespmem:$0x4B00] =	vst v63  }
0xef: {  	_ =	swait.ge [sflag:s6], $0xFA0  }
0xf0: {  	[sflag:s6] =	ssyncset.done $0x0  }
0xf1: {  	[sflag:s6] =	ssyncadd.s32 $0xFFFFF060  }
0xf2: {  	_ =	swait.ge [sflag:s6], $0xFA0  }
0xf3: {  	[sflag:s6] =	ssyncset.done $0x0  }
0xf4: {  	[sflag:s6] =	ssyncadd.s32 $0xFFFFF060  }
0xf5: {  	_ =	swait.ge [sflag:s6], $0xFA0  }
0xf6: {  	[sflag:s6] =	ssyncset.done $0x0  }
0xf7: {  	[sflag:s6] =	ssyncadd.s32 $0xFFFFF060  }
0xf8: {  	_ =	swait.ge [sflag:s6], $0xFA0  }
0xf9: {  	p1 =	sne.s32 s0, $0x1;
	[sflag:s6] =	ssyncset.done $0x0  }
.Ltmp2:
0xfa: {  	[sflag:s6] =	ssyncadd.s32 $0xFFFFF060;
	(pc) =	sbr.rel @p1 .LBB2_3-.Ltmp2, $4  }
0xfb: {  	[bflag:$0x0] =	sbarrier.arrive $0xFFFF  }
0xfc: {  	[hbm:s4], [sflag:s31] =	dma.local [spmem:s5], $0x280  }
0xfd: {  	_ =	swait.ge [sflag:s9], $0x280  }
0xfe: {  	s0 =	sadd.s32 $0xFFFFFFFF, s0;
	s1 =	rddreg [dreg:$0x7];
	[sflag:s9] =	ssyncset.done $0x0  }
0xff: {  	s10 =	rddreg [dreg:$0x3]  }
0x100: {  	s11 =	stileid.u32;
	s31 =	rddreg [dreg:$0x8]  }
.LBB2_5:
0x101: {  	s0 =	rddreg [dreg:$0x6]  }
0x102: {  	[sflag:s9] =	ssyncadd.s32 @p0 $0xFFFFFD80;
	s3 =	rddreg [dreg:$0x5]  }
0x103: {  	[tilespmem:s18], [sflag:$0x1] =	stream.linear.gather [hbm4b:s0+s18], $0x2760, $0x38;
	[tilespmem:$0x4B00] =	vst v63  }
0x104: {  	s0 =	rddreg [dreg:$0x4]  }
0x105: {  	[tilespmem:s7], [sflag:$0x1] =	stream.linear.gather [hbm4b:s0+s18], $0xFA0, $0x38;
	[tilespmem:$0x4B00] =	vst v63  }
0x106: {  	[spmem:s5], [sflag:s1] =	dma.local [hbm:s3], $0x280  }
0x107: {  	_ =	swait.ge [sflag:s6], $0x2760  }
0x108: {  	[sflag:s6] =	ssyncset.done $0x0  }
0x109: {  	[sflag:s6] =	ssyncadd.s32 $0xFFFFD8A0  }
0x10a: {  	_ =	swait.ge [sflag:s6], $0xFA0  }
0x10b: {  	[sflag:s6] =	ssyncset.done $0x0  }
0x10c: {  	[sflag:s6] =	ssyncadd.s32 $0xFFFFF060  }
0x10d: {  	_ =	swait.ge [sflag:s6], $0x280  }
0x10e: {  	[sflag:s6] =	ssyncset.done $0x0  }
0x10f: {  	[sflag:s6] =	ssyncadd.s32 $0xFFFFFD80  }
0x110: {  	[bflag:$0x0] =	sbarrier.arrive $0xFFFF  }
0x111: {  	[spmem:s2] =	stream.indirect.scatter.add.f32 [tilespmem:s7], [sflag:$0x1], $0x8, s18, s8, $0xb8;
	[tilespmem:$0x4B00] =	vst v63  }
0x112: {  	_ = 	snop  }
0x113: {  	[spmem:s2] =	stream.indirect.scatter.add.f32 [tilespmem:s7], [sflag:$0x1], $0x8, s28, s8, $0xb8;
	[tilespmem:$0x4B00] =	vst v63  }
0x114: {  	_ = 	snop  }
0x115: {  	[spmem:s2] =	stream.indirect.scatter.add.f32 [tilespmem:s7], [sflag:$0x1], $0x8, s29, s8, $0xb8;
	[tilespmem:$0x4B00] =	vst v63  }
0x116: {  	_ = 	snop  }
0x117: {  	[spmem:s2] =	stream.indirect.scatter.add.f32 [tilespmem:s7], [sflag:$0x1], $0x8, s30, s8, $0xb8;
	[tilespmem:$0x4B00] =	vst v63  }
0x118: {  	_ =	swait.ge [sflag:s6], $0xFA0  }
0x119: {  	[sflag:s6] =	ssyncset.done $0x0  }
0x11a: {  	[sflag:s6] =	ssyncadd.s32 $0xFFFFF060  }
0x11b: {  	_ =	swait.ge [sflag:s6], $0xFA0  }
0x11c: {  	[sflag:s6] =	ssyncset.done $0x0  }
0x11d: {  	[sflag:s6] =	ssyncadd.s32 $0xFFFFF060  }
0x11e: {  	_ =	swait.ge [sflag:s6], $0xFA0  }
0x11f: {  	[sflag:s6] =	ssyncset.done $0x0  }
0x120: {  	[sflag:s6] =	ssyncadd.s32 $0xFFFFF060  }
0x121: {  	_ =	swait.ge [sflag:s6], $0xFA0  }
0x122: {  	[sflag:s6] =	ssyncset.done $0x0  }
0x123: {  	[sflag:s6] =	ssyncadd.s32 $0xFFFFF060  }
0x124: {  	[spmem:s2] =	stream.indirect.scatter.add.f32 [tilespmem:s7], [sflag:$0x1], $0x8, s23, s8, $0xb8;
	[tilespmem:$0x4B00] =	vst v63  }
0x125: {  	_ = 	snop  }
0x126: {  	[spmem:s2] =	stream.indirect.scatter.add.f32 [tilespmem:s7], [sflag:$0x1], $0x8, s24, s8, $0xb8;
	[tilespmem:$0x4B00] =	vst v63  }
0x127: {  	_ = 	snop  }
0x128: {  	[spmem:s2] =	stream.indirect.scatter.add.f32 [tilespmem:s7], [sflag:$0x1], $0x8, s25, s8, $0xb8;
	[tilespmem:$0x4B00] =	vst v63  }
0x129: {  	_ = 	snop  }
0x12a: {  	[spmem:s2] =	stream.indirect.scatter.add.f32 [tilespmem:s7], [sflag:$0x1], $0x8, s26, s8, $0xb8;
	[tilespmem:$0x4B00] =	vst v63  }
0x12b: {  	_ =	swait.ge [sflag:s6], $0xFA0  }
0x12c: {  	[sflag:s6] =	ssyncset.done $0x0  }
0x12d: {  	[sflag:s6] =	ssyncadd.s32 $0xFFFFF060  }
0x12e: {  	_ =	swait.ge [sflag:s6], $0xFA0  }
0x12f: {  	[sflag:s6] =	ssyncset.done $0x0  }
0x130: {  	[sflag:s6] =	ssyncadd.s32 $0xFFFFF060  }
0x131: {  	_ =	swait.ge [sflag:s6], $0xFA0  }
0x132: {  	[sflag:s6] =	ssyncset.done $0x0  }
0x133: {  	[sflag:s6] =	ssyncadd.s32 $0xFFFFF060  }
0x134: {  	_ =	swait.ge [sflag:s6], $0xFA0  }
0x135: {  	[sflag:s6] =	ssyncset.done $0x0  }
0x136: {  	[sflag:s6] =	ssyncadd.s32 $0xFFFFF060  }
0x137: {  	[spmem:s2] =	stream.indirect.scatter.add.f32 [tilespmem:s7], [sflag:$0x1], $0x8, s19, s8, $0xb8;
	[tilespmem:$0x4B00] =	vst v63  }
0x138: {  	_ = 	snop  }
0x139: {  	[spmem:s2] =	stream.indirect.scatter.add.f32 [tilespmem:s7], [sflag:$0x1], $0x8, s20, s8, $0xb8;
	[tilespmem:$0x4B00] =	vst v63  }
0x13a: {  	_ = 	snop  }
0x13b: {  	[spmem:s2] =	stream.indirect.scatter.add.f32 [tilespmem:s7], [sflag:$0x1], $0x8, s21, s8, $0xb8;
	[tilespmem:$0x4B00] =	vst v63  }
0x13c: {  	_ = 	snop  }
0x13d: {  	[spmem:s2] =	stream.indirect.scatter.add.f32 [tilespmem:s7], [sflag:$0x1], $0x8, s22, s8, $0xb8;
	[tilespmem:$0x4B00] =	vst v63  }
0x13e: {  	_ =	swait.ge [sflag:s6], $0xFA0  }
0x13f: {  	[sflag:s6] =	ssyncset.done $0x0  }
0x140: {  	[sflag:s6] =	ssyncadd.s32 $0xFFFFF060  }
0x141: {  	_ =	swait.ge [sflag:s6], $0xFA0  }
0x142: {  	[sflag:s6] =	ssyncset.done $0x0  }
0x143: {  	[sflag:s6] =	ssyncadd.s32 $0xFFFFF060  }
0x144: {  	_ =	swait.ge [sflag:s6], $0xFA0  }
0x145: {  	[sflag:s6] =	ssyncset.done $0x0  }
0x146: {  	[sflag:s6] =	ssyncadd.s32 $0xFFFFF060  }
0x147: {  	_ =	swait.ge [sflag:s6], $0xFA0  }
0x148: {  	[sflag:s6] =	ssyncset.done $0x0  }
0x149: {  	[sflag:s6] =	ssyncadd.s32 $0xFFFFF060  }
0x14a: {  	[spmem:s2] =	stream.indirect.scatter.add.f32 [tilespmem:s7], [sflag:$0x1], $0x8, s14, s8, $0xb8;
	[tilespmem:$0x4B00] =	vst v63  }
0x14b: {  	_ = 	snop  }
0x14c: {  	[spmem:s2] =	stream.indirect.scatter.add.f32 [tilespmem:s7], [sflag:$0x1], $0x8, s15, s8, $0xb8;
	[tilespmem:$0x4B00] =	vst v63  }
0x14d: {  	_ = 	snop  }
0x14e: {  	[spmem:s2] =	stream.indirect.scatter.add.f32 [tilespmem:s7], [sflag:$0x1], $0x8, s16, s8, $0xb8;
	[tilespmem:$0x4B00] =	vst v63  }
0x14f: {  	_ = 	snop  }
0x150: {  	[spmem:s2] =	stream.indirect.scatter.add.f32 [tilespmem:s7], [sflag:$0x1], $0x8, s17, s8, $0xb8;
	[tilespmem:$0x4B00] =	vst v63  }
0x151: {  	_ =	swait.ge [sflag:s6], $0xFA0  }
0x152: {  	[sflag:s6] =	ssyncset.done $0x0  }
0x153: {  	[sflag:s6] =	ssyncadd.s32 $0xFFFFF060  }
0x154: {  	_ =	swait.ge [sflag:s6], $0xFA0  }
0x155: {  	[sflag:s6] =	ssyncset.done $0x0  }
0x156: {  	[sflag:s6] =	ssyncadd.s32 $0xFFFFF060  }
0x157: {  	_ =	swait.ge [sflag:s6], $0xFA0  }
0x158: {  	[sflag:s6] =	ssyncset.done $0x0  }
0x159: {  	[sflag:s6] =	ssyncadd.s32 $0xFFFFF060  }
0x15a: {  	_ =	swait.ge [sflag:s6], $0xFA0  }
0x15b: {  	[sflag:s6] =	ssyncset.done $0x0  }
0x15c: {  	s29 =	simm.s32 $0x1F80;
	[sflag:s6] =	ssyncadd.s32 $0xFFFFF060  }
0x15d: {  	[spmem:s2] =	stream.indirect.scatter.add.f32 [tilespmem:s7], [sflag:$0x1], $0x8, s29, s8, $0xb8;
	[tilespmem:$0x4B00] =	vst v63  }
0x15e: {  	s30 =	simm.s32 $0x2178  }
0x15f: {  	[spmem:s2] =	stream.indirect.scatter.add.f32 [tilespmem:s7], [sflag:$0x1], $0x8, s30, s8, $0xb8;
	[tilespmem:$0x4B00] =	vst v63  }
0x160: {  	_ = 	snop  }
0x161: {  	[spmem:s2] =	stream.indirect.scatter.add.f32 [tilespmem:s7], [sflag:$0x1], $0x8, s12, s8, $0xb8;
	[tilespmem:$0x4B00] =	vst v63  }
0x162: {  	_ = 	snop  }
0x163: {  	[spmem:s2] =	stream.indirect.scatter.add.f32 [tilespmem:s7], [sflag:$0x1], $0x8, s13, s8, $0xb8;
	[tilespmem:$0x4B00] =	vst v63  }
0x164: {  	_ =	swait.ge [sflag:s6], $0xFA0  }
0x165: {  	[sflag:s6] =	ssyncset.done $0x0  }
0x166: {  	[sflag:s6] =	ssyncadd.s32 $0xFFFFF060  }
0x167: {  	_ =	swait.ge [sflag:s6], $0xFA0  }
0x168: {  	[sflag:s6] =	ssyncset.done $0x0  }
0x169: {  	[sflag:s6] =	ssyncadd.s32 $0xFFFFF060  }
0x16a: {  	_ =	swait.ge [sflag:s6], $0xFA0  }
0x16b: {  	[sflag:s6] =	ssyncset.done $0x0  }
0x16c: {  	[sflag:s6] =	ssyncadd.s32 $0xFFFFF060  }
0x16d: {  	_ =	swait.ge [sflag:s6], $0xFA0  }
0x16e: {  	[sflag:s6] =	ssyncset.done $0x0  }
0x16f: {  	[sflag:s6] =	ssyncadd.s32 $0xFFFFF060  }
0x170: {  	s31 =	sor.u32 $0x1C02, s31;
	[bflag:$0x0] =	sbarrier.arrive $0xFFFF  }
0x171: {  	[hbm:s4], [sflag:s31] =	dma.local [spmem:s5], $0x280  }
0x172: {  	_ =	swait.ge [sflag:s9], $0x280  }
0x173: {  	[sflag:s9] =	ssyncset.done $0x0  }
0x174: {  	[sflag:s9] =	ssyncadd.s32 $0xFFFFFD80  }
0x175: {  	_ =	sfence.sel $0x180000  }
0x176: {  	[bflag:$0x0] =	sbarrier.arrive $0xFFFF  }
0x177: {  	p0 =	sne.s32 s11, $0x0;
	_ =	strace $0x90000047  }
0x178: {  	s0 =	sadd.s32 @!p0 $0x100000, s10;
	[bflag:$0x2] =	sbarrier.arrive $0xFFFF  }
0x179: {  	[sflag:s0] =	ssyncadd.tile.s32 @!p0 $0x1;
	_ =	shalt  }
.LBB2_2:
.Ltmp3:
0x17a: {  	(pc) =	sbr.rel .LBB2_5-.Ltmp3, $3  }
0x17b: {  	_ =	sdelay $0x1  }
0x17c: {  	s10 =	rddreg [dreg:$0x3]  }
0x17d: {  	s11 =	stileid.u32;
	s31 =	rddreg [dreg:$0x8]  }
.Lfunc_end2:
_tile_overlayer_lowered:
.L_overlay_start_2:
0x17e: {  	(tag) =	ssettag $0x2  }
0x17f: {  	s0 =	rddreg [dreg:$0x0];
	s2 =	stileid.u32  }
0x180: {  	s1 =	rddreg [dreg:$0x1];
	p0 =	sne.s32 s2, $0x0  }
0x181: {  	s3 =	rddreg [dreg:$0x2];
	[bflag:$0x3] =	sbarrier.arrive $0xFFFF;
	s2 =	simm.s32 @!p0 $0x1C02  }
0x182: {  	[timem:s3], [sflag:s2] =	dma.local @!p0 [hbm:s0], s1  }
0x183: {  	s0 =	simm.s32 @!p0 $0x2  }
0x184: {  	_ =	swait.ge @!p0 [sflag:s0], s1  }
0x185: {  	s1 =	ssub.s32 @!p0 $0x0, s1;
	[sflag:s0] =	ssyncset.done @!p0 $0x0  }
0x186: {  	[sflag:s0] =	ssyncadd.s32 @!p0 s1  }
0x187: {  	[bflag:$0x3] =	sbarrier.arrive $0xFFFF  }
0x188: {  	_ =	shalt  }

</sc_bundles>
